<compile_context>
chip_gen: v7x
topology: tpu7x:2x2x1
jax: 0.10.2.dev20260603
libtpu: 0.0.44.dev20260713+nightly
codegen_flags: <defaults>
</compile_context>

<pallas_src>
import jax
import jax.numpy as jnp
from jax import lax
from jax.experimental import pallas as pl
from jax.experimental.pallas import tpu as pltpu
from jax.experimental.pallas import tpu_sc as plsc

_NC, _NS, _L = 2, 16, 16
_NW = _NC * _NS
_UCELLS = 128
_NPIECES = 2


def _dg(vec, idx):
    return lax.gather(
        vec, idx[:, None],
        dimension_numbers=lax.GatherDimensionNumbers(
            offset_dims=(), collapsed_slice_dims=(0,), start_index_map=(0,)),
        slice_sizes=(1,), mode=lax.GatherScatterMode.PROMISE_IN_BOUNDS)


def _cell(x):
    u = plsc.bitcast(x.astype(jnp.int32), jnp.uint32)
    return plsc.bitcast(jnp.minimum(u, jnp.uint32(_UCELLS - 1)), jnp.int32)


def _body(x_hbm, aa_hbm, ma_hbm, out_hbm, x_v, y_v, u_v, u2_v, aa_v, ma_v,
          isem, osem, asem):
    n = x_hbm.shape[0]
    chunk = n // _NW
    piece = chunk // _NPIECES
    wid = lax.axis_index("s") * _NC + lax.axis_index("c")
    base = wid * chunk

    in_dmas = []
    for p in range(_NPIECES):
        d = pltpu.make_async_copy(
            x_hbm.at[pl.ds(base + p * piece, piece)],
            x_v.at[pl.ds(p * piece, piece)], isem.at[p])
        d.start()
        in_dmas.append(d)

    aa_dma = pltpu.make_async_copy(aa_hbm, aa_v, asem.at[0])
    ma_dma = pltpu.make_async_copy(ma_hbm, ma_v, asem.at[1])
    aa_dma.start()
    ma_dma.start()
    aa_dma.wait()
    ma_dma.wait()
    a = ma_v[...]
    v = aa_v[...]
    io = lax.iota(jnp.int32, _L)
    ip1 = jnp.minimum(io + 1, _L - 1)
    da = jnp.where(io < _L - 1, _dg(a, ip1) - a, 1.0)
    slope = (_dg(v, ip1) - v) / da
    inter = v - slope * a

    for g in range(_UCELLS // _L):
        c = (io + g * _L).astype(jnp.float32)
        cnt = jnp.zeros((_L,), jnp.int32)
        for k in range(_L):
            ak = _dg(a, jnp.full((_L,), k, jnp.int32))
            cnt = cnt + jnp.where(ak <= c, 1, 0)
        u_v[pl.ds(g * _L, _L)] = cnt

    im1 = jnp.maximum(io - 1, 0)
    slope_s = _dg(slope, im1)
    inter_s = _dg(inter, im1)

    integral = lax.reduce_and(a.astype(jnp.int32).astype(jnp.float32) == a,
                              axes=(0,))
    for g in range(_UCELLS // _L):
        s0 = u_v[pl.ds(g * _L, _L)]
        seg = jnp.minimum(s0, _L - 1) - 1
        u2_v[pl.ds(g * _L, _L)] = seg

    def _pieces(loop_builder):
        for p in range(_NPIECES):
            in_dmas[p].wait()
            lo = p * piece
            loop_builder(lo)
            pltpu.make_async_copy(
                y_v.at[pl.ds(lo, piece)],
                out_hbm.at[pl.ds(base + lo, piece)], osem.at[p]).start()

    def _fast():
        def build(lo):
            @plsc.parallel_loop(lo, lo + piece, _L, unroll=8)
            def _loop(off):
                x = x_v[pl.ds(off, _L)]
                ci = _cell(x)
                seg = plsc.load_gather(u2_v, [ci])
                y_v[pl.ds(off, _L)] = _dg(slope, seg) * x + _dg(inter, seg)
        _pieces(build)

    def _general():
        def build(lo):
            @plsc.parallel_loop(lo, lo + piece, _L, unroll=8)
            def _loop(off):
                x = x_v[pl.ds(off, _L)]
                ci = _cell(x)
                s0 = plsc.load_gather(u_v, [ci])
                an = _dg(a, jnp.minimum(s0, _L - 1))
                s = jnp.minimum(s0 + jnp.where(x >= an, 1, 0), _L - 1)
                y_v[pl.ds(off, _L)] = _dg(slope_s, s) * x + _dg(inter_s, s)
        _pieces(build)

    lax.cond(integral, _fast, _general)

    for p in range(_NPIECES):
        lo = p * piece
        pltpu.make_async_copy(
            y_v.at[pl.ds(lo, piece)],
            out_hbm.at[pl.ds(base + lo, piece)], osem.at[p]).wait()


def kernel(morphological_age, anny_age_anchors, morphological_age_anchors):
    n = morphological_age.shape[0]
    chunk = n // _NW
    mesh = plsc.VectorSubcoreMesh(core_axis_name="c", subcore_axis_name="s")
    run = pl.kernel(
        _body,
        out_type=jax.ShapeDtypeStruct((n,), jnp.float32),
        mesh=mesh,
        compiler_params=pltpu.CompilerParams(needs_layout_passes=False),
        scratch_types=[
            pltpu.VMEM((chunk,), jnp.float32),
            pltpu.VMEM((chunk,), jnp.float32),
            pltpu.VMEM((_UCELLS,), jnp.int32),
            pltpu.VMEM((_UCELLS,), jnp.int32),
            pltpu.VMEM((_L,), jnp.float32),
            pltpu.VMEM((_L,), jnp.float32),
            pltpu.SemaphoreType.DMA((_NPIECES,)),
            pltpu.SemaphoreType.DMA((_NPIECES,)),
            pltpu.SemaphoreType.DMA((2,)),
        ],
    )
    return run(morphological_age, anny_age_anchors, morphological_age_anchors)

# --- scband reference (transcript-rebuilt; emitter-appended) ---
"""Pipeline reference for scband-morphological-age-mapping-5506148074132 (READ-ONLY COPY).

The authoritative reference and input builder live on the scoring server;
editing this copy changes nothing except your own understanding.
"""

import jax, jax.numpy as jnp
import numpy as np

N = 1048576
ANNY_AGE_ANCHORS = jnp.array([0.0, 0.05, 0.1, 0.16, 0.24, 0.32, 0.4, 0.5, 0.58, 0.68, 0.76, 0.84, 0.9, 0.94, 0.97, 1.0], dtype=jnp.float32)
MORPH_AGE_ANCHORS = jnp.array([0.0, 2.0, 5.0, 8.0, 12.0, 16.0, 20.0, 25.0, 30.0, 38.0, 46.0, 55.0, 64.0, 72.0, 82.0, 95.0], dtype=jnp.float32)


def linear_interpolation_coefficients(x, anchors):
    # Piecewise-linear interpolation coefficients with extrapolation,
    # faithful to anny.utils.interpolation.linear_interpolation_coefficients:
    # returns coeffs[B, K] s.t. coeffs @ values = interp(x).
    K = anchors.shape[0]
    idx = jnp.clip(jnp.searchsorted(anchors, x, side='right'), 1, K - 1)
    left = idx - 1
    a_l = jnp.take(anchors, left)
    a_r = jnp.take(anchors, idx)
    t = (x - a_l) / (a_r - a_l)  # extrapolate=True: t may lie outside [0, 1]
    rows = jnp.arange(x.shape[0])
    coeffs = jnp.zeros((x.shape[0], K), dtype=x.dtype)
    coeffs = coeffs.at[rows, left].set(1.0 - t)
    coeffs = coeffs.at[rows, idx].add(t)
    return coeffs


def setup_inputs(seed: int = 0) -> dict:
    key = jax.random.key(seed)
    # uniform ages scaled to span the morphological anchor range [0, 95+]
    morphological_age = jax.random.uniform(key, (N,), dtype=jnp.float32) * 100.0
    return {
        'morphological_age': morphological_age,
        'anny_age_anchors': ANNY_AGE_ANCHORS,
        'morphological_age_anchors': MORPH_AGE_ANCHORS,
    }


def reference(morphological_age, anny_age_anchors, morphological_age_anchors):
    # MorphologicalAgeMapping.morphological_to_anny_age
    coeffs = linear_interpolation_coefficients(morphological_age, morphological_age_anchors)
    anny_age = jnp.einsum('bk,k->b', coeffs, anny_age_anchors)
    return anny_age

if __name__ == "__main__":
    import jax
    _d = setup_inputs()
    print(jax.jit(kernel)(*tuple(_d.values())))

</pallas_src>

<mosaic_0001>
#map = affine_map<(d0, d1) -> (0)>
module attributes {stable_mosaic.version = 14 : i64} {
  func.func @_body(%arg0: i32, %arg1: i32, %arg2: memref<1048576xf32, #tpu.memory_space<hbm>>, %arg3: memref<16xf32, #tpu.memory_space<hbm>>, %arg4: memref<16xf32, #tpu.memory_space<hbm>>, %arg5: memref<1048576xf32, #tpu.memory_space<hbm>>, %arg6: memref<32768xf32, #tpu.memory_space<vmem>>, %arg7: memref<32768xf32, #tpu.memory_space<vmem>>, %arg8: memref<128xi32, #tpu.memory_space<vmem>>, %arg9: memref<128xi32, #tpu.memory_space<vmem>>, %arg10: memref<16xf32, #tpu.memory_space<vmem>>, %arg11: memref<16xf32, #tpu.memory_space<vmem>>, %arg12: memref<2x!tpu.dma_semaphore, #tpu.memory_space<semaphore_mem>>, %arg13: memref<2x!tpu.dma_semaphore, #tpu.memory_space<semaphore_mem>>, %arg14: memref<2x!tpu.dma_semaphore, #tpu.memory_space<semaphore_mem>>) attributes {dimension_semantics = [#tpu.dimension_semantics<core_parallel>, #tpu.dimension_semantics<subcore_parallel>], iteration_bounds = array<i64: 2, 16>, scalar_prefetch = 0 : i64, scratch_operands = 9 : i64, tpu.core_type = #tpu.core_type<sc_vector_subcore>, window_params = [{transform_indices = #map}, {transform_indices = #map}, {transform_indices = #map}, {transform_indices = #map}]} {
    %mul3A = arith.constant 2 : i32
    %mul3A_0 = arith.muli %arg1, %mul3A : i32
    %add3A = arith.addi %mul3A_0, %arg0 : i32
    %mul3A_1 = arith.constant 32768 : i32
    %mul3A_2 = arith.muli %add3A, %mul3A_1 : i32
    %add3A_3 = arith.constant 0 : i32
    %add3A_4 = arith.addi %mul3A_2, %add3A_3 : i32
    %dma_start3A = arith.constant 0 : i32
    %dma_start3A_5 = arith.constant 0 : i32
    %dma_start3A_6 = tpu.memref_slice %arg6[%dma_start3A_5] : memref<32768xf32, #tpu.memory_space<vmem>> -> memref<16384xf32, #tpu.memory_space<vmem>>
    %dma_start3A_7 = tpu.memref_slice %arg2[%add3A_4] : memref<1048576xf32, #tpu.memory_space<hbm>> -> memref<16384xf32, #tpu.memory_space<hbm>>
    %dma_start3A_8 = tpu.memref_slice %arg12[%dma_start3A] : memref<2x!tpu.dma_semaphore, #tpu.memory_space<semaphore_mem>> -> memref<1x!tpu.dma_semaphore, #tpu.memory_space<semaphore_mem>>
    %dma_start3A_9 = tpu.memref_squeeze %dma_start3A_8 : memref<1x!tpu.dma_semaphore, #tpu.memory_space<semaphore_mem>> -> memref<!tpu.dma_semaphore, #tpu.memory_space<semaphore_mem>>
    %dma_start3A_10 = arith.constant 0 : i32
    %dma_start3A_11 = tpu.memref_slice %arg6[%dma_start3A_10] : memref<32768xf32, #tpu.memory_space<vmem>> -> memref<16384xf32, #tpu.memory_space<vmem>>
    %dma_start3A_12 = tpu.memref_slice %arg2[%add3A_4] : memref<1048576xf32, #tpu.memory_space<hbm>> -> memref<16384xf32, #tpu.memory_space<hbm>>
    tpu.enqueue_dma source(%dma_start3A_12 : memref<16384xf32, #tpu.memory_space<hbm>>) target(%dma_start3A_11 : memref<16384xf32, #tpu.memory_space<vmem>>) target_semaphore(%dma_start3A_9 : memref<!tpu.dma_semaphore, #tpu.memory_space<semaphore_mem>>)
    %add3A_13 = arith.constant 16384 : i32
    %add3A_14 = arith.addi %mul3A_2, %add3A_13 : i32
    %dma_start3A_15 = arith.constant 1 : i32
    %dma_start3A_16 = arith.constant 16384 : i32
    %dma_start3A_17 = tpu.memref_slice %arg6[%dma_start3A_16] : memref<32768xf32, #tpu.memory_space<vmem>> -> memref<16384xf32, #tpu.memory_space<vmem>>
    %dma_start3A_18 = tpu.memref_slice %arg2[%add3A_14] : memref<1048576xf32, #tpu.memory_space<hbm>> -> memref<16384xf32, #tpu.memory_space<hbm>>
    %dma_start3A_19 = tpu.memref_slice %arg12[%dma_start3A_15] : memref<2x!tpu.dma_semaphore, #tpu.memory_space<semaphore_mem>> -> memref<1x!tpu.dma_semaphore, #tpu.memory_space<semaphore_mem>>
    %dma_start3A_20 = tpu.memref_squeeze %dma_start3A_19 : memref<1x!tpu.dma_semaphore, #tpu.memory_space<semaphore_mem>> -> memref<!tpu.dma_semaphore, #tpu.memory_space<semaphore_mem>>
    %dma_start3A_21 = arith.constant 16384 : i32
    %dma_start3A_22 = tpu.memref_slice %arg6[%dma_start3A_21] : memref<32768xf32, #tpu.memory_space<vmem>> -> memref<16384xf32, #tpu.memory_space<vmem>>
    %dma_start3A_23 = tpu.memref_slice %arg2[%add3A_14] : memref<1048576xf32, #tpu.memory_space<hbm>> -> memref<16384xf32, #tpu.memory_space<hbm>>
    tpu.enqueue_dma source(%dma_start3A_23 : memref<16384xf32, #tpu.memory_space<hbm>>) target(%dma_start3A_22 : memref<16384xf32, #tpu.memory_space<vmem>>) target_semaphore(%dma_start3A_20 : memref<!tpu.dma_semaphore, #tpu.memory_space<semaphore_mem>>)
    %dma_start3A_24 = arith.constant 0 : i32
    %dma_start3A_25 = tpu.memref_slice %arg14[%dma_start3A_24] : memref<2x!tpu.dma_semaphore, #tpu.memory_space<semaphore_mem>> -> memref<1x!tpu.dma_semaphore, #tpu.memory_space<semaphore_mem>>
    %dma_start3A_26 = tpu.memref_squeeze %dma_start3A_25 : memref<1x!tpu.dma_semaphore, #tpu.memory_space<semaphore_mem>> -> memref<!tpu.dma_semaphore, #tpu.memory_space<semaphore_mem>>
    tpu.enqueue_dma source(%arg3 : memref<16xf32, #tpu.memory_space<hbm>>) target(%arg10 : memref<16xf32, #tpu.memory_space<vmem>>) target_semaphore(%dma_start3A_26 : memref<!tpu.dma_semaphore, #tpu.memory_space<semaphore_mem>>)
    %dma_start3A_27 = arith.constant 1 : i32
    %dma_start3A_28 = tpu.memref_slice %arg14[%dma_start3A_27] : memref<2x!tpu.dma_semaphore, #tpu.memory_space<semaphore_mem>> -> memref<1x!tpu.dma_semaphore, #tpu.memory_space<semaphore_mem>>
    %dma_start3A_29 = tpu.memref_squeeze %dma_start3A_28 : memref<1x!tpu.dma_semaphore, #tpu.memory_space<semaphore_mem>> -> memref<!tpu.dma_semaphore, #tpu.memory_space<semaphore_mem>>
    tpu.enqueue_dma source(%arg4 : memref<16xf32, #tpu.memory_space<hbm>>) target(%arg11 : memref<16xf32, #tpu.memory_space<vmem>>) target_semaphore(%dma_start3A_29 : memref<!tpu.dma_semaphore, #tpu.memory_space<semaphore_mem>>)
    %dma_wait3A = arith.constant 0 : i32
    %dma_wait3A_30 = tpu.memref_slice %arg14[%dma_wait3A] : memref<2x!tpu.dma_semaphore, #tpu.memory_space<semaphore_mem>> -> memref<1x!tpu.dma_semaphore, #tpu.memory_space<semaphore_mem>>
    %dma_wait3A_31 = tpu.memref_squeeze %dma_wait3A_30 : memref<1x!tpu.dma_semaphore, #tpu.memory_space<semaphore_mem>> -> memref<!tpu.dma_semaphore, #tpu.memory_space<semaphore_mem>>
    tpu.wait_dma2 semaphore(%dma_wait3A_31 : memref<!tpu.dma_semaphore, #tpu.memory_space<semaphore_mem>>) src(%arg3 : memref<16xf32, #tpu.memory_space<hbm>>) dst(%arg10 : memref<16xf32, #tpu.memory_space<vmem>>)
    %dma_wait3A_32 = arith.constant 1 : i32
    %dma_wait3A_33 = tpu.memref_slice %arg14[%dma_wait3A_32] : memref<2x!tpu.dma_semaphore, #tpu.memory_space<semaphore_mem>> -> memref<1x!tpu.dma_semaphore, #tpu.memory_space<semaphore_mem>>
    %dma_wait3A_34 = tpu.memref_squeeze %dma_wait3A_33 : memref<1x!tpu.dma_semaphore, #tpu.memory_space<semaphore_mem>> -> memref<!tpu.dma_semaphore, #tpu.memory_space<semaphore_mem>>
    tpu.wait_dma2 semaphore(%dma_wait3A_34 : memref<!tpu.dma_semaphore, #tpu.memory_space<semaphore_mem>>) src(%arg4 : memref<16xf32, #tpu.memory_space<hbm>>) dst(%arg11 : memref<16xf32, #tpu.memory_space<vmem>>)
    %get3A = arith.constant 0 : index
    %get3A_35 = tpu.vector_load %arg11[%get3A] {strides = array<i32>} : memref<16xf32, #tpu.memory_space<vmem>>, vector<16xf32>,
    %get3A_36 = arith.constant 0 : index
    %get3A_37 = tpu.vector_load %arg10[%get3A_36] {strides = array<i32>} : memref<16xf32, #tpu.memory_space<vmem>>, vector<16xf32>,
    %iota3A = tpu.iota {dimensions = array<i32: 0>} : vector<16xi32>
    %add3A_38 = arith.constant 1 : i32
    %add3A_39 = vector.broadcast %add3A_38 : i32 to vector<16xi32>
    %add3A_40 = arith.addi %iota3A, %add3A_39 : vector<16xi32>
    %min3A = arith.constant 15 : i32
    %min3A_41 = vector.broadcast %min3A : i32 to vector<16xi32>
    %min3A_42 = arith.minsi %add3A_40, %min3A_41 : vector<16xi32>
    %lt3A = arith.constant 15 : i32
    %lt3A_43 = vector.broadcast %lt3A : i32 to vector<16xi32>
    %lt3A_44 = arith.cmpi slt, %iota3A, %lt3A_43 : vector<16xi32>
    %broadcast_in_dim3A = vector.shape_cast %min3A_42 : vector<16xi32> to vector<16x1xi32>
    %gather3A = vector.shape_cast %broadcast_in_dim3A : vector<16x1xi32> to vector<16xi32>
    %gather3A_45 = tpu.dynamic_gather %get3A_35[%gather3A] in [0] : vector<16xf32>, vector<16xi32> -> vector<16xf32>
    %sub3A = arith.subf %gather3A_45, %get3A_35 : vector<16xf32>
    %jit3A = arith.constant 1.000000e+00 : f32
    %broadcast_in_dim3A_46 = vector.broadcast %jit3A : f32 to vector<16xf32>
    %select_n3A = arith.select %lt3A_44, %sub3A, %broadcast_in_dim3A_46 : vector<16xi1>, vector<16xf32>
    %broadcast_in_dim3A_47 = vector.shape_cast %min3A_42 : vector<16xi32> to vector<16x1xi32>
    %gather3A_48 = vector.shape_cast %broadcast_in_dim3A_47 : vector<16x1xi32> to vector<16xi32>
    %gather3A_49 = tpu.dynamic_gather %get3A_37[%gather3A_48] in [0] : vector<16xf32>, vector<16xi32> -> vector<16xf32>
    %sub3A_50 = arith.subf %gather3A_49, %get3A_37 : vector<16xf32>
    %div3A = arith.divf %sub3A_50, %select_n3A : vector<16xf32>
    %mul3A_51 = arith.mulf %div3A, %get3A_35 : vector<16xf32>
    %sub3A_52 = arith.subf %get3A_37, %mul3A_51 : vector<16xf32>
    %add3A_53 = arith.constant 0 : i32
    %add3A_54 = vector.broadcast %add3A_53 : i32 to vector<16xi32>
    %add3A_55 = arith.addi %iota3A, %add3A_54 : vector<16xi32>
    %convert_element_type3A = arith.sitofp %add3A_55 : vector<16xi32> to vector<16xf32>
    %broadcast_in_dim3A_56 = arith.constant 0 : i32
    %broadcast_in_dim3A_57 = vector.broadcast %broadcast_in_dim3A_56 : i32 to vector<16xi32>
    %broadcast_in_dim3A_58 = arith.constant 0 : i32
    %broadcast_in_dim3A_59 = vector.broadcast %broadcast_in_dim3A_58 : i32 to vector<16xi32>
    %broadcast_in_dim3A_60 = vector.shape_cast %broadcast_in_dim3A_59 : vector<16xi32> to vector<16x1xi32>
    %gather3A_61 = vector.shape_cast %broadcast_in_dim3A_60 : vector<16x1xi32> to vector<16xi32>
    %gather3A_62 = tpu.dynamic_gather %get3A_35[%gather3A_61] in [0] : vector<16xf32>, vector<16xi32> -> vector<16xf32>
    %le3A = arith.cmpf ole, %gather3A_62, %convert_element_type3A : vector<16xf32>
    %jit3A_63 = arith.constant 1 : i32
    %jit3A_64 = arith.constant 0 : i32
    %broadcast_in_dim3A_65 = vector.broadcast %jit3A_63 : i32 to vector<16xi32>
    %broadcast_in_dim3A_66 = vector.broadcast %jit3A_64 : i32 to vector<16xi32>
    %select_n3A_67 = arith.select %le3A, %broadcast_in_dim3A_65, %broadcast_in_dim3A_66 : vector<16xi1>, vector<16xi32>
    %add3A_68 = arith.addi %broadcast_in_dim3A_57, %select_n3A_67 : vector<16xi32>
    %broadcast_in_dim3A_69 = arith.constant 1 : i32
    %broadcast_in_dim3A_70 = vector.broadcast %broadcast_in_dim3A_69 : i32 to vector<16xi32>
    %broadcast_in_dim3A_71 = vector.shape_cast %broadcast_in_dim3A_70 : vector<16xi32> to vector<16x1xi32>
    %gather3A_72 = vector.shape_cast %broadcast_in_dim3A_71 : vector<16x1xi32> to vector<16xi32>
    %gather3A_73 = tpu.dynamic_gather %get3A_35[%gather3A_72] in [0] : vector<16xf32>, vector<16xi32> -> vector<16xf32>
    %le3A_74 = arith.cmpf ole, %gather3A_73, %convert_element_type3A : vector<16xf32>
    %jit3A_75 = arith.constant 1 : i32
    %jit3A_76 = arith.constant 0 : i32
    %broadcast_in_dim3A_77 = vector.broadcast %jit3A_75 : i32 to vector<16xi32>
    %broadcast_in_dim3A_78 = vector.broadcast %jit3A_76 : i32 to vector<16xi32>
    %select_n3A_79 = arith.select %le3A_74, %broadcast_in_dim3A_77, %broadcast_in_dim3A_78 : vector<16xi1>, vector<16xi32>
    %add3A_80 = arith.addi %add3A_68, %select_n3A_79 : vector<16xi32>
    %broadcast_in_dim3A_81 = arith.constant 2 : i32
    %broadcast_in_dim3A_82 = vector.broadcast %broadcast_in_dim3A_81 : i32 to vector<16xi32>
    %broadcast_in_dim3A_83 = vector.shape_cast %broadcast_in_dim3A_82 : vector<16xi32> to vector<16x1xi32>
    %gather3A_84 = vector.shape_cast %broadcast_in_dim3A_83 : vector<16x1xi32> to vector<16xi32>
    %gather3A_85 = tpu.dynamic_gather %get3A_35[%gather3A_84] in [0] : vector<16xf32>, vector<16xi32> -> vector<16xf32>
    %le3A_86 = arith.cmpf ole, %gather3A_85, %convert_element_type3A : vector<16xf32>
    %jit3A_87 = arith.constant 1 : i32
    %jit3A_88 = arith.constant 0 : i32
    %broadcast_in_dim3A_89 = vector.broadcast %jit3A_87 : i32 to vector<16xi32>
    %broadcast_in_dim3A_90 = vector.broadcast %jit3A_88 : i32 to vector<16xi32>
    %select_n3A_91 = arith.select %le3A_86, %broadcast_in_dim3A_89, %broadcast_in_dim3A_90 : vector<16xi1>, vector<16xi32>
    %add3A_92 = arith.addi %add3A_80, %select_n3A_91 : vector<16xi32>
    %broadcast_in_dim3A_93 = arith.constant 3 : i32
    %broadcast_in_dim3A_94 = vector.broadcast %broadcast_in_dim3A_93 : i32 to vector<16xi32>
    %broadcast_in_dim3A_95 = vector.shape_cast %broadcast_in_dim3A_94 : vector<16xi32> to vector<16x1xi32>
    %gather3A_96 = vector.shape_cast %broadcast_in_dim3A_95 : vector<16x1xi32> to vector<16xi32>
    %gather3A_97 = tpu.dynamic_gather %get3A_35[%gather3A_96] in [0] : vector<16xf32>, vector<16xi32> -> vector<16xf32>
    %le3A_98 = arith.cmpf ole, %gather3A_97, %convert_element_type3A : vector<16xf32>
    %jit3A_99 = arith.constant 1 : i32
    %jit3A_100 = arith.constant 0 : i32
    %broadcast_in_dim3A_101 = vector.broadcast %jit3A_99 : i32 to vector<16xi32>
    %broadcast_in_dim3A_102 = vector.broadcast %jit3A_100 : i32 to vector<16xi32>
    %select_n3A_103 = arith.select %le3A_98, %broadcast_in_dim3A_101, %broadcast_in_dim3A_102 : vector<16xi1>, vector<16xi32>
    %add3A_104 = arith.addi %add3A_92, %select_n3A_103 : vector<16xi32>
    %broadcast_in_dim3A_105 = arith.constant 4 : i32
    %broadcast_in_dim3A_106 = vector.broadcast %broadcast_in_dim3A_105 : i32 to vector<16xi32>
    %broadcast_in_dim3A_107 = vector.shape_cast %broadcast_in_dim3A_106 : vector<16xi32> to vector<16x1xi32>
    %gather3A_108 = vector.shape_cast %broadcast_in_dim3A_107 : vector<16x1xi32> to vector<16xi32>
    %gather3A_109 = tpu.dynamic_gather %get3A_35[%gather3A_108] in [0] : vector<16xf32>, vector<16xi32> -> vector<16xf32>
    %le3A_110 = arith.cmpf ole, %gather3A_109, %convert_element_type3A : vector<16xf32>
    %jit3A_111 = arith.constant 1 : i32
    %jit3A_112 = arith.constant 0 : i32
    %broadcast_in_dim3A_113 = vector.broadcast %jit3A_111 : i32 to vector<16xi32>
    %broadcast_in_dim3A_114 = vector.broadcast %jit3A_112 : i32 to vector<16xi32>
    %select_n3A_115 = arith.select %le3A_110, %broadcast_in_dim3A_113, %broadcast_in_dim3A_114 : vector<16xi1>, vector<16xi32>
    %add3A_116 = arith.addi %add3A_104, %select_n3A_115 : vector<16xi32>
    %broadcast_in_dim3A_117 = arith.constant 5 : i32
    %broadcast_in_dim3A_118 = vector.broadcast %broadcast_in_dim3A_117 : i32 to vector<16xi32>
    %broadcast_in_dim3A_119 = vector.shape_cast %broadcast_in_dim3A_118 : vector<16xi32> to vector<16x1xi32>
    %gather3A_120 = vector.shape_cast %broadcast_in_dim3A_119 : vector<16x1xi32> to vector<16xi32>
    %gather3A_121 = tpu.dynamic_gather %get3A_35[%gather3A_120] in [0] : vector<16xf32>, vector<16xi32> -> vector<16xf32>
    %le3A_122 = arith.cmpf ole, %gather3A_121, %convert_element_type3A : vector<16xf32>
    %jit3A_123 = arith.constant 1 : i32
    %jit3A_124 = arith.constant 0 : i32
    %broadcast_in_dim3A_125 = vector.broadcast %jit3A_123 : i32 to vector<16xi32>
    %broadcast_in_dim3A_126 = vector.broadcast %jit3A_124 : i32 to vector<16xi32>
    %select_n3A_127 = arith.select %le3A_122, %broadcast_in_dim3A_125, %broadcast_in_dim3A_126 : vector<16xi1>, vector<16xi32>
    %add3A_128 = arith.addi %add3A_116, %select_n3A_127 : vector<16xi32>
    %broadcast_in_dim3A_129 = arith.constant 6 : i32
    %broadcast_in_dim3A_130 = vector.broadcast %broadcast_in_dim3A_129 : i32 to vector<16xi32>
    %broadcast_in_dim3A_131 = vector.shape_cast %broadcast_in_dim3A_130 : vector<16xi32> to vector<16x1xi32>
    %gather3A_132 = vector.shape_cast %broadcast_in_dim3A_131 : vector<16x1xi32> to vector<16xi32>
    %gather3A_133 = tpu.dynamic_gather %get3A_35[%gather3A_132] in [0] : vector<16xf32>, vector<16xi32> -> vector<16xf32>
    %le3A_134 = arith.cmpf ole, %gather3A_133, %convert_element_type3A : vector<16xf32>
    %jit3A_135 = arith.constant 1 : i32
    %jit3A_136 = arith.constant 0 : i32
    %broadcast_in_dim3A_137 = vector.broadcast %jit3A_135 : i32 to vector<16xi32>
    %broadcast_in_dim3A_138 = vector.broadcast %jit3A_136 : i32 to vector<16xi32>
    %select_n3A_139 = arith.select %le3A_134, %broadcast_in_dim3A_137, %broadcast_in_dim3A_138 : vector<16xi1>, vector<16xi32>
    %add3A_140 = arith.addi %add3A_128, %select_n3A_139 : vector<16xi32>
    %broadcast_in_dim3A_141 = arith.constant 7 : i32
    %broadcast_in_dim3A_142 = vector.broadcast %broadcast_in_dim3A_141 : i32 to vector<16xi32>
    %broadcast_in_dim3A_143 = vector.shape_cast %broadcast_in_dim3A_142 : vector<16xi32> to vector<16x1xi32>
    %gather3A_144 = vector.shape_cast %broadcast_in_dim3A_143 : vector<16x1xi32> to vector<16xi32>
    %gather3A_145 = tpu.dynamic_gather %get3A_35[%gather3A_144] in [0] : vector<16xf32>, vector<16xi32> -> vector<16xf32>
    %le3A_146 = arith.cmpf ole, %gather3A_145, %convert_element_type3A : vector<16xf32>
    %jit3A_147 = arith.constant 1 : i32
    %jit3A_148 = arith.constant 0 : i32
    %broadcast_in_dim3A_149 = vector.broadcast %jit3A_147 : i32 to vector<16xi32>
    %broadcast_in_dim3A_150 = vector.broadcast %jit3A_148 : i32 to vector<16xi32>
    %select_n3A_151 = arith.select %le3A_146, %broadcast_in_dim3A_149, %broadcast_in_dim3A_150 : vector<16xi1>, vector<16xi32>
    %add3A_152 = arith.addi %add3A_140, %select_n3A_151 : vector<16xi32>
    %broadcast_in_dim3A_153 = arith.constant 8 : i32
    %broadcast_in_dim3A_154 = vector.broadcast %broadcast_in_dim3A_153 : i32 to vector<16xi32>
    %broadcast_in_dim3A_155 = vector.shape_cast %broadcast_in_dim3A_154 : vector<16xi32> to vector<16x1xi32>
    %gather3A_156 = vector.shape_cast %broadcast_in_dim3A_155 : vector<16x1xi32> to vector<16xi32>
    %gather3A_157 = tpu.dynamic_gather %get3A_35[%gather3A_156] in [0] : vector<16xf32>, vector<16xi32> -> vector<16xf32>
    %le3A_158 = arith.cmpf ole, %gather3A_157, %convert_element_type3A : vector<16xf32>
    %jit3A_159 = arith.constant 1 : i32
    %jit3A_160 = arith.constant 0 : i32
    %broadcast_in_dim3A_161 = vector.broadcast %jit3A_159 : i32 to vector<16xi32>
    %broadcast_in_dim3A_162 = vector.broadcast %jit3A_160 : i32 to vector<16xi32>
    %select_n3A_163 = arith.select %le3A_158, %broadcast_in_dim3A_161, %broadcast_in_dim3A_162 : vector<16xi1>, vector<16xi32>
    %add3A_164 = arith.addi %add3A_152, %select_n3A_163 : vector<16xi32>
    %broadcast_in_dim3A_165 = arith.constant 9 : i32
    %broadcast_in_dim3A_166 = vector.broadcast %broadcast_in_dim3A_165 : i32 to vector<16xi32>
    %broadcast_in_dim3A_167 = vector.shape_cast %broadcast_in_dim3A_166 : vector<16xi32> to vector<16x1xi32>
    %gather3A_168 = vector.shape_cast %broadcast_in_dim3A_167 : vector<16x1xi32> to vector<16xi32>
    %gather3A_169 = tpu.dynamic_gather %get3A_35[%gather3A_168] in [0] : vector<16xf32>, vector<16xi32> -> vector<16xf32>
    %le3A_170 = arith.cmpf ole, %gather3A_169, %convert_element_type3A : vector<16xf32>
    %jit3A_171 = arith.constant 1 : i32
    %jit3A_172 = arith.constant 0 : i32
    %broadcast_in_dim3A_173 = vector.broadcast %jit3A_171 : i32 to vector<16xi32>
    %broadcast_in_dim3A_174 = vector.broadcast %jit3A_172 : i32 to vector<16xi32>
    %select_n3A_175 = arith.select %le3A_170, %broadcast_in_dim3A_173, %broadcast_in_dim3A_174 : vector<16xi1>, vector<16xi32>
    %add3A_176 = arith.addi %add3A_164, %select_n3A_175 : vector<16xi32>
    %broadcast_in_dim3A_177 = arith.constant 10 : i32
    %broadcast_in_dim3A_178 = vector.broadcast %broadcast_in_dim3A_177 : i32 to vector<16xi32>
    %broadcast_in_dim3A_179 = vector.shape_cast %broadcast_in_dim3A_178 : vector<16xi32> to vector<16x1xi32>
    %gather3A_180 = vector.shape_cast %broadcast_in_dim3A_179 : vector<16x1xi32> to vector<16xi32>
    %gather3A_181 = tpu.dynamic_gather %get3A_35[%gather3A_180] in [0] : vector<16xf32>, vector<16xi32> -> vector<16xf32>
    %le3A_182 = arith.cmpf ole, %gather3A_181, %convert_element_type3A : vector<16xf32>
    %jit3A_183 = arith.constant 1 : i32
    %jit3A_184 = arith.constant 0 : i32
    %broadcast_in_dim3A_185 = vector.broadcast %jit3A_183 : i32 to vector<16xi32>
    %broadcast_in_dim3A_186 = vector.broadcast %jit3A_184 : i32 to vector<16xi32>
    %select_n3A_187 = arith.select %le3A_182, %broadcast_in_dim3A_185, %broadcast_in_dim3A_186 : vector<16xi1>, vector<16xi32>
    %add3A_188 = arith.addi %add3A_176, %select_n3A_187 : vector<16xi32>
    %broadcast_in_dim3A_189 = arith.constant 11 : i32
    %broadcast_in_dim3A_190 = vector.broadcast %broadcast_in_dim3A_189 : i32 to vector<16xi32>
    %broadcast_in_dim3A_191 = vector.shape_cast %broadcast_in_dim3A_190 : vector<16xi32> to vector<16x1xi32>
    %gather3A_192 = vector.shape_cast %broadcast_in_dim3A_191 : vector<16x1xi32> to vector<16xi32>
    %gather3A_193 = tpu.dynamic_gather %get3A_35[%gather3A_192] in [0] : vector<16xf32>, vector<16xi32> -> vector<16xf32>
    %le3A_194 = arith.cmpf ole, %gather3A_193, %convert_element_type3A : vector<16xf32>
    %jit3A_195 = arith.constant 1 : i32
    %jit3A_196 = arith.constant 0 : i32
    %broadcast_in_dim3A_197 = vector.broadcast %jit3A_195 : i32 to vector<16xi32>
    %broadcast_in_dim3A_198 = vector.broadcast %jit3A_196 : i32 to vector<16xi32>
    %select_n3A_199 = arith.select %le3A_194, %broadcast_in_dim3A_197, %broadcast_in_dim3A_198 : vector<16xi1>, vector<16xi32>
    %add3A_200 = arith.addi %add3A_188, %select_n3A_199 : vector<16xi32>
    %broadcast_in_dim3A_201 = arith.constant 12 : i32
    %broadcast_in_dim3A_202 = vector.broadcast %broadcast_in_dim3A_201 : i32 to vector<16xi32>
    %broadcast_in_dim3A_203 = vector.shape_cast %broadcast_in_dim3A_202 : vector<16xi32> to vector<16x1xi32>
    %gather3A_204 = vector.shape_cast %broadcast_in_dim3A_203 : vector<16x1xi32> to vector<16xi32>
    %gather3A_205 = tpu.dynamic_gather %get3A_35[%gather3A_204] in [0] : vector<16xf32>, vector<16xi32> -> vector<16xf32>
    %le3A_206 = arith.cmpf ole, %gather3A_205, %convert_element_type3A : vector<16xf32>
    %jit3A_207 = arith.constant 1 : i32
    %jit3A_208 = arith.constant 0 : i32
    %broadcast_in_dim3A_209 = vector.broadcast %jit3A_207 : i32 to vector<16xi32>
    %broadcast_in_dim3A_210 = vector.broadcast %jit3A_208 : i32 to vector<16xi32>
    %select_n3A_211 = arith.select %le3A_206, %broadcast_in_dim3A_209, %broadcast_in_dim3A_210 : vector<16xi1>, vector<16xi32>
    %add3A_212 = arith.addi %add3A_200, %select_n3A_211 : vector<16xi32>
    %broadcast_in_dim3A_213 = arith.constant 13 : i32
    %broadcast_in_dim3A_214 = vector.broadcast %broadcast_in_dim3A_213 : i32 to vector<16xi32>
    %broadcast_in_dim3A_215 = vector.shape_cast %broadcast_in_dim3A_214 : vector<16xi32> to vector<16x1xi32>
    %gather3A_216 = vector.shape_cast %broadcast_in_dim3A_215 : vector<16x1xi32> to vector<16xi32>
    %gather3A_217 = tpu.dynamic_gather %get3A_35[%gather3A_216] in [0] : vector<16xf32>, vector<16xi32> -> vector<16xf32>
    %le3A_218 = arith.cmpf ole, %gather3A_217, %convert_element_type3A : vector<16xf32>
    %jit3A_219 = arith.constant 1 : i32
    %jit3A_220 = arith.constant 0 : i32
    %broadcast_in_dim3A_221 = vector.broadcast %jit3A_219 : i32 to vector<16xi32>
    %broadcast_in_dim3A_222 = vector.broadcast %jit3A_220 : i32 to vector<16xi32>
    %select_n3A_223 = arith.select %le3A_218, %broadcast_in_dim3A_221, %broadcast_in_dim3A_222 : vector<16xi1>, vector<16xi32>
    %add3A_224 = arith.addi %add3A_212, %select_n3A_223 : vector<16xi32>
    %broadcast_in_dim3A_225 = arith.constant 14 : i32
    %broadcast_in_dim3A_226 = vector.broadcast %broadcast_in_dim3A_225 : i32 to vector<16xi32>
    %broadcast_in_dim3A_227 = vector.shape_cast %broadcast_in_dim3A_226 : vector<16xi32> to vector<16x1xi32>
    %gather3A_228 = vector.shape_cast %broadcast_in_dim3A_227 : vector<16x1xi32> to vector<16xi32>
    %gather3A_229 = tpu.dynamic_gather %get3A_35[%gather3A_228] in [0] : vector<16xf32>, vector<16xi32> -> vector<16xf32>
    %le3A_230 = arith.cmpf ole, %gather3A_229, %convert_element_type3A : vector<16xf32>
    %jit3A_231 = arith.constant 1 : i32
    %jit3A_232 = arith.constant 0 : i32
    %broadcast_in_dim3A_233 = vector.broadcast %jit3A_231 : i32 to vector<16xi32>
    %broadcast_in_dim3A_234 = vector.broadcast %jit3A_232 : i32 to vector<16xi32>
    %select_n3A_235 = arith.select %le3A_230, %broadcast_in_dim3A_233, %broadcast_in_dim3A_234 : vector<16xi1>, vector<16xi32>
    %add3A_236 = arith.addi %add3A_224, %select_n3A_235 : vector<16xi32>
    %broadcast_in_dim3A_237 = arith.constant 15 : i32
    %broadcast_in_dim3A_238 = vector.broadcast %broadcast_in_dim3A_237 : i32 to vector<16xi32>
    %broadcast_in_dim3A_239 = vector.shape_cast %broadcast_in_dim3A_238 : vector<16xi32> to vector<16x1xi32>
    %gather3A_240 = vector.shape_cast %broadcast_in_dim3A_239 : vector<16x1xi32> to vector<16xi32>
    %gather3A_241 = tpu.dynamic_gather %get3A_35[%gather3A_240] in [0] : vector<16xf32>, vector<16xi32> -> vector<16xf32>
    %le3A_242 = arith.cmpf ole, %gather3A_241, %convert_element_type3A : vector<16xf32>
    %jit3A_243 = arith.constant 1 : i32
    %jit3A_244 = arith.constant 0 : i32
    %broadcast_in_dim3A_245 = vector.broadcast %jit3A_243 : i32 to vector<16xi32>
    %broadcast_in_dim3A_246 = vector.broadcast %jit3A_244 : i32 to vector<16xi32>
    %select_n3A_247 = arith.select %le3A_242, %broadcast_in_dim3A_245, %broadcast_in_dim3A_246 : vector<16xi1>, vector<16xi32>
    %add3A_248 = arith.addi %add3A_236, %select_n3A_247 : vector<16xi32>
    %swap3A = arith.constant 0 : index
    %swap3A_249 = tpu.vector_load %arg8[%swap3A] {strides = array<i32>} : memref<128xi32, #tpu.memory_space<vmem>>, vector<16xi32>,
    tpu.vector_store %arg8[%swap3A], %add3A_248 {strides = array<i32>} : memref<128xi32, #tpu.memory_space<vmem>>, vector<16xi32>,
    %add3A_250 = arith.constant 16 : i32
    %add3A_251 = vector.broadcast %add3A_250 : i32 to vector<16xi32>
    %add3A_252 = arith.addi %iota3A, %add3A_251 : vector<16xi32>
    %convert_element_type3A_253 = arith.sitofp %add3A_252 : vector<16xi32> to vector<16xf32>
    %broadcast_in_dim3A_254 = arith.constant 0 : i32
    %broadcast_in_dim3A_255 = vector.broadcast %broadcast_in_dim3A_254 : i32 to vector<16xi32>
    %broadcast_in_dim3A_256 = arith.constant 0 : i32
    %broadcast_in_dim3A_257 = vector.broadcast %broadcast_in_dim3A_256 : i32 to vector<16xi32>
    %broadcast_in_dim3A_258 = vector.shape_cast %broadcast_in_dim3A_257 : vector<16xi32> to vector<16x1xi32>
    %gather3A_259 = vector.shape_cast %broadcast_in_dim3A_258 : vector<16x1xi32> to vector<16xi32>
    %gather3A_260 = tpu.dynamic_gather %get3A_35[%gather3A_259] in [0] : vector<16xf32>, vector<16xi32> -> vector<16xf32>
    %le3A_261 = arith.cmpf ole, %gather3A_260, %convert_element_type3A_253 : vector<16xf32>
    %jit3A_262 = arith.constant 1 : i32
    %jit3A_263 = arith.constant 0 : i32
    %broadcast_in_dim3A_264 = vector.broadcast %jit3A_262 : i32 to vector<16xi32>
    %broadcast_in_dim3A_265 = vector.broadcast %jit3A_263 : i32 to vector<16xi32>
    %select_n3A_266 = arith.select %le3A_261, %broadcast_in_dim3A_264, %broadcast_in_dim3A_265 : vector<16xi1>, vector<16xi32>
    %add3A_267 = arith.addi %broadcast_in_dim3A_255, %select_n3A_266 : vector<16xi32>
    %broadcast_in_dim3A_268 = arith.constant 1 : i32
    %broadcast_in_dim3A_269 = vector.broadcast %broadcast_in_dim3A_268 : i32 to vector<16xi32>
    %broadcast_in_dim3A_270 = vector.shape_cast %broadcast_in_dim3A_269 : vector<16xi32> to vector<16x1xi32>
    %gather3A_271 = vector.shape_cast %broadcast_in_dim3A_270 : vector<16x1xi32> to vector<16xi32>
    %gather3A_272 = tpu.dynamic_gather %get3A_35[%gather3A_271] in [0] : vector<16xf32>, vector<16xi32> -> vector<16xf32>
    %le3A_273 = arith.cmpf ole, %gather3A_272, %convert_element_type3A_253 : vector<16xf32>
    %jit3A_274 = arith.constant 1 : i32
    %jit3A_275 = arith.constant 0 : i32
    %broadcast_in_dim3A_276 = vector.broadcast %jit3A_274 : i32 to vector<16xi32>
    %broadcast_in_dim3A_277 = vector.broadcast %jit3A_275 : i32 to vector<16xi32>
    %select_n3A_278 = arith.select %le3A_273, %broadcast_in_dim3A_276, %broadcast_in_dim3A_277 : vector<16xi1>, vector<16xi32>
    %add3A_279 = arith.addi %add3A_267, %select_n3A_278 : vector<16xi32>
    %broadcast_in_dim3A_280 = arith.constant 2 : i32
    %broadcast_in_dim3A_281 = vector.broadcast %broadcast_in_dim3A_280 : i32 to vector<16xi32>
    %broadcast_in_dim3A_282 = vector.shape_cast %broadcast_in_dim3A_281 : vector<16xi32> to vector<16x1xi32>
    %gather3A_283 = vector.shape_cast %broadcast_in_dim3A_282 : vector<16x1xi32> to vector<16xi32>
    %gather3A_284 = tpu.dynamic_gather %get3A_35[%gather3A_283] in [0] : vector<16xf32>, vector<16xi32> -> vector<16xf32>
    %le3A_285 = arith.cmpf ole, %gather3A_284, %convert_element_type3A_253 : vector<16xf32>
    %jit3A_286 = arith.constant 1 : i32
    %jit3A_287 = arith.constant 0 : i32
    %broadcast_in_dim3A_288 = vector.broadcast %jit3A_286 : i32 to vector<16xi32>
    %broadcast_in_dim3A_289 = vector.broadcast %jit3A_287 : i32 to vector<16xi32>
    %select_n3A_290 = arith.select %le3A_285, %broadcast_in_dim3A_288, %broadcast_in_dim3A_289 : vector<16xi1>, vector<16xi32>
    %add3A_291 = arith.addi %add3A_279, %select_n3A_290 : vector<16xi32>
    %broadcast_in_dim3A_292 = arith.constant 3 : i32
    %broadcast_in_dim3A_293 = vector.broadcast %broadcast_in_dim3A_292 : i32 to vector<16xi32>
    %broadcast_in_dim3A_294 = vector.shape_cast %broadcast_in_dim3A_293 : vector<16xi32> to vector<16x1xi32>
    %gather3A_295 = vector.shape_cast %broadcast_in_dim3A_294 : vector<16x1xi32> to vector<16xi32>
    %gather3A_296 = tpu.dynamic_gather %get3A_35[%gather3A_295] in [0] : vector<16xf32>, vector<16xi32> -> vector<16xf32>
    %le3A_297 = arith.cmpf ole, %gather3A_296, %convert_element_type3A_253 : vector<16xf32>
    %jit3A_298 = arith.constant 1 : i32
    %jit3A_299 = arith.constant 0 : i32
    %broadcast_in_dim3A_300 = vector.broadcast %jit3A_298 : i32 to vector<16xi32>
    %broadcast_in_dim3A_301 = vector.broadcast %jit3A_299 : i32 to vector<16xi32>
    %select_n3A_302 = arith.select %le3A_297, %broadcast_in_dim3A_300, %broadcast_in_dim3A_301 : vector<16xi1>, vector<16xi32>
    %add3A_303 = arith.addi %add3A_291, %select_n3A_302 : vector<16xi32>
    %broadcast_in_dim3A_304 = arith.constant 4 : i32
    %broadcast_in_dim3A_305 = vector.broadcast %broadcast_in_dim3A_304 : i32 to vector<16xi32>
    %broadcast_in_dim3A_306 = vector.shape_cast %broadcast_in_dim3A_305 : vector<16xi32> to vector<16x1xi32>
    %gather3A_307 = vector.shape_cast %broadcast_in_dim3A_306 : vector<16x1xi32> to vector<16xi32>
    %gather3A_308 = tpu.dynamic_gather %get3A_35[%gather3A_307] in [0] : vector<16xf32>, vector<16xi32> -> vector<16xf32>
    %le3A_309 = arith.cmpf ole, %gather3A_308, %convert_element_type3A_253 : vector<16xf32>
    %jit3A_310 = arith.constant 1 : i32
    %jit3A_311 = arith.constant 0 : i32
    %broadcast_in_dim3A_312 = vector.broadcast %jit3A_310 : i32 to vector<16xi32>
    %broadcast_in_dim3A_313 = vector.broadcast %jit3A_311 : i32 to vector<16xi32>
    %select_n3A_314 = arith.select %le3A_309, %broadcast_in_dim3A_312, %broadcast_in_dim3A_313 : vector<16xi1>, vector<16xi32>
    %add3A_315 = arith.addi %add3A_303, %select_n3A_314 : vector<16xi32>
    %broadcast_in_dim3A_316 = arith.constant 5 : i32
    %broadcast_in_dim3A_317 = vector.broadcast %broadcast_in_dim3A_316 : i32 to vector<16xi32>
    %broadcast_in_dim3A_318 = vector.shape_cast %broadcast_in_dim3A_317 : vector<16xi32> to vector<16x1xi32>
    %gather3A_319 = vector.shape_cast %broadcast_in_dim3A_318 : vector<16x1xi32> to vector<16xi32>
    %gather3A_320 = tpu.dynamic_gather %get3A_35[%gather3A_319] in [0] : vector<16xf32>, vector<16xi32> -> vector<16xf32>
    %le3A_321 = arith.cmpf ole, %gather3A_320, %convert_element_type3A_253 : vector<16xf32>
    %jit3A_322 = arith.constant 1 : i32
    %jit3A_323 = arith.constant 0 : i32
    %broadcast_in_dim3A_324 = vector.broadcast %jit3A_322 : i32 to vector<16xi32>
    %broadcast_in_dim3A_325 = vector.broadcast %jit3A_323 : i32 to vector<16xi32>
    %select_n3A_326 = arith.select %le3A_321, %broadcast_in_dim3A_324, %broadcast_in_dim3A_325 : vector<16xi1>, vector<16xi32>
    %add3A_327 = arith.addi %add3A_315, %select_n3A_326 : vector<16xi32>
    %broadcast_in_dim3A_328 = arith.constant 6 : i32
    %broadcast_in_dim3A_329 = vector.broadcast %broadcast_in_dim3A_328 : i32 to vector<16xi32>
    %broadcast_in_dim3A_330 = vector.shape_cast %broadcast_in_dim3A_329 : vector<16xi32> to vector<16x1xi32>
    %gather3A_331 = vector.shape_cast %broadcast_in_dim3A_330 : vector<16x1xi32> to vector<16xi32>
    %gather3A_332 = tpu.dynamic_gather %get3A_35[%gather3A_331] in [0] : vector<16xf32>, vector<16xi32> -> vector<16xf32>
    %le3A_333 = arith.cmpf ole, %gather3A_332, %convert_element_type3A_253 : vector<16xf32>
    %jit3A_334 = arith.constant 1 : i32
    %jit3A_335 = arith.constant 0 : i32
    %broadcast_in_dim3A_336 = vector.broadcast %jit3A_334 : i32 to vector<16xi32>
    %broadcast_in_dim3A_337 = vector.broadcast %jit3A_335 : i32 to vector<16xi32>
    %select_n3A_338 = arith.select %le3A_333, %broadcast_in_dim3A_336, %broadcast_in_dim3A_337 : vector<16xi1>, vector<16xi32>
    %add3A_339 = arith.addi %add3A_327, %select_n3A_338 : vector<16xi32>
    %broadcast_in_dim3A_340 = arith.constant 7 : i32
    %broadcast_in_dim3A_341 = vector.broadcast %broadcast_in_dim3A_340 : i32 to vector<16xi32>
    %broadcast_in_dim3A_342 = vector.shape_cast %broadcast_in_dim3A_341 : vector<16xi32> to vector<16x1xi32>
    %gather3A_343 = vector.shape_cast %broadcast_in_dim3A_342 : vector<16x1xi32> to vector<16xi32>
    %gather3A_344 = tpu.dynamic_gather %get3A_35[%gather3A_343] in [0] : vector<16xf32>, vector<16xi32> -> vector<16xf32>
    %le3A_345 = arith.cmpf ole, %gather3A_344, %convert_element_type3A_253 : vector<16xf32>
    %jit3A_346 = arith.constant 1 : i32
    %jit3A_347 = arith.constant 0 : i32
    %broadcast_in_dim3A_348 = vector.broadcast %jit3A_346 : i32 to vector<16xi32>
    %broadcast_in_dim3A_349 = vector.broadcast %jit3A_347 : i32 to vector<16xi32>
    %select_n3A_350 = arith.select %le3A_345, %broadcast_in_dim3A_348, %broadcast_in_dim3A_349 : vector<16xi1>, vector<16xi32>
    %add3A_351 = arith.addi %add3A_339, %select_n3A_350 : vector<16xi32>
    %broadcast_in_dim3A_352 = arith.constant 8 : i32
    %broadcast_in_dim3A_353 = vector.broadcast %broadcast_in_dim3A_352 : i32 to vector<16xi32>
    %broadcast_in_dim3A_354 = vector.shape_cast %broadcast_in_dim3A_353 : vector<16xi32> to vector<16x1xi32>
    %gather3A_355 = vector.shape_cast %broadcast_in_dim3A_354 : vector<16x1xi32> to vector<16xi32>
    %gather3A_356 = tpu.dynamic_gather %get3A_35[%gather3A_355] in [0] : vector<16xf32>, vector<16xi32> -> vector<16xf32>
    %le3A_357 = arith.cmpf ole, %gather3A_356, %convert_element_type3A_253 : vector<16xf32>
    %jit3A_358 = arith.constant 1 : i32
    %jit3A_359 = arith.constant 0 : i32
    %broadcast_in_dim3A_360 = vector.broadcast %jit3A_358 : i32 to vector<16xi32>
    %broadcast_in_dim3A_361 = vector.broadcast %jit3A_359 : i32 to vector<16xi32>
    %select_n3A_362 = arith.select %le3A_357, %broadcast_in_dim3A_360, %broadcast_in_dim3A_361 : vector<16xi1>, vector<16xi32>
    %add3A_363 = arith.addi %add3A_351, %select_n3A_362 : vector<16xi32>
    %broadcast_in_dim3A_364 = arith.constant 9 : i32
    %broadcast_in_dim3A_365 = vector.broadcast %broadcast_in_dim3A_364 : i32 to vector<16xi32>
    %broadcast_in_dim3A_366 = vector.shape_cast %broadcast_in_dim3A_365 : vector<16xi32> to vector<16x1xi32>
    %gather3A_367 = vector.shape_cast %broadcast_in_dim3A_366 : vector<16x1xi32> to vector<16xi32>
    %gather3A_368 = tpu.dynamic_gather %get3A_35[%gather3A_367] in [0] : vector<16xf32>, vector<16xi32> -> vector<16xf32>
    %le3A_369 = arith.cmpf ole, %gather3A_368, %convert_element_type3A_253 : vector<16xf32>
    %jit3A_370 = arith.constant 1 : i32
    %jit3A_371 = arith.constant 0 : i32
    %broadcast_in_dim3A_372 = vector.broadcast %jit3A_370 : i32 to vector<16xi32>
    %broadcast_in_dim3A_373 = vector.broadcast %jit3A_371 : i32 to vector<16xi32>
    %select_n3A_374 = arith.select %le3A_369, %broadcast_in_dim3A_372, %broadcast_in_dim3A_373 : vector<16xi1>, vector<16xi32>
    %add3A_375 = arith.addi %add3A_363, %select_n3A_374 : vector<16xi32>
    %broadcast_in_dim3A_376 = arith.constant 10 : i32
    %broadcast_in_dim3A_377 = vector.broadcast %broadcast_in_dim3A_376 : i32 to vector<16xi32>
    %broadcast_in_dim3A_378 = vector.shape_cast %broadcast_in_dim3A_377 : vector<16xi32> to vector<16x1xi32>
    %gather3A_379 = vector.shape_cast %broadcast_in_dim3A_378 : vector<16x1xi32> to vector<16xi32>
    %gather3A_380 = tpu.dynamic_gather %get3A_35[%gather3A_379] in [0] : vector<16xf32>, vector<16xi32> -> vector<16xf32>
    %le3A_381 = arith.cmpf ole, %gather3A_380, %convert_element_type3A_253 : vector<16xf32>
    %jit3A_382 = arith.constant 1 : i32
    %jit3A_383 = arith.constant 0 : i32
    %broadcast_in_dim3A_384 = vector.broadcast %jit3A_382 : i32 to vector<16xi32>
    %broadcast_in_dim3A_385 = vector.broadcast %jit3A_383 : i32 to vector<16xi32>
    %select_n3A_386 = arith.select %le3A_381, %broadcast_in_dim3A_384, %broadcast_in_dim3A_385 : vector<16xi1>, vector<16xi32>
    %add3A_387 = arith.addi %add3A_375, %select_n3A_386 : vector<16xi32>
    %broadcast_in_dim3A_388 = arith.constant 11 : i32
    %broadcast_in_dim3A_389 = vector.broadcast %broadcast_in_dim3A_388 : i32 to vector<16xi32>
    %broadcast_in_dim3A_390 = vector.shape_cast %broadcast_in_dim3A_389 : vector<16xi32> to vector<16x1xi32>
    %gather3A_391 = vector.shape_cast %broadcast_in_dim3A_390 : vector<16x1xi32> to vector<16xi32>
    %gather3A_392 = tpu.dynamic_gather %get3A_35[%gather3A_391] in [0] : vector<16xf32>, vector<16xi32> -> vector<16xf32>
    %le3A_393 = arith.cmpf ole, %gather3A_392, %convert_element_type3A_253 : vector<16xf32>
    %jit3A_394 = arith.constant 1 : i32
    %jit3A_395 = arith.constant 0 : i32
    %broadcast_in_dim3A_396 = vector.broadcast %jit3A_394 : i32 to vector<16xi32>
    %broadcast_in_dim3A_397 = vector.broadcast %jit3A_395 : i32 to vector<16xi32>
    %select_n3A_398 = arith.select %le3A_393, %broadcast_in_dim3A_396, %broadcast_in_dim3A_397 : vector<16xi1>, vector<16xi32>
    %add3A_399 = arith.addi %add3A_387, %select_n3A_398 : vector<16xi32>
    %broadcast_in_dim3A_400 = arith.constant 12 : i32
    %broadcast_in_dim3A_401 = vector.broadcast %broadcast_in_dim3A_400 : i32 to vector<16xi32>
    %broadcast_in_dim3A_402 = vector.shape_cast %broadcast_in_dim3A_401 : vector<16xi32> to vector<16x1xi32>
    %gather3A_403 = vector.shape_cast %broadcast_in_dim3A_402 : vector<16x1xi32> to vector<16xi32>
    %gather3A_404 = tpu.dynamic_gather %get3A_35[%gather3A_403] in [0] : vector<16xf32>, vector<16xi32> -> vector<16xf32>
    %le3A_405 = arith.cmpf ole, %gather3A_404, %convert_element_type3A_253 : vector<16xf32>
    %jit3A_406 = arith.constant 1 : i32
    %jit3A_407 = arith.constant 0 : i32
    %broadcast_in_dim3A_408 = vector.broadcast %jit3A_406 : i32 to vector<16xi32>
    %broadcast_in_dim3A_409 = vector.broadcast %jit3A_407 : i32 to vector<16xi32>
    %select_n3A_410 = arith.select %le3A_405, %broadcast_in_dim3A_408, %broadcast_in_dim3A_409 : vector<16xi1>, vector<16xi32>
    %add3A_411 = arith.addi %add3A_399, %select_n3A_410 : vector<16xi32>
    %broadcast_in_dim3A_412 = arith.constant 13 : i32
    %broadcast_in_dim3A_413 = vector.broadcast %broadcast_in_dim3A_412 : i32 to vector<16xi32>
    %broadcast_in_dim3A_414 = vector.shape_cast %broadcast_in_dim3A_413 : vector<16xi32> to vector<16x1xi32>
    %gather3A_415 = vector.shape_cast %broadcast_in_dim3A_414 : vector<16x1xi32> to vector<16xi32>
    %gather3A_416 = tpu.dynamic_gather %get3A_35[%gather3A_415] in [0] : vector<16xf32>, vector<16xi32> -> vector<16xf32>
    %le3A_417 = arith.cmpf ole, %gather3A_416, %convert_element_type3A_253 : vector<16xf32>
    %jit3A_418 = arith.constant 1 : i32
    %jit3A_419 = arith.constant 0 : i32
    %broadcast_in_dim3A_420 = vector.broadcast %jit3A_418 : i32 to vector<16xi32>
    %broadcast_in_dim3A_421 = vector.broadcast %jit3A_419 : i32 to vector<16xi32>
    %select_n3A_422 = arith.select %le3A_417, %broadcast_in_dim3A_420, %broadcast_in_dim3A_421 : vector<16xi1>, vector<16xi32>
    %add3A_423 = arith.addi %add3A_411, %select_n3A_422 : vector<16xi32>
    %broadcast_in_dim3A_424 = arith.constant 14 : i32
    %broadcast_in_dim3A_425 = vector.broadcast %broadcast_in_dim3A_424 : i32 to vector<16xi32>
    %broadcast_in_dim3A_426 = vector.shape_cast %broadcast_in_dim3A_425 : vector<16xi32> to vector<16x1xi32>
    %gather3A_427 = vector.shape_cast %broadcast_in_dim3A_426 : vector<16x1xi32> to vector<16xi32>
    %gather3A_428 = tpu.dynamic_gather %get3A_35[%gather3A_427] in [0] : vector<16xf32>, vector<16xi32> -> vector<16xf32>
    %le3A_429 = arith.cmpf ole, %gather3A_428, %convert_element_type3A_253 : vector<16xf32>
    %jit3A_430 = arith.constant 1 : i32
    %jit3A_431 = arith.constant 0 : i32
    %broadcast_in_dim3A_432 = vector.broadcast %jit3A_430 : i32 to vector<16xi32>
    %broadcast_in_dim3A_433 = vector.broadcast %jit3A_431 : i32 to vector<16xi32>
    %select_n3A_434 = arith.select %le3A_429, %broadcast_in_dim3A_432, %broadcast_in_dim3A_433 : vector<16xi1>, vector<16xi32>
    %add3A_435 = arith.addi %add3A_423, %select_n3A_434 : vector<16xi32>
    %broadcast_in_dim3A_436 = arith.constant 15 : i32
    %broadcast_in_dim3A_437 = vector.broadcast %broadcast_in_dim3A_436 : i32 to vector<16xi32>
    %broadcast_in_dim3A_438 = vector.shape_cast %broadcast_in_dim3A_437 : vector<16xi32> to vector<16x1xi32>
    %gather3A_439 = vector.shape_cast %broadcast_in_dim3A_438 : vector<16x1xi32> to vector<16xi32>
    %gather3A_440 = tpu.dynamic_gather %get3A_35[%gather3A_439] in [0] : vector<16xf32>, vector<16xi32> -> vector<16xf32>
    %le3A_441 = arith.cmpf ole, %gather3A_440, %convert_element_type3A_253 : vector<16xf32>
    %jit3A_442 = arith.constant 1 : i32
    %jit3A_443 = arith.constant 0 : i32
    %broadcast_in_dim3A_444 = vector.broadcast %jit3A_442 : i32 to vector<16xi32>
    %broadcast_in_dim3A_445 = vector.broadcast %jit3A_443 : i32 to vector<16xi32>
    %select_n3A_446 = arith.select %le3A_441, %broadcast_in_dim3A_444, %broadcast_in_dim3A_445 : vector<16xi1>, vector<16xi32>
    %add3A_447 = arith.addi %add3A_435, %select_n3A_446 : vector<16xi32>
    %swap3A_448 = arith.constant 16 : index
    %swap3A_449 = tpu.vector_load %arg8[%swap3A_448] {strides = array<i32>} : memref<128xi32, #tpu.memory_space<vmem>>, vector<16xi32>,
    tpu.vector_store %arg8[%swap3A_448], %add3A_447 {strides = array<i32>} : memref<128xi32, #tpu.memory_space<vmem>>, vector<16xi32>,
    %add3A_450 = arith.constant 32 : i32
    %add3A_451 = vector.broadcast %add3A_450 : i32 to vector<16xi32>
    %add3A_452 = arith.addi %iota3A, %add3A_451 : vector<16xi32>
    %convert_element_type3A_453 = arith.sitofp %add3A_452 : vector<16xi32> to vector<16xf32>
    %broadcast_in_dim3A_454 = arith.constant 0 : i32
    %broadcast_in_dim3A_455 = vector.broadcast %broadcast_in_dim3A_454 : i32 to vector<16xi32>
    %broadcast_in_dim3A_456 = arith.constant 0 : i32
    %broadcast_in_dim3A_457 = vector.broadcast %broadcast_in_dim3A_456 : i32 to vector<16xi32>
    %broadcast_in_dim3A_458 = vector.shape_cast %broadcast_in_dim3A_457 : vector<16xi32> to vector<16x1xi32>
    %gather3A_459 = vector.shape_cast %broadcast_in_dim3A_458 : vector<16x1xi32> to vector<16xi32>
    %gather3A_460 = tpu.dynamic_gather %get3A_35[%gather3A_459] in [0] : vector<16xf32>, vector<16xi32> -> vector<16xf32>
    %le3A_461 = arith.cmpf ole, %gather3A_460, %convert_element_type3A_453 : vector<16xf32>
    %jit3A_462 = arith.constant 1 : i32
    %jit3A_463 = arith.constant 0 : i32
    %broadcast_in_dim3A_464 = vector.broadcast %jit3A_462 : i32 to vector<16xi32>
    %broadcast_in_dim3A_465 = vector.broadcast %jit3A_463 : i32 to vector<16xi32>
    %select_n3A_466 = arith.select %le3A_461, %broadcast_in_dim3A_464, %broadcast_in_dim3A_465 : vector<16xi1>, vector<16xi32>
    %add3A_467 = arith.addi %broadcast_in_dim3A_455, %select_n3A_466 : vector<16xi32>
    %broadcast_in_dim3A_468 = arith.constant 1 : i32
    %broadcast_in_dim3A_469 = vector.broadcast %broadcast_in_dim3A_468 : i32 to vector<16xi32>
    %broadcast_in_dim3A_470 = vector.shape_cast %broadcast_in_dim3A_469 : vector<16xi32> to vector<16x1xi32>
    %gather3A_471 = vector.shape_cast %broadcast_in_dim3A_470 : vector<16x1xi32> to vector<16xi32>
    %gather3A_472 = tpu.dynamic_gather %get3A_35[%gather3A_471] in [0] : vector<16xf32>, vector<16xi32> -> vector<16xf32>
    %le3A_473 = arith.cmpf ole, %gather3A_472, %convert_element_type3A_453 : vector<16xf32>
    %jit3A_474 = arith.constant 1 : i32
    %jit3A_475 = arith.constant 0 : i32
    %broadcast_in_dim3A_476 = vector.broadcast %jit3A_474 : i32 to vector<16xi32>
    %broadcast_in_dim3A_477 = vector.broadcast %jit3A_475 : i32 to vector<16xi32>
    %select_n3A_478 = arith.select %le3A_473, %broadcast_in_dim3A_476, %broadcast_in_dim3A_477 : vector<16xi1>, vector<16xi32>
    %add3A_479 = arith.addi %add3A_467, %select_n3A_478 : vector<16xi32>
    %broadcast_in_dim3A_480 = arith.constant 2 : i32
    %broadcast_in_dim3A_481 = vector.broadcast %broadcast_in_dim3A_480 : i32 to vector<16xi32>
    %broadcast_in_dim3A_482 = vector.shape_cast %broadcast_in_dim3A_481 : vector<16xi32> to vector<16x1xi32>
    %gather3A_483 = vector.shape_cast %broadcast_in_dim3A_482 : vector<16x1xi32> to vector<16xi32>
    %gather3A_484 = tpu.dynamic_gather %get3A_35[%gather3A_483] in [0] : vector<16xf32>, vector<16xi32> -> vector<16xf32>
    %le3A_485 = arith.cmpf ole, %gather3A_484, %convert_element_type3A_453 : vector<16xf32>
    %jit3A_486 = arith.constant 1 : i32
    %jit3A_487 = arith.constant 0 : i32
    %broadcast_in_dim3A_488 = vector.broadcast %jit3A_486 : i32 to vector<16xi32>
    %broadcast_in_dim3A_489 = vector.broadcast %jit3A_487 : i32 to vector<16xi32>
    %select_n3A_490 = arith.select %le3A_485, %broadcast_in_dim3A_488, %broadcast_in_dim3A_489 : vector<16xi1>, vector<16xi32>
    %add3A_491 = arith.addi %add3A_479, %select_n3A_490 : vector<16xi32>
    %broadcast_in_dim3A_492 = arith.constant 3 : i32
    %broadcast_in_dim3A_493 = vector.broadcast %broadcast_in_dim3A_492 : i32 to vector<16xi32>
    %broadcast_in_dim3A_494 = vector.shape_cast %broadcast_in_dim3A_493 : vector<16xi32> to vector<16x1xi32>
    %gather3A_495 = vector.shape_cast %broadcast_in_dim3A_494 : vector<16x1xi32> to vector<16xi32>
    %gather3A_496 = tpu.dynamic_gather %get3A_35[%gather3A_495] in [0] : vector<16xf32>, vector<16xi32> -> vector<16xf32>
    %le3A_497 = arith.cmpf ole, %gather3A_496, %convert_element_type3A_453 : vector<16xf32>
    %jit3A_498 = arith.constant 1 : i32
    %jit3A_499 = arith.constant 0 : i32
    %broadcast_in_dim3A_500 = vector.broadcast %jit3A_498 : i32 to vector<16xi32>
    %broadcast_in_dim3A_501 = vector.broadcast %jit3A_499 : i32 to vector<16xi32>
    %select_n3A_502 = arith.select %le3A_497, %broadcast_in_dim3A_500, %broadcast_in_dim3A_501 : vector<16xi1>, vector<16xi32>
    %add3A_503 = arith.addi %add3A_491, %select_n3A_502 : vector<16xi32>
    %broadcast_in_dim3A_504 = arith.constant 4 : i32
    %broadcast_in_dim3A_505 = vector.broadcast %broadcast_in_dim3A_504 : i32 to vector<16xi32>
    %broadcast_in_dim3A_506 = vector.shape_cast %broadcast_in_dim3A_505 : vector<16xi32> to vector<16x1xi32>
    %gather3A_507 = vector.shape_cast %broadcast_in_dim3A_506 : vector<16x1xi32> to vector<16xi32>
    %gather3A_508 = tpu.dynamic_gather %get3A_35[%gather3A_507] in [0] : vector<16xf32>, vector<16xi32> -> vector<16xf32>
    %le3A_509 = arith.cmpf ole, %gather3A_508, %convert_element_type3A_453 : vector<16xf32>
    %jit3A_510 = arith.constant 1 : i32
    %jit3A_511 = arith.constant 0 : i32
    %broadcast_in_dim3A_512 = vector.broadcast %jit3A_510 : i32 to vector<16xi32>
    %broadcast_in_dim3A_513 = vector.broadcast %jit3A_511 : i32 to vector<16xi32>
    %select_n3A_514 = arith.select %le3A_509, %broadcast_in_dim3A_512, %broadcast_in_dim3A_513 : vector<16xi1>, vector<16xi32>
    %add3A_515 = arith.addi %add3A_503, %select_n3A_514 : vector<16xi32>
    %broadcast_in_dim3A_516 = arith.constant 5 : i32
    %broadcast_in_dim3A_517 = vector.broadcast %broadcast_in_dim3A_516 : i32 to vector<16xi32>
    %broadcast_in_dim3A_518 = vector.shape_cast %broadcast_in_dim3A_517 : vector<16xi32> to vector<16x1xi32>
    %gather3A_519 = vector.shape_cast %broadcast_in_dim3A_518 : vector<16x1xi32> to vector<16xi32>
    %gather3A_520 = tpu.dynamic_gather %get3A_35[%gather3A_519] in [0] : vector<16xf32>, vector<16xi32> -> vector<16xf32>
    %le3A_521 = arith.cmpf ole, %gather3A_520, %convert_element_type3A_453 : vector<16xf32>
    %jit3A_522 = arith.constant 1 : i32
    %jit3A_523 = arith.constant 0 : i32
    %broadcast_in_dim3A_524 = vector.broadcast %jit3A_522 : i32 to vector<16xi32>
    %broadcast_in_dim3A_525 = vector.broadcast %jit3A_523 : i32 to vector<16xi32>
    %select_n3A_526 = arith.select %le3A_521, %broadcast_in_dim3A_524, %broadcast_in_dim3A_525 : vector<16xi1>, vector<16xi32>
    %add3A_527 = arith.addi %add3A_515, %select_n3A_526 : vector<16xi32>
    %broadcast_in_dim3A_528 = arith.constant 6 : i32
    %broadcast_in_dim3A_529 = vector.broadcast %broadcast_in_dim3A_528 : i32 to vector<16xi32>
    %broadcast_in_dim3A_530 = vector.shape_cast %broadcast_in_dim3A_529 : vector<16xi32> to vector<16x1xi32>
    %gather3A_531 = vector.shape_cast %broadcast_in_dim3A_530 : vector<16x1xi32> to vector<16xi32>
    %gather3A_532 = tpu.dynamic_gather %get3A_35[%gather3A_531] in [0] : vector<16xf32>, vector<16xi32> -> vector<16xf32>
    %le3A_533 = arith.cmpf ole, %gather3A_532, %convert_element_type3A_453 : vector<16xf32>
    %jit3A_534 = arith.constant 1 : i32
    %jit3A_535 = arith.constant 0 : i32
    %broadcast_in_dim3A_536 = vector.broadcast %jit3A_534 : i32 to vector<16xi32>
    %broadcast_in_dim3A_537 = vector.broadcast %jit3A_535 : i32 to vector<16xi32>
    %select_n3A_538 = arith.select %le3A_533, %broadcast_in_dim3A_536, %broadcast_in_dim3A_537 : vector<16xi1>, vector<16xi32>
    %add3A_539 = arith.addi %add3A_527, %select_n3A_538 : vector<16xi32>
    %broadcast_in_dim3A_540 = arith.constant 7 : i32
    %broadcast_in_dim3A_541 = vector.broadcast %broadcast_in_dim3A_540 : i32 to vector<16xi32>
    %broadcast_in_dim3A_542 = vector.shape_cast %broadcast_in_dim3A_541 : vector<16xi32> to vector<16x1xi32>
    %gather3A_543 = vector.shape_cast %broadcast_in_dim3A_542 : vector<16x1xi32> to vector<16xi32>
    %gather3A_544 = tpu.dynamic_gather %get3A_35[%gather3A_543] in [0] : vector<16xf32>, vector<16xi32> -> vector<16xf32>
    %le3A_545 = arith.cmpf ole, %gather3A_544, %convert_element_type3A_453 : vector<16xf32>
    %jit3A_546 = arith.constant 1 : i32
    %jit3A_547 = arith.constant 0 : i32
    %broadcast_in_dim3A_548 = vector.broadcast %jit3A_546 : i32 to vector<16xi32>
    %broadcast_in_dim3A_549 = vector.broadcast %jit3A_547 : i32 to vector<16xi32>
    %select_n3A_550 = arith.select %le3A_545, %broadcast_in_dim3A_548, %broadcast_in_dim3A_549 : vector<16xi1>, vector<16xi32>
    %add3A_551 = arith.addi %add3A_539, %select_n3A_550 : vector<16xi32>
    %broadcast_in_dim3A_552 = arith.constant 8 : i32
    %broadcast_in_dim3A_553 = vector.broadcast %broadcast_in_dim3A_552 : i32 to vector<16xi32>
    %broadcast_in_dim3A_554 = vector.shape_cast %broadcast_in_dim3A_553 : vector<16xi32> to vector<16x1xi32>
    %gather3A_555 = vector.shape_cast %broadcast_in_dim3A_554 : vector<16x1xi32> to vector<16xi32>
    %gather3A_556 = tpu.dynamic_gather %get3A_35[%gather3A_555] in [0] : vector<16xf32>, vector<16xi32> -> vector<16xf32>
    %le3A_557 = arith.cmpf ole, %gather3A_556, %convert_element_type3A_453 : vector<16xf32>
    %jit3A_558 = arith.constant 1 : i32
    %jit3A_559 = arith.constant 0 : i32
    %broadcast_in_dim3A_560 = vector.broadcast %jit3A_558 : i32 to vector<16xi32>
    %broadcast_in_dim3A_561 = vector.broadcast %jit3A_559 : i32 to vector<16xi32>
    %select_n3A_562 = arith.select %le3A_557, %broadcast_in_dim3A_560, %broadcast_in_dim3A_561 : vector<16xi1>, vector<16xi32>
    %add3A_563 = arith.addi %add3A_551, %select_n3A_562 : vector<16xi32>
    %broadcast_in_dim3A_564 = arith.constant 9 : i32
    %broadcast_in_dim3A_565 = vector.broadcast %broadcast_in_dim3A_564 : i32 to vector<16xi32>
    %broadcast_in_dim3A_566 = vector.shape_cast %broadcast_in_dim3A_565 : vector<16xi32> to vector<16x1xi32>
    %gather3A_567 = vector.shape_cast %broadcast_in_dim3A_566 : vector<16x1xi32> to vector<16xi32>
    %gather3A_568 = tpu.dynamic_gather %get3A_35[%gather3A_567] in [0] : vector<16xf32>, vector<16xi32> -> vector<16xf32>
    %le3A_569 = arith.cmpf ole, %gather3A_568, %convert_element_type3A_453 : vector<16xf32>
    %jit3A_570 = arith.constant 1 : i32
    %jit3A_571 = arith.constant 0 : i32
    %broadcast_in_dim3A_572 = vector.broadcast %jit3A_570 : i32 to vector<16xi32>
    %broadcast_in_dim3A_573 = vector.broadcast %jit3A_571 : i32 to vector<16xi32>
    %select_n3A_574 = arith.select %le3A_569, %broadcast_in_dim3A_572, %broadcast_in_dim3A_573 : vector<16xi1>, vector<16xi32>
    %add3A_575 = arith.addi %add3A_563, %select_n3A_574 : vector<16xi32>
    %broadcast_in_dim3A_576 = arith.constant 10 : i32
    %broadcast_in_dim3A_577 = vector.broadcast %broadcast_in_dim3A_576 : i32 to vector<16xi32>
    %broadcast_in_dim3A_578 = vector.shape_cast %broadcast_in_dim3A_577 : vector<16xi32> to vector<16x1xi32>
    %gather3A_579 = vector.shape_cast %broadcast_in_dim3A_578 : vector<16x1xi32> to vector<16xi32>
    %gather3A_580 = tpu.dynamic_gather %get3A_35[%gather3A_579] in [0] : vector<16xf32>, vector<16xi32> -> vector<16xf32>
    %le3A_581 = arith.cmpf ole, %gather3A_580, %convert_element_type3A_453 : vector<16xf32>
    %jit3A_582 = arith.constant 1 : i32
    %jit3A_583 = arith.constant 0 : i32
    %broadcast_in_dim3A_584 = vector.broadcast %jit3A_582 : i32 to vector<16xi32>
    %broadcast_in_dim3A_585 = vector.broadcast %jit3A_583 : i32 to vector<16xi32>
    %select_n3A_586 = arith.select %le3A_581, %broadcast_in_dim3A_584, %broadcast_in_dim3A_585 : vector<16xi1>, vector<16xi32>
    %add3A_587 = arith.addi %add3A_575, %select_n3A_586 : vector<16xi32>
    %broadcast_in_dim3A_588 = arith.constant 11 : i32
    %broadcast_in_dim3A_589 = vector.broadcast %broadcast_in_dim3A_588 : i32 to vector<16xi32>
    %broadcast_in_dim3A_590 = vector.shape_cast %broadcast_in_dim3A_589 : vector<16xi32> to vector<16x1xi32>
    %gather3A_591 = vector.shape_cast %broadcast_in_dim3A_590 : vector<16x1xi32> to vector<16xi32>
    %gather3A_592 = tpu.dynamic_gather %get3A_35[%gather3A_591] in [0] : vector<16xf32>, vector<16xi32> -> vector<16xf32>
    %le3A_593 = arith.cmpf ole, %gather3A_592, %convert_element_type3A_453 : vector<16xf32>
    %jit3A_594 = arith.constant 1 : i32
    %jit3A_595 = arith.constant 0 : i32
    %broadcast_in_dim3A_596 = vector.broadcast %jit3A_594 : i32 to vector<16xi32>
    %broadcast_in_dim3A_597 = vector.broadcast %jit3A_595 : i32 to vector<16xi32>
    %select_n3A_598 = arith.select %le3A_593, %broadcast_in_dim3A_596, %broadcast_in_dim3A_597 : vector<16xi1>, vector<16xi32>
    %add3A_599 = arith.addi %add3A_587, %select_n3A_598 : vector<16xi32>
    %broadcast_in_dim3A_600 = arith.constant 12 : i32
    %broadcast_in_dim3A_601 = vector.broadcast %broadcast_in_dim3A_600 : i32 to vector<16xi32>
    %broadcast_in_dim3A_602 = vector.shape_cast %broadcast_in_dim3A_601 : vector<16xi32> to vector<16x1xi32>
    %gather3A_603 = vector.shape_cast %broadcast_in_dim3A_602 : vector<16x1xi32> to vector<16xi32>
    %gather3A_604 = tpu.dynamic_gather %get3A_35[%gather3A_603] in [0] : vector<16xf32>, vector<16xi32> -> vector<16xf32>
    %le3A_605 = arith.cmpf ole, %gather3A_604, %convert_element_type3A_453 : vector<16xf32>
    %jit3A_606 = arith.constant 1 : i32
    %jit3A_607 = arith.constant 0 : i32
    %broadcast_in_dim3A_608 = vector.broadcast %jit3A_606 : i32 to vector<16xi32>
    %broadcast_in_dim3A_609 = vector.broadcast %jit3A_607 : i32 to vector<16xi32>
    %select_n3A_610 = arith.select %le3A_605, %broadcast_in_dim3A_608, %broadcast_in_dim3A_609 : vector<16xi1>, vector<16xi32>
    %add3A_611 = arith.addi %add3A_599, %select_n3A_610 : vector<16xi32>
    %broadcast_in_dim3A_612 = arith.constant 13 : i32
    %broadcast_in_dim3A_613 = vector.broadcast %broadcast_in_dim3A_612 : i32 to vector<16xi32>
    %broadcast_in_dim3A_614 = vector.shape_cast %broadcast_in_dim3A_613 : vector<16xi32> to vector<16x1xi32>
    %gather3A_615 = vector.shape_cast %broadcast_in_dim3A_614 : vector<16x1xi32> to vector<16xi32>
    %gather3A_616 = tpu.dynamic_gather %get3A_35[%gather3A_615] in [0] : vector<16xf32>, vector<16xi32> -> vector<16xf32>
    %le3A_617 = arith.cmpf ole, %gather3A_616, %convert_element_type3A_453 : vector<16xf32>
    %jit3A_618 = arith.constant 1 : i32
    %jit3A_619 = arith.constant 0 : i32
    %broadcast_in_dim3A_620 = vector.broadcast %jit3A_618 : i32 to vector<16xi32>
    %broadcast_in_dim3A_621 = vector.broadcast %jit3A_619 : i32 to vector<16xi32>
    %select_n3A_622 = arith.select %le3A_617, %broadcast_in_dim3A_620, %broadcast_in_dim3A_621 : vector<16xi1>, vector<16xi32>
    %add3A_623 = arith.addi %add3A_611, %select_n3A_622 : vector<16xi32>
    %broadcast_in_dim3A_624 = arith.constant 14 : i32
    %broadcast_in_dim3A_625 = vector.broadcast %broadcast_in_dim3A_624 : i32 to vector<16xi32>
    %broadcast_in_dim3A_626 = vector.shape_cast %broadcast_in_dim3A_625 : vector<16xi32> to vector<16x1xi32>
    %gather3A_627 = vector.shape_cast %broadcast_in_dim3A_626 : vector<16x1xi32> to vector<16xi32>
    %gather3A_628 = tpu.dynamic_gather %get3A_35[%gather3A_627] in [0] : vector<16xf32>, vector<16xi32> -> vector<16xf32>
    %le3A_629 = arith.cmpf ole, %gather3A_628, %convert_element_type3A_453 : vector<16xf32>
    %jit3A_630 = arith.constant 1 : i32
    %jit3A_631 = arith.constant 0 : i32
    %broadcast_in_dim3A_632 = vector.broadcast %jit3A_630 : i32 to vector<16xi32>
    %broadcast_in_dim3A_633 = vector.broadcast %jit3A_631 : i32 to vector<16xi32>
    %select_n3A_634 = arith.select %le3A_629, %broadcast_in_dim3A_632, %broadcast_in_dim3A_633 : vector<16xi1>, vector<16xi32>
    %add3A_635 = arith.addi %add3A_623, %select_n3A_634 : vector<16xi32>
    %broadcast_in_dim3A_636 = arith.constant 15 : i32
    %broadcast_in_dim3A_637 = vector.broadcast %broadcast_in_dim3A_636 : i32 to vector<16xi32>
    %broadcast_in_dim3A_638 = vector.shape_cast %broadcast_in_dim3A_637 : vector<16xi32> to vector<16x1xi32>
    %gather3A_639 = vector.shape_cast %broadcast_in_dim3A_638 : vector<16x1xi32> to vector<16xi32>
    %gather3A_640 = tpu.dynamic_gather %get3A_35[%gather3A_639] in [0] : vector<16xf32>, vector<16xi32> -> vector<16xf32>
    %le3A_641 = arith.cmpf ole, %gather3A_640, %convert_element_type3A_453 : vector<16xf32>
    %jit3A_642 = arith.constant 1 : i32
    %jit3A_643 = arith.constant 0 : i32
    %broadcast_in_dim3A_644 = vector.broadcast %jit3A_642 : i32 to vector<16xi32>
    %broadcast_in_dim3A_645 = vector.broadcast %jit3A_643 : i32 to vector<16xi32>
    %select_n3A_646 = arith.select %le3A_641, %broadcast_in_dim3A_644, %broadcast_in_dim3A_645 : vector<16xi1>, vector<16xi32>
    %add3A_647 = arith.addi %add3A_635, %select_n3A_646 : vector<16xi32>
    %swap3A_648 = arith.constant 32 : index
    %swap3A_649 = tpu.vector_load %arg8[%swap3A_648] {strides = array<i32>} : memref<128xi32, #tpu.memory_space<vmem>>, vector<16xi32>,
    tpu.vector_store %arg8[%swap3A_648], %add3A_647 {strides = array<i32>} : memref<128xi32, #tpu.memory_space<vmem>>, vector<16xi32>,
    %add3A_650 = arith.constant 48 : i32
    %add3A_651 = vector.broadcast %add3A_650 : i32 to vector<16xi32>
    %add3A_652 = arith.addi %iota3A, %add3A_651 : vector<16xi32>
    %convert_element_type3A_653 = arith.sitofp %add3A_652 : vector<16xi32> to vector<16xf32>
    %broadcast_in_dim3A_654 = arith.constant 0 : i32
    %broadcast_in_dim3A_655 = vector.broadcast %broadcast_in_dim3A_654 : i32 to vector<16xi32>
    %broadcast_in_dim3A_656 = arith.constant 0 : i32
    %broadcast_in_dim3A_657 = vector.broadcast %broadcast_in_dim3A_656 : i32 to vector<16xi32>
    %broadcast_in_dim3A_658 = vector.shape_cast %broadcast_in_dim3A_657 : vector<16xi32> to vector<16x1xi32>
    %gather3A_659 = vector.shape_cast %broadcast_in_dim3A_658 : vector<16x1xi32> to vector<16xi32>
    %gather3A_660 = tpu.dynamic_gather %get3A_35[%gather3A_659] in [0] : vector<16xf32>, vector<16xi32> -> vector<16xf32>
    %le3A_661 = arith.cmpf ole, %gather3A_660, %convert_element_type3A_653 : vector<16xf32>
    %jit3A_662 = arith.constant 1 : i32
    %jit3A_663 = arith.constant 0 : i32
    %broadcast_in_dim3A_664 = vector.broadcast %jit3A_662 : i32 to vector<16xi32>
    %broadcast_in_dim3A_665 = vector.broadcast %jit3A_663 : i32 to vector<16xi32>
    %select_n3A_666 = arith.select %le3A_661, %broadcast_in_dim3A_664, %broadcast_in_dim3A_665 : vector<16xi1>, vector<16xi32>
    %add3A_667 = arith.addi %broadcast_in_dim3A_655, %select_n3A_666 : vector<16xi32>
    %broadcast_in_dim3A_668 = arith.constant 1 : i32
    %broadcast_in_dim3A_669 = vector.broadcast %broadcast_in_dim3A_668 : i32 to vector<16xi32>
    %broadcast_in_dim3A_670 = vector.shape_cast %broadcast_in_dim3A_669 : vector<16xi32> to vector<16x1xi32>
    %gather3A_671 = vector.shape_cast %broadcast_in_dim3A_670 : vector<16x1xi32> to vector<16xi32>
    %gather3A_672 = tpu.dynamic_gather %get3A_35[%gather3A_671] in [0] : vector<16xf32>, vector<16xi32> -> vector<16xf32>
    %le3A_673 = arith.cmpf ole, %gather3A_672, %convert_element_type3A_653 : vector<16xf32>
    %jit3A_674 = arith.constant 1 : i32
    %jit3A_675 = arith.constant 0 : i32
    %broadcast_in_dim3A_676 = vector.broadcast %jit3A_674 : i32 to vector<16xi32>
    %broadcast_in_dim3A_677 = vector.broadcast %jit3A_675 : i32 to vector<16xi32>
    %select_n3A_678 = arith.select %le3A_673, %broadcast_in_dim3A_676, %broadcast_in_dim3A_677 : vector<16xi1>, vector<16xi32>
    %add3A_679 = arith.addi %add3A_667, %select_n3A_678 : vector<16xi32>
    %broadcast_in_dim3A_680 = arith.constant 2 : i32
    %broadcast_in_dim3A_681 = vector.broadcast %broadcast_in_dim3A_680 : i32 to vector<16xi32>
    %broadcast_in_dim3A_682 = vector.shape_cast %broadcast_in_dim3A_681 : vector<16xi32> to vector<16x1xi32>
    %gather3A_683 = vector.shape_cast %broadcast_in_dim3A_682 : vector<16x1xi32> to vector<16xi32>
    %gather3A_684 = tpu.dynamic_gather %get3A_35[%gather3A_683] in [0] : vector<16xf32>, vector<16xi32> -> vector<16xf32>
    %le3A_685 = arith.cmpf ole, %gather3A_684, %convert_element_type3A_653 : vector<16xf32>
    %jit3A_686 = arith.constant 1 : i32
    %jit3A_687 = arith.constant 0 : i32
    %broadcast_in_dim3A_688 = vector.broadcast %jit3A_686 : i32 to vector<16xi32>
    %broadcast_in_dim3A_689 = vector.broadcast %jit3A_687 : i32 to vector<16xi32>
    %select_n3A_690 = arith.select %le3A_685, %broadcast_in_dim3A_688, %broadcast_in_dim3A_689 : vector<16xi1>, vector<16xi32>
    %add3A_691 = arith.addi %add3A_679, %select_n3A_690 : vector<16xi32>
    %broadcast_in_dim3A_692 = arith.constant 3 : i32
    %broadcast_in_dim3A_693 = vector.broadcast %broadcast_in_dim3A_692 : i32 to vector<16xi32>
    %broadcast_in_dim3A_694 = vector.shape_cast %broadcast_in_dim3A_693 : vector<16xi32> to vector<16x1xi32>
    %gather3A_695 = vector.shape_cast %broadcast_in_dim3A_694 : vector<16x1xi32> to vector<16xi32>
    %gather3A_696 = tpu.dynamic_gather %get3A_35[%gather3A_695] in [0] : vector<16xf32>, vector<16xi32> -> vector<16xf32>
    %le3A_697 = arith.cmpf ole, %gather3A_696, %convert_element_type3A_653 : vector<16xf32>
    %jit3A_698 = arith.constant 1 : i32
    %jit3A_699 = arith.constant 0 : i32
    %broadcast_in_dim3A_700 = vector.broadcast %jit3A_698 : i32 to vector<16xi32>
    %broadcast_in_dim3A_701 = vector.broadcast %jit3A_699 : i32 to vector<16xi32>
    %select_n3A_702 = arith.select %le3A_697, %broadcast_in_dim3A_700, %broadcast_in_dim3A_701 : vector<16xi1>, vector<16xi32>
    %add3A_703 = arith.addi %add3A_691, %select_n3A_702 : vector<16xi32>
    %broadcast_in_dim3A_704 = arith.constant 4 : i32
    %broadcast_in_dim3A_705 = vector.broadcast %broadcast_in_dim3A_704 : i32 to vector<16xi32>
    %broadcast_in_dim3A_706 = vector.shape_cast %broadcast_in_dim3A_705 : vector<16xi32> to vector<16x1xi32>
    %gather3A_707 = vector.shape_cast %broadcast_in_dim3A_706 : vector<16x1xi32> to vector<16xi32>
    %gather3A_708 = tpu.dynamic_gather %get3A_35[%gather3A_707] in [0] : vector<16xf32>, vector<16xi32> -> vector<16xf32>
    %le3A_709 = arith.cmpf ole, %gather3A_708, %convert_element_type3A_653 : vector<16xf32>
    %jit3A_710 = arith.constant 1 : i32
    %jit3A_711 = arith.constant 0 : i32
    %broadcast_in_dim3A_712 = vector.broadcast %jit3A_710 : i32 to vector<16xi32>
    %broadcast_in_dim3A_713 = vector.broadcast %jit3A_711 : i32 to vector<16xi32>
    %select_n3A_714 = arith.select %le3A_709, %broadcast_in_dim3A_712, %broadcast_in_dim3A_713 : vector<16xi1>, vector<16xi32>
    %add3A_715 = arith.addi %add3A_703, %select_n3A_714 : vector<16xi32>
    %broadcast_in_dim3A_716 = arith.constant 5 : i32
    %broadcast_in_dim3A_717 = vector.broadcast %broadcast_in_dim3A_716 : i32 to vector<16xi32>
    %broadcast_in_dim3A_718 = vector.shape_cast %broadcast_in_dim3A_717 : vector<16xi32> to vector<16x1xi32>
    %gather3A_719 = vector.shape_cast %broadcast_in_dim3A_718 : vector<16x1xi32> to vector<16xi32>
    %gather3A_720 = tpu.dynamic_gather %get3A_35[%gather3A_719] in [0] : vector<16xf32>, vector<16xi32> -> vector<16xf32>
    %le3A_721 = arith.cmpf ole, %gather3A_720, %convert_element_type3A_653 : vector<16xf32>
    %jit3A_722 = arith.constant 1 : i32
    %jit3A_723 = arith.constant 0 : i32
    %broadcast_in_dim3A_724 = vector.broadcast %jit3A_722 : i32 to vector<16xi32>
    %broadcast_in_dim3A_725 = vector.broadcast %jit3A_723 : i32 to vector<16xi32>
    %select_n3A_726 = arith.select %le3A_721, %broadcast_in_dim3A_724, %broadcast_in_dim3A_725 : vector<16xi1>, vector<16xi32>
    %add3A_727 = arith.addi %add3A_715, %select_n3A_726 : vector<16xi32>
    %broadcast_in_dim3A_728 = arith.constant 6 : i32
    %broadcast_in_dim3A_729 = vector.broadcast %broadcast_in_dim3A_728 : i32 to vector<16xi32>
    %broadcast_in_dim3A_730 = vector.shape_cast %broadcast_in_dim3A_729 : vector<16xi32> to vector<16x1xi32>
    %gather3A_731 = vector.shape_cast %broadcast_in_dim3A_730 : vector<16x1xi32> to vector<16xi32>
    %gather3A_732 = tpu.dynamic_gather %get3A_35[%gather3A_731] in [0] : vector<16xf32>, vector<16xi32> -> vector<16xf32>
    %le3A_733 = arith.cmpf ole, %gather3A_732, %convert_element_type3A_653 : vector<16xf32>
    %jit3A_734 = arith.constant 1 : i32
    %jit3A_735 = arith.constant 0 : i32
    %broadcast_in_dim3A_736 = vector.broadcast %jit3A_734 : i32 to vector<16xi32>
    %broadcast_in_dim3A_737 = vector.broadcast %jit3A_735 : i32 to vector<16xi32>
    %select_n3A_738 = arith.select %le3A_733, %broadcast_in_dim3A_736, %broadcast_in_dim3A_737 : vector<16xi1>, vector<16xi32>
    %add3A_739 = arith.addi %add3A_727, %select_n3A_738 : vector<16xi32>
    %broadcast_in_dim3A_740 = arith.constant 7 : i32
    %broadcast_in_dim3A_741 = vector.broadcast %broadcast_in_dim3A_740 : i32 to vector<16xi32>
    %broadcast_in_dim3A_742 = vector.shape_cast %broadcast_in_dim3A_741 : vector<16xi32> to vector<16x1xi32>
    %gather3A_743 = vector.shape_cast %broadcast_in_dim3A_742 : vector<16x1xi32> to vector<16xi32>
    %gather3A_744 = tpu.dynamic_gather %get3A_35[%gather3A_743] in [0] : vector<16xf32>, vector<16xi32> -> vector<16xf32>
    %le3A_745 = arith.cmpf ole, %gather3A_744, %convert_element_type3A_653 : vector<16xf32>
    %jit3A_746 = arith.constant 1 : i32
    %jit3A_747 = arith.constant 0 : i32
    %broadcast_in_dim3A_748 = vector.broadcast %jit3A_746 : i32 to vector<16xi32>
    %broadcast_in_dim3A_749 = vector.broadcast %jit3A_747 : i32 to vector<16xi32>
    %select_n3A_750 = arith.select %le3A_745, %broadcast_in_dim3A_748, %broadcast_in_dim3A_749 : vector<16xi1>, vector<16xi32>
    %add3A_751 = arith.addi %add3A_739, %select_n3A_750 : vector<16xi32>
    %broadcast_in_dim3A_752 = arith.constant 8 : i32
    %broadcast_in_dim3A_753 = vector.broadcast %broadcast_in_dim3A_752 : i32 to vector<16xi32>
    %broadcast_in_dim3A_754 = vector.shape_cast %broadcast_in_dim3A_753 : vector<16xi32> to vector<16x1xi32>
    %gather3A_755 = vector.shape_cast %broadcast_in_dim3A_754 : vector<16x1xi32> to vector<16xi32>
    %gather3A_756 = tpu.dynamic_gather %get3A_35[%gather3A_755] in [0] : vector<16xf32>, vector<16xi32> -> vector<16xf32>
    %le3A_757 = arith.cmpf ole, %gather3A_756, %convert_element_type3A_653 : vector<16xf32>
    %jit3A_758 = arith.constant 1 : i32
    %jit3A_759 = arith.constant 0 : i32
    %broadcast_in_dim3A_760 = vector.broadcast %jit3A_758 : i32 to vector<16xi32>
    %broadcast_in_dim3A_761 = vector.broadcast %jit3A_759 : i32 to vector<16xi32>
    %select_n3A_762 = arith.select %le3A_757, %broadcast_in_dim3A_760, %broadcast_in_dim3A_761 : vector<16xi1>, vector<16xi32>
    %add3A_763 = arith.addi %add3A_751, %select_n3A_762 : vector<16xi32>
    %broadcast_in_dim3A_764 = arith.constant 9 : i32
    %broadcast_in_dim3A_765 = vector.broadcast %broadcast_in_dim3A_764 : i32 to vector<16xi32>
    %broadcast_in_dim3A_766 = vector.shape_cast %broadcast_in_dim3A_765 : vector<16xi32> to vector<16x1xi32>
    %gather3A_767 = vector.shape_cast %broadcast_in_dim3A_766 : vector<16x1xi32> to vector<16xi32>
    %gather3A_768 = tpu.dynamic_gather %get3A_35[%gather3A_767] in [0] : vector<16xf32>, vector<16xi32> -> vector<16xf32>
    %le3A_769 = arith.cmpf ole, %gather3A_768, %convert_element_type3A_653 : vector<16xf32>
    %jit3A_770 = arith.constant 1 : i32
    %jit3A_771 = arith.constant 0 : i32
    %broadcast_in_dim3A_772 = vector.broadcast %jit3A_770 : i32 to vector<16xi32>
    %broadcast_in_dim3A_773 = vector.broadcast %jit3A_771 : i32 to vector<16xi32>
    %select_n3A_774 = arith.select %le3A_769, %broadcast_in_dim3A_772, %broadcast_in_dim3A_773 : vector<16xi1>, vector<16xi32>
    %add3A_775 = arith.addi %add3A_763, %select_n3A_774 : vector<16xi32>
    %broadcast_in_dim3A_776 = arith.constant 10 : i32
    %broadcast_in_dim3A_777 = vector.broadcast %broadcast_in_dim3A_776 : i32 to vector<16xi32>
    %broadcast_in_dim3A_778 = vector.shape_cast %broadcast_in_dim3A_777 : vector<16xi32> to vector<16x1xi32>
    %gather3A_779 = vector.shape_cast %broadcast_in_dim3A_778 : vector<16x1xi32> to vector<16xi32>
    %gather3A_780 = tpu.dynamic_gather %get3A_35[%gather3A_779] in [0] : vector<16xf32>, vector<16xi32> -> vector<16xf32>
    %le3A_781 = arith.cmpf ole, %gather3A_780, %convert_element_type3A_653 : vector<16xf32>
    %jit3A_782 = arith.constant 1 : i32
    %jit3A_783 = arith.constant 0 : i32
    %broadcast_in_dim3A_784 = vector.broadcast %jit3A_782 : i32 to vector<16xi32>
    %broadcast_in_dim3A_785 = vector.broadcast %jit3A_783 : i32 to vector<16xi32>
    %select_n3A_786 = arith.select %le3A_781, %broadcast_in_dim3A_784, %broadcast_in_dim3A_785 : vector<16xi1>, vector<16xi32>
    %add3A_787 = arith.addi %add3A_775, %select_n3A_786 : vector<16xi32>
    %broadcast_in_dim3A_788 = arith.constant 11 : i32
    %broadcast_in_dim3A_789 = vector.broadcast %broadcast_in_dim3A_788 : i32 to vector<16xi32>
    %broadcast_in_dim3A_790 = vector.shape_cast %broadcast_in_dim3A_789 : vector<16xi32> to vector<16x1xi32>
    %gather3A_791 = vector.shape_cast %broadcast_in_dim3A_790 : vector<16x1xi32> to vector<16xi32>
    %gather3A_792 = tpu.dynamic_gather %get3A_35[%gather3A_791] in [0] : vector<16xf32>, vector<16xi32> -> vector<16xf32>
    %le3A_793 = arith.cmpf ole, %gather3A_792, %convert_element_type3A_653 : vector<16xf32>
    %jit3A_794 = arith.constant 1 : i32
    %jit3A_795 = arith.constant 0 : i32
    %broadcast_in_dim3A_796 = vector.broadcast %jit3A_794 : i32 to vector<16xi32>
    %broadcast_in_dim3A_797 = vector.broadcast %jit3A_795 : i32 to vector<16xi32>
    %select_n3A_798 = arith.select %le3A_793, %broadcast_in_dim3A_796, %broadcast_in_dim3A_797 : vector<16xi1>, vector<16xi32>
    %add3A_799 = arith.addi %add3A_787, %select_n3A_798 : vector<16xi32>
    %broadcast_in_dim3A_800 = arith.constant 12 : i32
    %broadcast_in_dim3A_801 = vector.broadcast %broadcast_in_dim3A_800 : i32 to vector<16xi32>
    %broadcast_in_dim3A_802 = vector.shape_cast %broadcast_in_dim3A_801 : vector<16xi32> to vector<16x1xi32>
    %gather3A_803 = vector.shape_cast %broadcast_in_dim3A_802 : vector<16x1xi32> to vector<16xi32>
    %gather3A_804 = tpu.dynamic_gather %get3A_35[%gather3A_803] in [0] : vector<16xf32>, vector<16xi32> -> vector<16xf32>
    %le3A_805 = arith.cmpf ole, %gather3A_804, %convert_element_type3A_653 : vector<16xf32>
    %jit3A_806 = arith.constant 1 : i32
    %jit3A_807 = arith.constant 0 : i32
    %broadcast_in_dim3A_808 = vector.broadcast %jit3A_806 : i32 to vector<16xi32>
    %broadcast_in_dim3A_809 = vector.broadcast %jit3A_807 : i32 to vector<16xi32>
    %select_n3A_810 = arith.select %le3A_805, %broadcast_in_dim3A_808, %broadcast_in_dim3A_809 : vector<16xi1>, vector<16xi32>
    %add3A_811 = arith.addi %add3A_799, %select_n3A_810 : vector<16xi32>
    %broadcast_in_dim3A_812 = arith.constant 13 : i32
    %broadcast_in_dim3A_813 = vector.broadcast %broadcast_in_dim3A_812 : i32 to vector<16xi32>
    %broadcast_in_dim3A_814 = vector.shape_cast %broadcast_in_dim3A_813 : vector<16xi32> to vector<16x1xi32>
    %gather3A_815 = vector.shape_cast %broadcast_in_dim3A_814 : vector<16x1xi32> to vector<16xi32>
    %gather3A_816 = tpu.dynamic_gather %get3A_35[%gather3A_815] in [0] : vector<16xf32>, vector<16xi32> -> vector<16xf32>
    %le3A_817 = arith.cmpf ole, %gather3A_816, %convert_element_type3A_653 : vector<16xf32>
    %jit3A_818 = arith.constant 1 : i32
    %jit3A_819 = arith.constant 0 : i32
    %broadcast_in_dim3A_820 = vector.broadcast %jit3A_818 : i32 to vector<16xi32>
    %broadcast_in_dim3A_821 = vector.broadcast %jit3A_819 : i32 to vector<16xi32>
    %select_n3A_822 = arith.select %le3A_817, %broadcast_in_dim3A_820, %broadcast_in_dim3A_821 : vector<16xi1>, vector<16xi32>
    %add3A_823 = arith.addi %add3A_811, %select_n3A_822 : vector<16xi32>
    %broadcast_in_dim3A_824 = arith.constant 14 : i32
    %broadcast_in_dim3A_825 = vector.broadcast %broadcast_in_dim3A_824 : i32 to vector<16xi32>
    %broadcast_in_dim3A_826 = vector.shape_cast %broadcast_in_dim3A_825 : vector<16xi32> to vector<16x1xi32>
    %gather3A_827 = vector.shape_cast %broadcast_in_dim3A_826 : vector<16x1xi32> to vector<16xi32>
    %gather3A_828 = tpu.dynamic_gather %get3A_35[%gather3A_827] in [0] : vector<16xf32>, vector<16xi32> -> vector<16xf32>
    %le3A_829 = arith.cmpf ole, %gather3A_828, %convert_element_type3A_653 : vector<16xf32>
    %jit3A_830 = arith.constant 1 : i32
    %jit3A_831 = arith.constant 0 : i32
    %broadcast_in_dim3A_832 = vector.broadcast %jit3A_830 : i32 to vector<16xi32>
    %broadcast_in_dim3A_833 = vector.broadcast %jit3A_831 : i32 to vector<16xi32>
    %select_n3A_834 = arith.select %le3A_829, %broadcast_in_dim3A_832, %broadcast_in_dim3A_833 : vector<16xi1>, vector<16xi32>
    %add3A_835 = arith.addi %add3A_823, %select_n3A_834 : vector<16xi32>
    %broadcast_in_dim3A_836 = arith.constant 15 : i32
    %broadcast_in_dim3A_837 = vector.broadcast %broadcast_in_dim3A_836 : i32 to vector<16xi32>
    %broadcast_in_dim3A_838 = vector.shape_cast %broadcast_in_dim3A_837 : vector<16xi32> to vector<16x1xi32>
    %gather3A_839 = vector.shape_cast %broadcast_in_dim3A_838 : vector<16x1xi32> to vector<16xi32>
    %gather3A_840 = tpu.dynamic_gather %get3A_35[%gather3A_839] in [0] : vector<16xf32>, vector<16xi32> -> vector<16xf32>
    %le3A_841 = arith.cmpf ole, %gather3A_840, %convert_element_type3A_653 : vector<16xf32>
    %jit3A_842 = arith.constant 1 : i32
    %jit3A_843 = arith.constant 0 : i32
    %broadcast_in_dim3A_844 = vector.broadcast %jit3A_842 : i32 to vector<16xi32>
    %broadcast_in_dim3A_845 = vector.broadcast %jit3A_843 : i32 to vector<16xi32>
    %select_n3A_846 = arith.select %le3A_841, %broadcast_in_dim3A_844, %broadcast_in_dim3A_845 : vector<16xi1>, vector<16xi32>
    %add3A_847 = arith.addi %add3A_835, %select_n3A_846 : vector<16xi32>
    %swap3A_848 = arith.constant 48 : index
    %swap3A_849 = tpu.vector_load %arg8[%swap3A_848] {strides = array<i32>} : memref<128xi32, #tpu.memory_space<vmem>>, vector<16xi32>,
    tpu.vector_store %arg8[%swap3A_848], %add3A_847 {strides = array<i32>} : memref<128xi32, #tpu.memory_space<vmem>>, vector<16xi32>,
    %add3A_850 = arith.constant 64 : i32
    %add3A_851 = vector.broadcast %add3A_850 : i32 to vector<16xi32>
    %add3A_852 = arith.addi %iota3A, %add3A_851 : vector<16xi32>
    %convert_element_type3A_853 = arith.sitofp %add3A_852 : vector<16xi32> to vector<16xf32>
    %broadcast_in_dim3A_854 = arith.constant 0 : i32
    %broadcast_in_dim3A_855 = vector.broadcast %broadcast_in_dim3A_854 : i32 to vector<16xi32>
    %broadcast_in_dim3A_856 = arith.constant 0 : i32
    %broadcast_in_dim3A_857 = vector.broadcast %broadcast_in_dim3A_856 : i32 to vector<16xi32>
    %broadcast_in_dim3A_858 = vector.shape_cast %broadcast_in_dim3A_857 : vector<16xi32> to vector<16x1xi32>
    %gather3A_859 = vector.shape_cast %broadcast_in_dim3A_858 : vector<16x1xi32> to vector<16xi32>
    %gather3A_860 = tpu.dynamic_gather %get3A_35[%gather3A_859] in [0] : vector<16xf32>, vector<16xi32> -> vector<16xf32>
    %le3A_861 = arith.cmpf ole, %gather3A_860, %convert_element_type3A_853 : vector<16xf32>
    %jit3A_862 = arith.constant 1 : i32
    %jit3A_863 = arith.constant 0 : i32
    %broadcast_in_dim3A_864 = vector.broadcast %jit3A_862 : i32 to vector<16xi32>
    %broadcast_in_dim3A_865 = vector.broadcast %jit3A_863 : i32 to vector<16xi32>
    %select_n3A_866 = arith.select %le3A_861, %broadcast_in_dim3A_864, %broadcast_in_dim3A_865 : vector<16xi1>, vector<16xi32>
    %add3A_867 = arith.addi %broadcast_in_dim3A_855, %select_n3A_866 : vector<16xi32>
    %broadcast_in_dim3A_868 = arith.constant 1 : i32
    %broadcast_in_dim3A_869 = vector.broadcast %broadcast_in_dim3A_868 : i32 to vector<16xi32>
    %broadcast_in_dim3A_870 = vector.shape_cast %broadcast_in_dim3A_869 : vector<16xi32> to vector<16x1xi32>
    %gather3A_871 = vector.shape_cast %broadcast_in_dim3A_870 : vector<16x1xi32> to vector<16xi32>
    %gather3A_872 = tpu.dynamic_gather %get3A_35[%gather3A_871] in [0] : vector<16xf32>, vector<16xi32> -> vector<16xf32>
    %le3A_873 = arith.cmpf ole, %gather3A_872, %convert_element_type3A_853 : vector<16xf32>
    %jit3A_874 = arith.constant 1 : i32
    %jit3A_875 = arith.constant 0 : i32
    %broadcast_in_dim3A_876 = vector.broadcast %jit3A_874 : i32 to vector<16xi32>
    %broadcast_in_dim3A_877 = vector.broadcast %jit3A_875 : i32 to vector<16xi32>
    %select_n3A_878 = arith.select %le3A_873, %broadcast_in_dim3A_876, %broadcast_in_dim3A_877 : vector<16xi1>, vector<16xi32>
    %add3A_879 = arith.addi %add3A_867, %select_n3A_878 : vector<16xi32>
    %broadcast_in_dim3A_880 = arith.constant 2 : i32
    %broadcast_in_dim3A_881 = vector.broadcast %broadcast_in_dim3A_880 : i32 to vector<16xi32>
    %broadcast_in_dim3A_882 = vector.shape_cast %broadcast_in_dim3A_881 : vector<16xi32> to vector<16x1xi32>
    %gather3A_883 = vector.shape_cast %broadcast_in_dim3A_882 : vector<16x1xi32> to vector<16xi32>
    %gather3A_884 = tpu.dynamic_gather %get3A_35[%gather3A_883] in [0] : vector<16xf32>, vector<16xi32> -> vector<16xf32>
    %le3A_885 = arith.cmpf ole, %gather3A_884, %convert_element_type3A_853 : vector<16xf32>
    %jit3A_886 = arith.constant 1 : i32
    %jit3A_887 = arith.constant 0 : i32
    %broadcast_in_dim3A_888 = vector.broadcast %jit3A_886 : i32 to vector<16xi32>
    %broadcast_in_dim3A_889 = vector.broadcast %jit3A_887 : i32 to vector<16xi32>
    %select_n3A_890 = arith.select %le3A_885, %broadcast_in_dim3A_888, %broadcast_in_dim3A_889 : vector<16xi1>, vector<16xi32>
    %add3A_891 = arith.addi %add3A_879, %select_n3A_890 : vector<16xi32>
    %broadcast_in_dim3A_892 = arith.constant 3 : i32
    %broadcast_in_dim3A_893 = vector.broadcast %broadcast_in_dim3A_892 : i32 to vector<16xi32>
    %broadcast_in_dim3A_894 = vector.shape_cast %broadcast_in_dim3A_893 : vector<16xi32> to vector<16x1xi32>
    %gather3A_895 = vector.shape_cast %broadcast_in_dim3A_894 : vector<16x1xi32> to vector<16xi32>
    %gather3A_896 = tpu.dynamic_gather %get3A_35[%gather3A_895] in [0] : vector<16xf32>, vector<16xi32> -> vector<16xf32>
    %le3A_897 = arith.cmpf ole, %gather3A_896, %convert_element_type3A_853 : vector<16xf32>
    %jit3A_898 = arith.constant 1 : i32
    %jit3A_899 = arith.constant 0 : i32
    %broadcast_in_dim3A_900 = vector.broadcast %jit3A_898 : i32 to vector<16xi32>
    %broadcast_in_dim3A_901 = vector.broadcast %jit3A_899 : i32 to vector<16xi32>
    %select_n3A_902 = arith.select %le3A_897, %broadcast_in_dim3A_900, %broadcast_in_dim3A_901 : vector<16xi1>, vector<16xi32>
    %add3A_903 = arith.addi %add3A_891, %select_n3A_902 : vector<16xi32>
    %broadcast_in_dim3A_904 = arith.constant 4 : i32
    %broadcast_in_dim3A_905 = vector.broadcast %broadcast_in_dim3A_904 : i32 to vector<16xi32>
    %broadcast_in_dim3A_906 = vector.shape_cast %broadcast_in_dim3A_905 : vector<16xi32> to vector<16x1xi32>
    %gather3A_907 = vector.shape_cast %broadcast_in_dim3A_906 : vector<16x1xi32> to vector<16xi32>
    %gather3A_908 = tpu.dynamic_gather %get3A_35[%gather3A_907] in [0] : vector<16xf32>, vector<16xi32> -> vector<16xf32>
    %le3A_909 = arith.cmpf ole, %gather3A_908, %convert_element_type3A_853 : vector<16xf32>
    %jit3A_910 = arith.constant 1 : i32
    %jit3A_911 = arith.constant 0 : i32
    %broadcast_in_dim3A_912 = vector.broadcast %jit3A_910 : i32 to vector<16xi32>
    %broadcast_in_dim3A_913 = vector.broadcast %jit3A_911 : i32 to vector<16xi32>
    %select_n3A_914 = arith.select %le3A_909, %broadcast_in_dim3A_912, %broadcast_in_dim3A_913 : vector<16xi1>, vector<16xi32>
    %add3A_915 = arith.addi %add3A_903, %select_n3A_914 : vector<16xi32>
    %broadcast_in_dim3A_916 = arith.constant 5 : i32
    %broadcast_in_dim3A_917 = vector.broadcast %broadcast_in_dim3A_916 : i32 to vector<16xi32>
    %broadcast_in_dim3A_918 = vector.shape_cast %broadcast_in_dim3A_917 : vector<16xi32> to vector<16x1xi32>
    %gather3A_919 = vector.shape_cast %broadcast_in_dim3A_918 : vector<16x1xi32> to vector<16xi32>
    %gather3A_920 = tpu.dynamic_gather %get3A_35[%gather3A_919] in [0] : vector<16xf32>, vector<16xi32> -> vector<16xf32>
    %le3A_921 = arith.cmpf ole, %gather3A_920, %convert_element_type3A_853 : vector<16xf32>
    %jit3A_922 = arith.constant 1 : i32
    %jit3A_923 = arith.constant 0 : i32
    %broadcast_in_dim3A_924 = vector.broadcast %jit3A_922 : i32 to vector<16xi32>
    %broadcast_in_dim3A_925 = vector.broadcast %jit3A_923 : i32 to vector<16xi32>
    %select_n3A_926 = arith.select %le3A_921, %broadcast_in_dim3A_924, %broadcast_in_dim3A_925 : vector<16xi1>, vector<16xi32>
    %add3A_927 = arith.addi %add3A_915, %select_n3A_926 : vector<16xi32>
    %broadcast_in_dim3A_928 = arith.constant 6 : i32
    %broadcast_in_dim3A_929 = vector.broadcast %broadcast_in_dim3A_928 : i32 to vector<16xi32>
    %broadcast_in_dim3A_930 = vector.shape_cast %broadcast_in_dim3A_929 : vector<16xi32> to vector<16x1xi32>
    %gather3A_931 = vector.shape_cast %broadcast_in_dim3A_930 : vector<16x1xi32> to vector<16xi32>
    %gather3A_932 = tpu.dynamic_gather %get3A_35[%gather3A_931] in [0] : vector<16xf32>, vector<16xi32> -> vector<16xf32>
    %le3A_933 = arith.cmpf ole, %gather3A_932, %convert_element_type3A_853 : vector<16xf32>
    %jit3A_934 = arith.constant 1 : i32
    %jit3A_935 = arith.constant 0 : i32
    %broadcast_in_dim3A_936 = vector.broadcast %jit3A_934 : i32 to vector<16xi32>
    %broadcast_in_dim3A_937 = vector.broadcast %jit3A_935 : i32 to vector<16xi32>
    %select_n3A_938 = arith.select %le3A_933, %broadcast_in_dim3A_936, %broadcast_in_dim3A_937 : vector<16xi1>, vector<16xi32>
    %add3A_939 = arith.addi %add3A_927, %select_n3A_938 : vector<16xi32>
    %broadcast_in_dim3A_940 = arith.constant 7 : i32
    %broadcast_in_dim3A_941 = vector.broadcast %broadcast_in_dim3A_940 : i32 to vector<16xi32>
    %broadcast_in_dim3A_942 = vector.shape_cast %broadcast_in_dim3A_941 : vector<16xi32> to vector<16x1xi32>
    %gather3A_943 = vector.shape_cast %broadcast_in_dim3A_942 : vector<16x1xi32> to vector<16xi32>
    %gather3A_944 = tpu.dynamic_gather %get3A_35[%gather3A_943] in [0] : vector<16xf32>, vector<16xi32> -> vector<16xf32>
    %le3A_945 = arith.cmpf ole, %gather3A_944, %convert_element_type3A_853 : vector<16xf32>
    %jit3A_946 = arith.constant 1 : i32
    %jit3A_947 = arith.constant 0 : i32
    %broadcast_in_dim3A_948 = vector.broadcast %jit3A_946 : i32 to vector<16xi32>
    %broadcast_in_dim3A_949 = vector.broadcast %jit3A_947 : i32 to vector<16xi32>
    %select_n3A_950 = arith.select %le3A_945, %broadcast_in_dim3A_948, %broadcast_in_dim3A_949 : vector<16xi1>, vector<16xi32>
    %add3A_951 = arith.addi %add3A_939, %select_n3A_950 : vector<16xi32>
    %broadcast_in_dim3A_952 = arith.constant 8 : i32
    %broadcast_in_dim3A_953 = vector.broadcast %broadcast_in_dim3A_952 : i32 to vector<16xi32>
    %broadcast_in_dim3A_954 = vector.shape_cast %broadcast_in_dim3A_953 : vector<16xi32> to vector<16x1xi32>
    %gather3A_955 = vector.shape_cast %broadcast_in_dim3A_954 : vector<16x1xi32> to vector<16xi32>
    %gather3A_956 = tpu.dynamic_gather %get3A_35[%gather3A_955] in [0] : vector<16xf32>, vector<16xi32> -> vector<16xf32>
    %le3A_957 = arith.cmpf ole, %gather3A_956, %convert_element_type3A_853 : vector<16xf32>
    %jit3A_958 = arith.constant 1 : i32
    %jit3A_959 = arith.constant 0 : i32
    %broadcast_in_dim3A_960 = vector.broadcast %jit3A_958 : i32 to vector<16xi32>
    %broadcast_in_dim3A_961 = vector.broadcast %jit3A_959 : i32 to vector<16xi32>
    %select_n3A_962 = arith.select %le3A_957, %broadcast_in_dim3A_960, %broadcast_in_dim3A_961 : vector<16xi1>, vector<16xi32>
    %add3A_963 = arith.addi %add3A_951, %select_n3A_962 : vector<16xi32>
    %broadcast_in_dim3A_964 = arith.constant 9 : i32
    %broadcast_in_dim3A_965 = vector.broadcast %broadcast_in_dim3A_964 : i32 to vector<16xi32>
    %broadcast_in_dim3A_966 = vector.shape_cast %broadcast_in_dim3A_965 : vector<16xi32> to vector<16x1xi32>
    %gather3A_967 = vector.shape_cast %broadcast_in_dim3A_966 : vector<16x1xi32> to vector<16xi32>
    %gather3A_968 = tpu.dynamic_gather %get3A_35[%gather3A_967] in [0] : vector<16xf32>, vector<16xi32> -> vector<16xf32>
    %le3A_969 = arith.cmpf ole, %gather3A_968, %convert_element_type3A_853 : vector<16xf32>
    %jit3A_970 = arith.constant 1 : i32
    %jit3A_971 = arith.constant 0 : i32
    %broadcast_in_dim3A_972 = vector.broadcast %jit3A_970 : i32 to vector<16xi32>
    %broadcast_in_dim3A_973 = vector.broadcast %jit3A_971 : i32 to vector<16xi32>
    %select_n3A_974 = arith.select %le3A_969, %broadcast_in_dim3A_972, %broadcast_in_dim3A_973 : vector<16xi1>, vector<16xi32>
    %add3A_975 = arith.addi %add3A_963, %select_n3A_974 : vector<16xi32>
    %broadcast_in_dim3A_976 = arith.constant 10 : i32
    %broadcast_in_dim3A_977 = vector.broadcast %broadcast_in_dim3A_976 : i32 to vector<16xi32>
    %broadcast_in_dim3A_978 = vector.shape_cast %broadcast_in_dim3A_977 : vector<16xi32> to vector<16x1xi32>
    %gather3A_979 = vector.shape_cast %broadcast_in_dim3A_978 : vector<16x1xi32> to vector<16xi32>
    %gather3A_980 = tpu.dynamic_gather %get3A_35[%gather3A_979] in [0] : vector<16xf32>, vector<16xi32> -> vector<16xf32>
    %le3A_981 = arith.cmpf ole, %gather3A_980, %convert_element_type3A_853 : vector<16xf32>
    %jit3A_982 = arith.constant 1 : i32
    %jit3A_983 = arith.constant 0 : i32
    %broadcast_in_dim3A_984 = vector.broadcast %jit3A_982 : i32 to vector<16xi32>
    %broadcast_in_dim3A_985 = vector.broadcast %jit3A_983 : i32 to vector<16xi32>
    %select_n3A_986 = arith.select %le3A_981, %broadcast_in_dim3A_984, %broadcast_in_dim3A_985 : vector<16xi1>, vector<16xi32>
    %add3A_987 = arith.addi %add3A_975, %select_n3A_986 : vector<16xi32>
    %broadcast_in_dim3A_988 = arith.constant 11 : i32
    %broadcast_in_dim3A_989 = vector.broadcast %broadcast_in_dim3A_988 : i32 to vector<16xi32>
    %broadcast_in_dim3A_990 = vector.shape_cast %broadcast_in_dim3A_989 : vector<16xi32> to vector<16x1xi32>
    %gather3A_991 = vector.shape_cast %broadcast_in_dim3A_990 : vector<16x1xi32> to vector<16xi32>
    %gather3A_992 = tpu.dynamic_gather %get3A_35[%gather3A_991] in [0] : vector<16xf32>, vector<16xi32> -> vector<16xf32>
    %le3A_993 = arith.cmpf ole, %gather3A_992, %convert_element_type3A_853 : vector<16xf32>
    %jit3A_994 = arith.constant 1 : i32
    %jit3A_995 = arith.constant 0 : i32
    %broadcast_in_dim3A_996 = vector.broadcast %jit3A_994 : i32 to vector<16xi32>
    %broadcast_in_dim3A_997 = vector.broadcast %jit3A_995 : i32 to vector<16xi32>
    %select_n3A_998 = arith.select %le3A_993, %broadcast_in_dim3A_996, %broadcast_in_dim3A_997 : vector<16xi1>, vector<16xi32>
    %add3A_999 = arith.addi %add3A_987, %select_n3A_998 : vector<16xi32>
    %broadcast_in_dim3A_1000 = arith.constant 12 : i32
    %broadcast_in_dim3A_1001 = vector.broadcast %broadcast_in_dim3A_1000 : i32 to vector<16xi32>
    %broadcast_in_dim3A_1002 = vector.shape_cast %broadcast_in_dim3A_1001 : vector<16xi32> to vector<16x1xi32>
    %gather3A_1003 = vector.shape_cast %broadcast_in_dim3A_1002 : vector<16x1xi32> to vector<16xi32>
    %gather3A_1004 = tpu.dynamic_gather %get3A_35[%gather3A_1003] in [0] : vector<16xf32>, vector<16xi32> -> vector<16xf32>
    %le3A_1005 = arith.cmpf ole, %gather3A_1004, %convert_element_type3A_853 : vector<16xf32>
    %jit3A_1006 = arith.constant 1 : i32
    %jit3A_1007 = arith.constant 0 : i32
    %broadcast_in_dim3A_1008 = vector.broadcast %jit3A_1006 : i32 to vector<16xi32>
    %broadcast_in_dim3A_1009 = vector.broadcast %jit3A_1007 : i32 to vector<16xi32>
    %select_n3A_1010 = arith.select %le3A_1005, %broadcast_in_dim3A_1008, %broadcast_in_dim3A_1009 : vector<16xi1>, vector<16xi32>
    %add3A_1011 = arith.addi %add3A_999, %select_n3A_1010 : vector<16xi32>
    %broadcast_in_dim3A_1012 = arith.constant 13 : i32
    %broadcast_in_dim3A_1013 = vector.broadcast %broadcast_in_dim3A_1012 : i32 to vector<16xi32>
    %broadcast_in_dim3A_1014 = vector.shape_cast %broadcast_in_dim3A_1013 : vector<16xi32> to vector<16x1xi32>
    %gather3A_1015 = vector.shape_cast %broadcast_in_dim3A_1014 : vector<16x1xi32> to vector<16xi32>
    %gather3A_1016 = tpu.dynamic_gather %get3A_35[%gather3A_1015] in [0] : vector<16xf32>, vector<16xi32> -> vector<16xf32>
    %le3A_1017 = arith.cmpf ole, %gather3A_1016, %convert_element_type3A_853 : vector<16xf32>
    %jit3A_1018 = arith.constant 1 : i32
    %jit3A_1019 = arith.constant 0 : i32
    %broadcast_in_dim3A_1020 = vector.broadcast %jit3A_1018 : i32 to vector<16xi32>
    %broadcast_in_dim3A_1021 = vector.broadcast %jit3A_1019 : i32 to vector<16xi32>
    %select_n3A_1022 = arith.select %le3A_1017, %broadcast_in_dim3A_1020, %broadcast_in_dim3A_1021 : vector<16xi1>, vector<16xi32>
    %add3A_1023 = arith.addi %add3A_1011, %select_n3A_1022 : vector<16xi32>
    %broadcast_in_dim3A_1024 = arith.constant 14 : i32
    %broadcast_in_dim3A_1025 = vector.broadcast %broadcast_in_dim3A_1024 : i32 to vector<16xi32>
    %broadcast_in_dim3A_1026 = vector.shape_cast %broadcast_in_dim3A_1025 : vector<16xi32> to vector<16x1xi32>
    %gather3A_1027 = vector.shape_cast %broadcast_in_dim3A_1026 : vector<16x1xi32> to vector<16xi32>
    %gather3A_1028 = tpu.dynamic_gather %get3A_35[%gather3A_1027] in [0] : vector<16xf32>, vector<16xi32> -> vector<16xf32>
    %le3A_1029 = arith.cmpf ole, %gather3A_1028, %convert_element_type3A_853 : vector<16xf32>
    %jit3A_1030 = arith.constant 1 : i32
    %jit3A_1031 = arith.constant 0 : i32
    %broadcast_in_dim3A_1032 = vector.broadcast %jit3A_1030 : i32 to vector<16xi32>
    %broadcast_in_dim3A_1033 = vector.broadcast %jit3A_1031 : i32 to vector<16xi32>
    %select_n3A_1034 = arith.select %le3A_1029, %broadcast_in_dim3A_1032, %broadcast_in_dim3A_1033 : vector<16xi1>, vector<16xi32>
    %add3A_1035 = arith.addi %add3A_1023, %select_n3A_1034 : vector<16xi32>
    %broadcast_in_dim3A_1036 = arith.constant 15 : i32
    %broadcast_in_dim3A_1037 = vector.broadcast %broadcast_in_dim3A_1036 : i32 to vector<16xi32>
    %broadcast_in_dim3A_1038 = vector.shape_cast %broadcast_in_dim3A_1037 : vector<16xi32> to vector<16x1xi32>
    %gather3A_1039 = vector.shape_cast %broadcast_in_dim3A_1038 : vector<16x1xi32> to vector<16xi32>
    %gather3A_1040 = tpu.dynamic_gather %get3A_35[%gather3A_1039] in [0] : vector<16xf32>, vector<16xi32> -> vector<16xf32>
    %le3A_1041 = arith.cmpf ole, %gather3A_1040, %convert_element_type3A_853 : vector<16xf32>
    %jit3A_1042 = arith.constant 1 : i32
    %jit3A_1043 = arith.constant 0 : i32
    %broadcast_in_dim3A_1044 = vector.broadcast %jit3A_1042 : i32 to vector<16xi32>
    %broadcast_in_dim3A_1045 = vector.broadcast %jit3A_1043 : i32 to vector<16xi32>
    %select_n3A_1046 = arith.select %le3A_1041, %broadcast_in_dim3A_1044, %broadcast_in_dim3A_1045 : vector<16xi1>, vector<16xi32>
    %add3A_1047 = arith.addi %add3A_1035, %select_n3A_1046 : vector<16xi32>
    %swap3A_1048 = arith.constant 64 : index
    %swap3A_1049 = tpu.vector_load %arg8[%swap3A_1048] {strides = array<i32>} : memref<128xi32, #tpu.memory_space<vmem>>, vector<16xi32>,
    tpu.vector_store %arg8[%swap3A_1048], %add3A_1047 {strides = array<i32>} : memref<128xi32, #tpu.memory_space<vmem>>, vector<16xi32>,
    %add3A_1050 = arith.constant 80 : i32
    %add3A_1051 = vector.broadcast %add3A_1050 : i32 to vector<16xi32>
    %add3A_1052 = arith.addi %iota3A, %add3A_1051 : vector<16xi32>
    %convert_element_type3A_1053 = arith.sitofp %add3A_1052 : vector<16xi32> to vector<16xf32>
    %broadcast_in_dim3A_1054 = arith.constant 0 : i32
    %broadcast_in_dim3A_1055 = vector.broadcast %broadcast_in_dim3A_1054 : i32 to vector<16xi32>
    %broadcast_in_dim3A_1056 = arith.constant 0 : i32
    %broadcast_in_dim3A_1057 = vector.broadcast %broadcast_in_dim3A_1056 : i32 to vector<16xi32>
    %broadcast_in_dim3A_1058 = vector.shape_cast %broadcast_in_dim3A_1057 : vector<16xi32> to vector<16x1xi32>
    %gather3A_1059 = vector.shape_cast %broadcast_in_dim3A_1058 : vector<16x1xi32> to vector<16xi32>
    %gather3A_1060 = tpu.dynamic_gather %get3A_35[%gather3A_1059] in [0] : vector<16xf32>, vector<16xi32> -> vector<16xf32>
    %le3A_1061 = arith.cmpf ole, %gather3A_1060, %convert_element_type3A_1053 : vector<16xf32>
    %jit3A_1062 = arith.constant 1 : i32
    %jit3A_1063 = arith.constant 0 : i32
    %broadcast_in_dim3A_1064 = vector.broadcast %jit3A_1062 : i32 to vector<16xi32>
    %broadcast_in_dim3A_1065 = vector.broadcast %jit3A_1063 : i32 to vector<16xi32>
    %select_n3A_1066 = arith.select %le3A_1061, %broadcast_in_dim3A_1064, %broadcast_in_dim3A_1065 : vector<16xi1>, vector<16xi32>
    %add3A_1067 = arith.addi %broadcast_in_dim3A_1055, %select_n3A_1066 : vector<16xi32>
    %broadcast_in_dim3A_1068 = arith.constant 1 : i32
    %broadcast_in_dim3A_1069 = vector.broadcast %broadcast_in_dim3A_1068 : i32 to vector<16xi32>
    %broadcast_in_dim3A_1070 = vector.shape_cast %broadcast_in_dim3A_1069 : vector<16xi32> to vector<16x1xi32>
    %gather3A_1071 = vector.shape_cast %broadcast_in_dim3A_1070 : vector<16x1xi32> to vector<16xi32>
    %gather3A_1072 = tpu.dynamic_gather %get3A_35[%gather3A_1071] in [0] : vector<16xf32>, vector<16xi32> -> vector<16xf32>
    %le3A_1073 = arith.cmpf ole, %gather3A_1072, %convert_element_type3A_1053 : vector<16xf32>
    %jit3A_1074 = arith.constant 1 : i32
    %jit3A_1075 = arith.constant 0 : i32
    %broadcast_in_dim3A_1076 = vector.broadcast %jit3A_1074 : i32 to vector<16xi32>
    %broadcast_in_dim3A_1077 = vector.broadcast %jit3A_1075 : i32 to vector<16xi32>
    %select_n3A_1078 = arith.select %le3A_1073, %broadcast_in_dim3A_1076, %broadcast_in_dim3A_1077 : vector<16xi1>, vector<16xi32>
    %add3A_1079 = arith.addi %add3A_1067, %select_n3A_1078 : vector<16xi32>
    %broadcast_in_dim3A_1080 = arith.constant 2 : i32
    %broadcast_in_dim3A_1081 = vector.broadcast %broadcast_in_dim3A_1080 : i32 to vector<16xi32>
    %broadcast_in_dim3A_1082 = vector.shape_cast %broadcast_in_dim3A_1081 : vector<16xi32> to vector<16x1xi32>
    %gather3A_1083 = vector.shape_cast %broadcast_in_dim3A_1082 : vector<16x1xi32> to vector<16xi32>
    %gather3A_1084 = tpu.dynamic_gather %get3A_35[%gather3A_1083] in [0] : vector<16xf32>, vector<16xi32> -> vector<16xf32>
    %le3A_1085 = arith.cmpf ole, %gather3A_1084, %convert_element_type3A_1053 : vector<16xf32>
    %jit3A_1086 = arith.constant 1 : i32
    %jit3A_1087 = arith.constant 0 : i32
    %broadcast_in_dim3A_1088 = vector.broadcast %jit3A_1086 : i32 to vector<16xi32>
    %broadcast_in_dim3A_1089 = vector.broadcast %jit3A_1087 : i32 to vector<16xi32>
    %select_n3A_1090 = arith.select %le3A_1085, %broadcast_in_dim3A_1088, %broadcast_in_dim3A_1089 : vector<16xi1>, vector<16xi32>
    %add3A_1091 = arith.addi %add3A_1079, %select_n3A_1090 : vector<16xi32>
    %broadcast_in_dim3A_1092 = arith.constant 3 : i32
    %broadcast_in_dim3A_1093 = vector.broadcast %broadcast_in_dim3A_1092 : i32 to vector<16xi32>
    %broadcast_in_dim3A_1094 = vector.shape_cast %broadcast_in_dim3A_1093 : vector<16xi32> to vector<16x1xi32>
    %gather3A_1095 = vector.shape_cast %broadcast_in_dim3A_1094 : vector<16x1xi32> to vector<16xi32>
    %gather3A_1096 = tpu.dynamic_gather %get3A_35[%gather3A_1095] in [0] : vector<16xf32>, vector<16xi32> -> vector<16xf32>
    %le3A_1097 = arith.cmpf ole, %gather3A_1096, %convert_element_type3A_1053 : vector<16xf32>
    %jit3A_1098 = arith.constant 1 : i32
    %jit3A_1099 = arith.constant 0 : i32
    %broadcast_in_dim3A_1100 = vector.broadcast %jit3A_1098 : i32 to vector<16xi32>
    %broadcast_in_dim3A_1101 = vector.broadcast %jit3A_1099 : i32 to vector<16xi32>
    %select_n3A_1102 = arith.select %le3A_1097, %broadcast_in_dim3A_1100, %broadcast_in_dim3A_1101 : vector<16xi1>, vector<16xi32>
    %add3A_1103 = arith.addi %add3A_1091, %select_n3A_1102 : vector<16xi32>
    %broadcast_in_dim3A_1104 = arith.constant 4 : i32
    %broadcast_in_dim3A_1105 = vector.broadcast %broadcast_in_dim3A_1104 : i32 to vector<16xi32>
    %broadcast_in_dim3A_1106 = vector.shape_cast %broadcast_in_dim3A_1105 : vector<16xi32> to vector<16x1xi32>
    %gather3A_1107 = vector.shape_cast %broadcast_in_dim3A_1106 : vector<16x1xi32> to vector<16xi32>
    %gather3A_1108 = tpu.dynamic_gather %get3A_35[%gather3A_1107] in [0] : vector<16xf32>, vector<16xi32> -> vector<16xf32>
    %le3A_1109 = arith.cmpf ole, %gather3A_1108, %convert_element_type3A_1053 : vector<16xf32>
    %jit3A_1110 = arith.constant 1 : i32
    %jit3A_1111 = arith.constant 0 : i32
    %broadcast_in_dim3A_1112 = vector.broadcast %jit3A_1110 : i32 to vector<16xi32>
    %broadcast_in_dim3A_1113 = vector.broadcast %jit3A_1111 : i32 to vector<16xi32>
    %select_n3A_1114 = arith.select %le3A_1109, %broadcast_in_dim3A_1112, %broadcast_in_dim3A_1113 : vector<16xi1>, vector<16xi32>
    %add3A_1115 = arith.addi %add3A_1103, %select_n3A_1114 : vector<16xi32>
    %broadcast_in_dim3A_1116 = arith.constant 5 : i32
    %broadcast_in_dim3A_1117 = vector.broadcast %broadcast_in_dim3A_1116 : i32 to vector<16xi32>
    %broadcast_in_dim3A_1118 = vector.shape_cast %broadcast_in_dim3A_1117 : vector<16xi32> to vector<16x1xi32>
    %gather3A_1119 = vector.shape_cast %broadcast_in_dim3A_1118 : vector<16x1xi32> to vector<16xi32>
    %gather3A_1120 = tpu.dynamic_gather %get3A_35[%gather3A_1119] in [0] : vector<16xf32>, vector<16xi32> -> vector<16xf32>
    %le3A_1121 = arith.cmpf ole, %gather3A_1120, %convert_element_type3A_1053 : vector<16xf32>
    %jit3A_1122 = arith.constant 1 : i32
    %jit3A_1123 = arith.constant 0 : i32
    %broadcast_in_dim3A_1124 = vector.broadcast %jit3A_1122 : i32 to vector<16xi32>
    %broadcast_in_dim3A_1125 = vector.broadcast %jit3A_1123 : i32 to vector<16xi32>
    %select_n3A_1126 = arith.select %le3A_1121, %broadcast_in_dim3A_1124, %broadcast_in_dim3A_1125 : vector<16xi1>, vector<16xi32>
    %add3A_1127 = arith.addi %add3A_1115, %select_n3A_1126 : vector<16xi32>
    %broadcast_in_dim3A_1128 = arith.constant 6 : i32
    %broadcast_in_dim3A_1129 = vector.broadcast %broadcast_in_dim3A_1128 : i32 to vector<16xi32>
    %broadcast_in_dim3A_1130 = vector.shape_cast %broadcast_in_dim3A_1129 : vector<16xi32> to vector<16x1xi32>
    %gather3A_1131 = vector.shape_cast %broadcast_in_dim3A_1130 : vector<16x1xi32> to vector<16xi32>
    %gather3A_1132 = tpu.dynamic_gather %get3A_35[%gather3A_1131] in [0] : vector<16xf32>, vector<16xi32> -> vector<16xf32>
    %le3A_1133 = arith.cmpf ole, %gather3A_1132, %convert_element_type3A_1053 : vector<16xf32>
    %jit3A_1134 = arith.constant 1 : i32
    %jit3A_1135 = arith.constant 0 : i32
    %broadcast_in_dim3A_1136 = vector.broadcast %jit3A_1134 : i32 to vector<16xi32>
    %broadcast_in_dim3A_1137 = vector.broadcast %jit3A_1135 : i32 to vector<16xi32>
    %select_n3A_1138 = arith.select %le3A_1133, %broadcast_in_dim3A_1136, %broadcast_in_dim3A_1137 : vector<16xi1>, vector<16xi32>
    %add3A_1139 = arith.addi %add3A_1127, %select_n3A_1138 : vector<16xi32>
    %broadcast_in_dim3A_1140 = arith.constant 7 : i32
    %broadcast_in_dim3A_1141 = vector.broadcast %broadcast_in_dim3A_1140 : i32 to vector<16xi32>
    %broadcast_in_dim3A_1142 = vector.shape_cast %broadcast_in_dim3A_1141 : vector<16xi32> to vector<16x1xi32>
    %gather3A_1143 = vector.shape_cast %broadcast_in_dim3A_1142 : vector<16x1xi32> to vector<16xi32>
    %gather3A_1144 = tpu.dynamic_gather %get3A_35[%gather3A_1143] in [0] : vector<16xf32>, vector<16xi32> -> vector<16xf32>
    %le3A_1145 = arith.cmpf ole, %gather3A_1144, %convert_element_type3A_1053 : vector<16xf32>
    %jit3A_1146 = arith.constant 1 : i32
    %jit3A_1147 = arith.constant 0 : i32
    %broadcast_in_dim3A_1148 = vector.broadcast %jit3A_1146 : i32 to vector<16xi32>
    %broadcast_in_dim3A_1149 = vector.broadcast %jit3A_1147 : i32 to vector<16xi32>
    %select_n3A_1150 = arith.select %le3A_1145, %broadcast_in_dim3A_1148, %broadcast_in_dim3A_1149 : vector<16xi1>, vector<16xi32>
    %add3A_1151 = arith.addi %add3A_1139, %select_n3A_1150 : vector<16xi32>
    %broadcast_in_dim3A_1152 = arith.constant 8 : i32
    %broadcast_in_dim3A_1153 = vector.broadcast %broadcast_in_dim3A_1152 : i32 to vector<16xi32>
    %broadcast_in_dim3A_1154 = vector.shape_cast %broadcast_in_dim3A_1153 : vector<16xi32> to vector<16x1xi32>
    %gather3A_1155 = vector.shape_cast %broadcast_in_dim3A_1154 : vector<16x1xi32> to vector<16xi32>
    %gather3A_1156 = tpu.dynamic_gather %get3A_35[%gather3A_1155] in [0] : vector<16xf32>, vector<16xi32> -> vector<16xf32>
    %le3A_1157 = arith.cmpf ole, %gather3A_1156, %convert_element_type3A_1053 : vector<16xf32>
    %jit3A_1158 = arith.constant 1 : i32
    %jit3A_1159 = arith.constant 0 : i32
    %broadcast_in_dim3A_1160 = vector.broadcast %jit3A_1158 : i32 to vector<16xi32>
    %broadcast_in_dim3A_1161 = vector.broadcast %jit3A_1159 : i32 to vector<16xi32>
    %select_n3A_1162 = arith.select %le3A_1157, %broadcast_in_dim3A_1160, %broadcast_in_dim3A_1161 : vector<16xi1>, vector<16xi32>
    %add3A_1163 = arith.addi %add3A_1151, %select_n3A_1162 : vector<16xi32>
    %broadcast_in_dim3A_1164 = arith.constant 9 : i32
    %broadcast_in_dim3A_1165 = vector.broadcast %broadcast_in_dim3A_1164 : i32 to vector<16xi32>
    %broadcast_in_dim3A_1166 = vector.shape_cast %broadcast_in_dim3A_1165 : vector<16xi32> to vector<16x1xi32>
    %gather3A_1167 = vector.shape_cast %broadcast_in_dim3A_1166 : vector<16x1xi32> to vector<16xi32>
    %gather3A_1168 = tpu.dynamic_gather %get3A_35[%gather3A_1167] in [0] : vector<16xf32>, vector<16xi32> -> vector<16xf32>
    %le3A_1169 = arith.cmpf ole, %gather3A_1168, %convert_element_type3A_1053 : vector<16xf32>
    %jit3A_1170 = arith.constant 1 : i32
    %jit3A_1171 = arith.constant 0 : i32
    %broadcast_in_dim3A_1172 = vector.broadcast %jit3A_1170 : i32 to vector<16xi32>
    %broadcast_in_dim3A_1173 = vector.broadcast %jit3A_1171 : i32 to vector<16xi32>
    %select_n3A_1174 = arith.select %le3A_1169, %broadcast_in_dim3A_1172, %broadcast_in_dim3A_1173 : vector<16xi1>, vector<16xi32>
    %add3A_1175 = arith.addi %add3A_1163, %select_n3A_1174 : vector<16xi32>
    %broadcast_in_dim3A_1176 = arith.constant 10 : i32
    %broadcast_in_dim3A_1177 = vector.broadcast %broadcast_in_dim3A_1176 : i32 to vector<16xi32>
    %broadcast_in_dim3A_1178 = vector.shape_cast %broadcast_in_dim3A_1177 : vector<16xi32> to vector<16x1xi32>
    %gather3A_1179 = vector.shape_cast %broadcast_in_dim3A_1178 : vector<16x1xi32> to vector<16xi32>
    %gather3A_1180 = tpu.dynamic_gather %get3A_35[%gather3A_1179] in [0] : vector<16xf32>, vector<16xi32> -> vector<16xf32>
    %le3A_1181 = arith.cmpf ole, %gather3A_1180, %convert_element_type3A_1053 : vector<16xf32>
    %jit3A_1182 = arith.constant 1 : i32
    %jit3A_1183 = arith.constant 0 : i32
    %broadcast_in_dim3A_1184 = vector.broadcast %jit3A_1182 : i32 to vector<16xi32>
    %broadcast_in_dim3A_1185 = vector.broadcast %jit3A_1183 : i32 to vector<16xi32>
    %select_n3A_1186 = arith.select %le3A_1181, %broadcast_in_dim3A_1184, %broadcast_in_dim3A_1185 : vector<16xi1>, vector<16xi32>
    %add3A_1187 = arith.addi %add3A_1175, %select_n3A_1186 : vector<16xi32>
    %broadcast_in_dim3A_1188 = arith.constant 11 : i32
    %broadcast_in_dim3A_1189 = vector.broadcast %broadcast_in_dim3A_1188 : i32 to vector<16xi32>
    %broadcast_in_dim3A_1190 = vector.shape_cast %broadcast_in_dim3A_1189 : vector<16xi32> to vector<16x1xi32>
    %gather3A_1191 = vector.shape_cast %broadcast_in_dim3A_1190 : vector<16x1xi32> to vector<16xi32>
    %gather3A_1192 = tpu.dynamic_gather %get3A_35[%gather3A_1191] in [0] : vector<16xf32>, vector<16xi32> -> vector<16xf32>
    %le3A_1193 = arith.cmpf ole, %gather3A_1192, %convert_element_type3A_1053 : vector<16xf32>
    %jit3A_1194 = arith.constant 1 : i32
    %jit3A_1195 = arith.constant 0 : i32
    %broadcast_in_dim3A_1196 = vector.broadcast %jit3A_1194 : i32 to vector<16xi32>
    %broadcast_in_dim3A_1197 = vector.broadcast %jit3A_1195 : i32 to vector<16xi32>
    %select_n3A_1198 = arith.select %le3A_1193, %broadcast_in_dim3A_1196, %broadcast_in_dim3A_1197 : vector<16xi1>, vector<16xi32>
    %add3A_1199 = arith.addi %add3A_1187, %select_n3A_1198 : vector<16xi32>
    %broadcast_in_dim3A_1200 = arith.constant 12 : i32
    %broadcast_in_dim3A_1201 = vector.broadcast %broadcast_in_dim3A_1200 : i32 to vector<16xi32>
    %broadcast_in_dim3A_1202 = vector.shape_cast %broadcast_in_dim3A_1201 : vector<16xi32> to vector<16x1xi32>
    %gather3A_1203 = vector.shape_cast %broadcast_in_dim3A_1202 : vector<16x1xi32> to vector<16xi32>
    %gather3A_1204 = tpu.dynamic_gather %get3A_35[%gather3A_1203] in [0] : vector<16xf32>, vector<16xi32> -> vector<16xf32>
    %le3A_1205 = arith.cmpf ole, %gather3A_1204, %convert_element_type3A_1053 : vector<16xf32>
    %jit3A_1206 = arith.constant 1 : i32
    %jit3A_1207 = arith.constant 0 : i32
    %broadcast_in_dim3A_1208 = vector.broadcast %jit3A_1206 : i32 to vector<16xi32>
    %broadcast_in_dim3A_1209 = vector.broadcast %jit3A_1207 : i32 to vector<16xi32>
    %select_n3A_1210 = arith.select %le3A_1205, %broadcast_in_dim3A_1208, %broadcast_in_dim3A_1209 : vector<16xi1>, vector<16xi32>
    %add3A_1211 = arith.addi %add3A_1199, %select_n3A_1210 : vector<16xi32>
    %broadcast_in_dim3A_1212 = arith.constant 13 : i32
    %broadcast_in_dim3A_1213 = vector.broadcast %broadcast_in_dim3A_1212 : i32 to vector<16xi32>
    %broadcast_in_dim3A_1214 = vector.shape_cast %broadcast_in_dim3A_1213 : vector<16xi32> to vector<16x1xi32>
    %gather3A_1215 = vector.shape_cast %broadcast_in_dim3A_1214 : vector<16x1xi32> to vector<16xi32>
    %gather3A_1216 = tpu.dynamic_gather %get3A_35[%gather3A_1215] in [0] : vector<16xf32>, vector<16xi32> -> vector<16xf32>
    %le3A_1217 = arith.cmpf ole, %gather3A_1216, %convert_element_type3A_1053 : vector<16xf32>
    %jit3A_1218 = arith.constant 1 : i32
    %jit3A_1219 = arith.constant 0 : i32
    %broadcast_in_dim3A_1220 = vector.broadcast %jit3A_1218 : i32 to vector<16xi32>
    %broadcast_in_dim3A_1221 = vector.broadcast %jit3A_1219 : i32 to vector<16xi32>
    %select_n3A_1222 = arith.select %le3A_1217, %broadcast_in_dim3A_1220, %broadcast_in_dim3A_1221 : vector<16xi1>, vector<16xi32>
    %add3A_1223 = arith.addi %add3A_1211, %select_n3A_1222 : vector<16xi32>
    %broadcast_in_dim3A_1224 = arith.constant 14 : i32
    %broadcast_in_dim3A_1225 = vector.broadcast %broadcast_in_dim3A_1224 : i32 to vector<16xi32>
    %broadcast_in_dim3A_1226 = vector.shape_cast %broadcast_in_dim3A_1225 : vector<16xi32> to vector<16x1xi32>
    %gather3A_1227 = vector.shape_cast %broadcast_in_dim3A_1226 : vector<16x1xi32> to vector<16xi32>
    %gather3A_1228 = tpu.dynamic_gather %get3A_35[%gather3A_1227] in [0] : vector<16xf32>, vector<16xi32> -> vector<16xf32>
    %le3A_1229 = arith.cmpf ole, %gather3A_1228, %convert_element_type3A_1053 : vector<16xf32>
    %jit3A_1230 = arith.constant 1 : i32
    %jit3A_1231 = arith.constant 0 : i32
    %broadcast_in_dim3A_1232 = vector.broadcast %jit3A_1230 : i32 to vector<16xi32>
    %broadcast_in_dim3A_1233 = vector.broadcast %jit3A_1231 : i32 to vector<16xi32>
    %select_n3A_1234 = arith.select %le3A_1229, %broadcast_in_dim3A_1232, %broadcast_in_dim3A_1233 : vector<16xi1>, vector<16xi32>
    %add3A_1235 = arith.addi %add3A_1223, %select_n3A_1234 : vector<16xi32>
    %broadcast_in_dim3A_1236 = arith.constant 15 : i32
    %broadcast_in_dim3A_1237 = vector.broadcast %broadcast_in_dim3A_1236 : i32 to vector<16xi32>
    %broadcast_in_dim3A_1238 = vector.shape_cast %broadcast_in_dim3A_1237 : vector<16xi32> to vector<16x1xi32>
    %gather3A_1239 = vector.shape_cast %broadcast_in_dim3A_1238 : vector<16x1xi32> to vector<16xi32>
    %gather3A_1240 = tpu.dynamic_gather %get3A_35[%gather3A_1239] in [0] : vector<16xf32>, vector<16xi32> -> vector<16xf32>
    %le3A_1241 = arith.cmpf ole, %gather3A_1240, %convert_element_type3A_1053 : vector<16xf32>
    %jit3A_1242 = arith.constant 1 : i32
    %jit3A_1243 = arith.constant 0 : i32
    %broadcast_in_dim3A_1244 = vector.broadcast %jit3A_1242 : i32 to vector<16xi32>
    %broadcast_in_dim3A_1245 = vector.broadcast %jit3A_1243 : i32 to vector<16xi32>
    %select_n3A_1246 = arith.select %le3A_1241, %broadcast_in_dim3A_1244, %broadcast_in_dim3A_1245 : vector<16xi1>, vector<16xi32>
    %add3A_1247 = arith.addi %add3A_1235, %select_n3A_1246 : vector<16xi32>
    %swap3A_1248 = arith.constant 80 : index
    %swap3A_1249 = tpu.vector_load %arg8[%swap3A_1248] {strides = array<i32>} : memref<128xi32, #tpu.memory_space<vmem>>, vector<16xi32>,
    tpu.vector_store %arg8[%swap3A_1248], %add3A_1247 {strides = array<i32>} : memref<128xi32, #tpu.memory_space<vmem>>, vector<16xi32>,
    %add3A_1250 = arith.constant 96 : i32
    %add3A_1251 = vector.broadcast %add3A_1250 : i32 to vector<16xi32>
    %add3A_1252 = arith.addi %iota3A, %add3A_1251 : vector<16xi32>
    %convert_element_type3A_1253 = arith.sitofp %add3A_1252 : vector<16xi32> to vector<16xf32>
    %broadcast_in_dim3A_1254 = arith.constant 0 : i32
    %broadcast_in_dim3A_1255 = vector.broadcast %broadcast_in_dim3A_1254 : i32 to vector<16xi32>
    %broadcast_in_dim3A_1256 = arith.constant 0 : i32
    %broadcast_in_dim3A_1257 = vector.broadcast %broadcast_in_dim3A_1256 : i32 to vector<16xi32>
    %broadcast_in_dim3A_1258 = vector.shape_cast %broadcast_in_dim3A_1257 : vector<16xi32> to vector<16x1xi32>
    %gather3A_1259 = vector.shape_cast %broadcast_in_dim3A_1258 : vector<16x1xi32> to vector<16xi32>
    %gather3A_1260 = tpu.dynamic_gather %get3A_35[%gather3A_1259] in [0] : vector<16xf32>, vector<16xi32> -> vector<16xf32>
    %le3A_1261 = arith.cmpf ole, %gather3A_1260, %convert_element_type3A_1253 : vector<16xf32>
    %jit3A_1262 = arith.constant 1 : i32
    %jit3A_1263 = arith.constant 0 : i32
    %broadcast_in_dim3A_1264 = vector.broadcast %jit3A_1262 : i32 to vector<16xi32>
    %broadcast_in_dim3A_1265 = vector.broadcast %jit3A_1263 : i32 to vector<16xi32>
    %select_n3A_1266 = arith.select %le3A_1261, %broadcast_in_dim3A_1264, %broadcast_in_dim3A_1265 : vector<16xi1>, vector<16xi32>
    %add3A_1267 = arith.addi %broadcast_in_dim3A_1255, %select_n3A_1266 : vector<16xi32>
    %broadcast_in_dim3A_1268 = arith.constant 1 : i32
    %broadcast_in_dim3A_1269 = vector.broadcast %broadcast_in_dim3A_1268 : i32 to vector<16xi32>
    %broadcast_in_dim3A_1270 = vector.shape_cast %broadcast_in_dim3A_1269 : vector<16xi32> to vector<16x1xi32>
    %gather3A_1271 = vector.shape_cast %broadcast_in_dim3A_1270 : vector<16x1xi32> to vector<16xi32>
    %gather3A_1272 = tpu.dynamic_gather %get3A_35[%gather3A_1271] in [0] : vector<16xf32>, vector<16xi32> -> vector<16xf32>
    %le3A_1273 = arith.cmpf ole, %gather3A_1272, %convert_element_type3A_1253 : vector<16xf32>
    %jit3A_1274 = arith.constant 1 : i32
    %jit3A_1275 = arith.constant 0 : i32
    %broadcast_in_dim3A_1276 = vector.broadcast %jit3A_1274 : i32 to vector<16xi32>
    %broadcast_in_dim3A_1277 = vector.broadcast %jit3A_1275 : i32 to vector<16xi32>
    %select_n3A_1278 = arith.select %le3A_1273, %broadcast_in_dim3A_1276, %broadcast_in_dim3A_1277 : vector<16xi1>, vector<16xi32>
    %add3A_1279 = arith.addi %add3A_1267, %select_n3A_1278 : vector<16xi32>
    %broadcast_in_dim3A_1280 = arith.constant 2 : i32
    %broadcast_in_dim3A_1281 = vector.broadcast %broadcast_in_dim3A_1280 : i32 to vector<16xi32>
    %broadcast_in_dim3A_1282 = vector.shape_cast %broadcast_in_dim3A_1281 : vector<16xi32> to vector<16x1xi32>
    %gather3A_1283 = vector.shape_cast %broadcast_in_dim3A_1282 : vector<16x1xi32> to vector<16xi32>
    %gather3A_1284 = tpu.dynamic_gather %get3A_35[%gather3A_1283] in [0] : vector<16xf32>, vector<16xi32> -> vector<16xf32>
    %le3A_1285 = arith.cmpf ole, %gather3A_1284, %convert_element_type3A_1253 : vector<16xf32>
    %jit3A_1286 = arith.constant 1 : i32
    %jit3A_1287 = arith.constant 0 : i32
    %broadcast_in_dim3A_1288 = vector.broadcast %jit3A_1286 : i32 to vector<16xi32>
    %broadcast_in_dim3A_1289 = vector.broadcast %jit3A_1287 : i32 to vector<16xi32>
    %select_n3A_1290 = arith.select %le3A_1285, %broadcast_in_dim3A_1288, %broadcast_in_dim3A_1289 : vector<16xi1>, vector<16xi32>
    %add3A_1291 = arith.addi %add3A_1279, %select_n3A_1290 : vector<16xi32>
    %broadcast_in_dim3A_1292 = arith.constant 3 : i32
    %broadcast_in_dim3A_1293 = vector.broadcast %broadcast_in_dim3A_1292 : i32 to vector<16xi32>
    %broadcast_in_dim3A_1294 = vector.shape_cast %broadcast_in_dim3A_1293 : vector<16xi32> to vector<16x1xi32>
    %gather3A_1295 = vector.shape_cast %broadcast_in_dim3A_1294 : vector<16x1xi32> to vector<16xi32>
    %gather3A_1296 = tpu.dynamic_gather %get3A_35[%gather3A_1295] in [0] : vector<16xf32>, vector<16xi32> -> vector<16xf32>
    %le3A_1297 = arith.cmpf ole, %gather3A_1296, %convert_element_type3A_1253 : vector<16xf32>
    %jit3A_1298 = arith.constant 1 : i32
    %jit3A_1299 = arith.constant 0 : i32
    %broadcast_in_dim3A_1300 = vector.broadcast %jit3A_1298 : i32 to vector<16xi32>
    %broadcast_in_dim3A_1301 = vector.broadcast %jit3A_1299 : i32 to vector<16xi32>
    %select_n3A_1302 = arith.select %le3A_1297, %broadcast_in_dim3A_1300, %broadcast_in_dim3A_1301 : vector<16xi1>, vector<16xi32>
    %add3A_1303 = arith.addi %add3A_1291, %select_n3A_1302 : vector<16xi32>
    %broadcast_in_dim3A_1304 = arith.constant 4 : i32
    %broadcast_in_dim3A_1305 = vector.broadcast %broadcast_in_dim3A_1304 : i32 to vector<16xi32>
    %broadcast_in_dim3A_1306 = vector.shape_cast %broadcast_in_dim3A_1305 : vector<16xi32> to vector<16x1xi32>
    %gather3A_1307 = vector.shape_cast %broadcast_in_dim3A_1306 : vector<16x1xi32> to vector<16xi32>
    %gather3A_1308 = tpu.dynamic_gather %get3A_35[%gather3A_1307] in [0] : vector<16xf32>, vector<16xi32> -> vector<16xf32>
    %le3A_1309 = arith.cmpf ole, %gather3A_1308, %convert_element_type3A_1253 : vector<16xf32>
    %jit3A_1310 = arith.constant 1 : i32
    %jit3A_1311 = arith.constant 0 : i32
    %broadcast_in_dim3A_1312 = vector.broadcast %jit3A_1310 : i32 to vector<16xi32>
    %broadcast_in_dim3A_1313 = vector.broadcast %jit3A_1311 : i32 to vector<16xi32>
    %select_n3A_1314 = arith.select %le3A_1309, %broadcast_in_dim3A_1312, %broadcast_in_dim3A_1313 : vector<16xi1>, vector<16xi32>
    %add3A_1315 = arith.addi %add3A_1303, %select_n3A_1314 : vector<16xi32>
    %broadcast_in_dim3A_1316 = arith.constant 5 : i32
    %broadcast_in_dim3A_1317 = vector.broadcast %broadcast_in_dim3A_1316 : i32 to vector<16xi32>
    %broadcast_in_dim3A_1318 = vector.shape_cast %broadcast_in_dim3A_1317 : vector<16xi32> to vector<16x1xi32>
    %gather3A_1319 = vector.shape_cast %broadcast_in_dim3A_1318 : vector<16x1xi32> to vector<16xi32>
    %gather3A_1320 = tpu.dynamic_gather %get3A_35[%gather3A_1319] in [0] : vector<16xf32>, vector<16xi32> -> vector<16xf32>
    %le3A_1321 = arith.cmpf ole, %gather3A_1320, %convert_element_type3A_1253 : vector<16xf32>
    %jit3A_1322 = arith.constant 1 : i32
    %jit3A_1323 = arith.constant 0 : i32
    %broadcast_in_dim3A_1324 = vector.broadcast %jit3A_1322 : i32 to vector<16xi32>
    %broadcast_in_dim3A_1325 = vector.broadcast %jit3A_1323 : i32 to vector<16xi32>
    %select_n3A_1326 = arith.select %le3A_1321, %broadcast_in_dim3A_1324, %broadcast_in_dim3A_1325 : vector<16xi1>, vector<16xi32>
    %add3A_1327 = arith.addi %add3A_1315, %select_n3A_1326 : vector<16xi32>
    %broadcast_in_dim3A_1328 = arith.constant 6 : i32
    %broadcast_in_dim3A_1329 = vector.broadcast %broadcast_in_dim3A_1328 : i32 to vector<16xi32>
    %broadcast_in_dim3A_1330 = vector.shape_cast %broadcast_in_dim3A_1329 : vector<16xi32> to vector<16x1xi32>
    %gather3A_1331 = vector.shape_cast %broadcast_in_dim3A_1330 : vector<16x1xi32> to vector<16xi32>
    %gather3A_1332 = tpu.dynamic_gather %get3A_35[%gather3A_1331] in [0] : vector<16xf32>, vector<16xi32> -> vector<16xf32>
    %le3A_1333 = arith.cmpf ole, %gather3A_1332, %convert_element_type3A_1253 : vector<16xf32>
    %jit3A_1334 = arith.constant 1 : i32
    %jit3A_1335 = arith.constant 0 : i32
    %broadcast_in_dim3A_1336 = vector.broadcast %jit3A_1334 : i32 to vector<16xi32>
    %broadcast_in_dim3A_1337 = vector.broadcast %jit3A_1335 : i32 to vector<16xi32>
    %select_n3A_1338 = arith.select %le3A_1333, %broadcast_in_dim3A_1336, %broadcast_in_dim3A_1337 : vector<16xi1>, vector<16xi32>
    %add3A_1339 = arith.addi %add3A_1327, %select_n3A_1338 : vector<16xi32>
    %broadcast_in_dim3A_1340 = arith.constant 7 : i32
    %broadcast_in_dim3A_1341 = vector.broadcast %broadcast_in_dim3A_1340 : i32 to vector<16xi32>
    %broadcast_in_dim3A_1342 = vector.shape_cast %broadcast_in_dim3A_1341 : vector<16xi32> to vector<16x1xi32>
    %gather3A_1343 = vector.shape_cast %broadcast_in_dim3A_1342 : vector<16x1xi32> to vector<16xi32>
    %gather3A_1344 = tpu.dynamic_gather %get3A_35[%gather3A_1343] in [0] : vector<16xf32>, vector<16xi32> -> vector<16xf32>
    %le3A_1345 = arith.cmpf ole, %gather3A_1344, %convert_element_type3A_1253 : vector<16xf32>
    %jit3A_1346 = arith.constant 1 : i32
    %jit3A_1347 = arith.constant 0 : i32
    %broadcast_in_dim3A_1348 = vector.broadcast %jit3A_1346 : i32 to vector<16xi32>
    %broadcast_in_dim3A_1349 = vector.broadcast %jit3A_1347 : i32 to vector<16xi32>
    %select_n3A_1350 = arith.select %le3A_1345, %broadcast_in_dim3A_1348, %broadcast_in_dim3A_1349 : vector<16xi1>, vector<16xi32>
    %add3A_1351 = arith.addi %add3A_1339, %select_n3A_1350 : vector<16xi32>
    %broadcast_in_dim3A_1352 = arith.constant 8 : i32
    %broadcast_in_dim3A_1353 = vector.broadcast %broadcast_in_dim3A_1352 : i32 to vector<16xi32>
    %broadcast_in_dim3A_1354 = vector.shape_cast %broadcast_in_dim3A_1353 : vector<16xi32> to vector<16x1xi32>
    %gather3A_1355 = vector.shape_cast %broadcast_in_dim3A_1354 : vector<16x1xi32> to vector<16xi32>
    %gather3A_1356 = tpu.dynamic_gather %get3A_35[%gather3A_1355] in [0] : vector<16xf32>, vector<16xi32> -> vector<16xf32>
    %le3A_1357 = arith.cmpf ole, %gather3A_1356, %convert_element_type3A_1253 : vector<16xf32>
    %jit3A_1358 = arith.constant 1 : i32
    %jit3A_1359 = arith.constant 0 : i32
    %broadcast_in_dim3A_1360 = vector.broadcast %jit3A_1358 : i32 to vector<16xi32>
    %broadcast_in_dim3A_1361 = vector.broadcast %jit3A_1359 : i32 to vector<16xi32>
    %select_n3A_1362 = arith.select %le3A_1357, %broadcast_in_dim3A_1360, %broadcast_in_dim3A_1361 : vector<16xi1>, vector<16xi32>
    %add3A_1363 = arith.addi %add3A_1351, %select_n3A_1362 : vector<16xi32>
    %broadcast_in_dim3A_1364 = arith.constant 9 : i32
    %broadcast_in_dim3A_1365 = vector.broadcast %broadcast_in_dim3A_1364 : i32 to vector<16xi32>
    %broadcast_in_dim3A_1366 = vector.shape_cast %broadcast_in_dim3A_1365 : vector<16xi32> to vector<16x1xi32>
    %gather3A_1367 = vector.shape_cast %broadcast_in_dim3A_1366 : vector<16x1xi32> to vector<16xi32>
    %gather3A_1368 = tpu.dynamic_gather %get3A_35[%gather3A_1367] in [0] : vector<16xf32>, vector<16xi32> -> vector<16xf32>
    %le3A_1369 = arith.cmpf ole, %gather3A_1368, %convert_element_type3A_1253 : vector<16xf32>
    %jit3A_1370 = arith.constant 1 : i32
    %jit3A_1371 = arith.constant 0 : i32
    %broadcast_in_dim3A_1372 = vector.broadcast %jit3A_1370 : i32 to vector<16xi32>
    %broadcast_in_dim3A_1373 = vector.broadcast %jit3A_1371 : i32 to vector<16xi32>
    %select_n3A_1374 = arith.select %le3A_1369, %broadcast_in_dim3A_1372, %broadcast_in_dim3A_1373 : vector<16xi1>, vector<16xi32>
    %add3A_1375 = arith.addi %add3A_1363, %select_n3A_1374 : vector<16xi32>
    %broadcast_in_dim3A_1376 = arith.constant 10 : i32
    %broadcast_in_dim3A_1377 = vector.broadcast %broadcast_in_dim3A_1376 : i32 to vector<16xi32>
    %broadcast_in_dim3A_1378 = vector.shape_cast %broadcast_in_dim3A_1377 : vector<16xi32> to vector<16x1xi32>
    %gather3A_1379 = vector.shape_cast %broadcast_in_dim3A_1378 : vector<16x1xi32> to vector<16xi32>
    %gather3A_1380 = tpu.dynamic_gather %get3A_35[%gather3A_1379] in [0] : vector<16xf32>, vector<16xi32> -> vector<16xf32>
    %le3A_1381 = arith.cmpf ole, %gather3A_1380, %convert_element_type3A_1253 : vector<16xf32>
    %jit3A_1382 = arith.constant 1 : i32
    %jit3A_1383 = arith.constant 0 : i32
    %broadcast_in_dim3A_1384 = vector.broadcast %jit3A_1382 : i32 to vector<16xi32>
    %broadcast_in_dim3A_1385 = vector.broadcast %jit3A_1383 : i32 to vector<16xi32>
    %select_n3A_1386 = arith.select %le3A_1381, %broadcast_in_dim3A_1384, %broadcast_in_dim3A_1385 : vector<16xi1>, vector<16xi32>
    %add3A_1387 = arith.addi %add3A_1375, %select_n3A_1386 : vector<16xi32>
    %broadcast_in_dim3A_1388 = arith.constant 11 : i32
    %broadcast_in_dim3A_1389 = vector.broadcast %broadcast_in_dim3A_1388 : i32 to vector<16xi32>
    %broadcast_in_dim3A_1390 = vector.shape_cast %broadcast_in_dim3A_1389 : vector<16xi32> to vector<16x1xi32>
    %gather3A_1391 = vector.shape_cast %broadcast_in_dim3A_1390 : vector<16x1xi32> to vector<16xi32>
    %gather3A_1392 = tpu.dynamic_gather %get3A_35[%gather3A_1391] in [0] : vector<16xf32>, vector<16xi32> -> vector<16xf32>
    %le3A_1393 = arith.cmpf ole, %gather3A_1392, %convert_element_type3A_1253 : vector<16xf32>
    %jit3A_1394 = arith.constant 1 : i32
    %jit3A_1395 = arith.constant 0 : i32
    %broadcast_in_dim3A_1396 = vector.broadcast %jit3A_1394 : i32 to vector<16xi32>
    %broadcast_in_dim3A_1397 = vector.broadcast %jit3A_1395 : i32 to vector<16xi32>
    %select_n3A_1398 = arith.select %le3A_1393, %broadcast_in_dim3A_1396, %broadcast_in_dim3A_1397 : vector<16xi1>, vector<16xi32>
    %add3A_1399 = arith.addi %add3A_1387, %select_n3A_1398 : vector<16xi32>
    %broadcast_in_dim3A_1400 = arith.constant 12 : i32
    %broadcast_in_dim3A_1401 = vector.broadcast %broadcast_in_dim3A_1400 : i32 to vector<16xi32>
    %broadcast_in_dim3A_1402 = vector.shape_cast %broadcast_in_dim3A_1401 : vector<16xi32> to vector<16x1xi32>
    %gather3A_1403 = vector.shape_cast %broadcast_in_dim3A_1402 : vector<16x1xi32> to vector<16xi32>
    %gather3A_1404 = tpu.dynamic_gather %get3A_35[%gather3A_1403] in [0] : vector<16xf32>, vector<16xi32> -> vector<16xf32>
    %le3A_1405 = arith.cmpf ole, %gather3A_1404, %convert_element_type3A_1253 : vector<16xf32>
    %jit3A_1406 = arith.constant 1 : i32
    %jit3A_1407 = arith.constant 0 : i32
    %broadcast_in_dim3A_1408 = vector.broadcast %jit3A_1406 : i32 to vector<16xi32>
    %broadcast_in_dim3A_1409 = vector.broadcast %jit3A_1407 : i32 to vector<16xi32>
    %select_n3A_1410 = arith.select %le3A_1405, %broadcast_in_dim3A_1408, %broadcast_in_dim3A_1409 : vector<16xi1>, vector<16xi32>
    %add3A_1411 = arith.addi %add3A_1399, %select_n3A_1410 : vector<16xi32>
    %broadcast_in_dim3A_1412 = arith.constant 13 : i32
    %broadcast_in_dim3A_1413 = vector.broadcast %broadcast_in_dim3A_1412 : i32 to vector<16xi32>
    %broadcast_in_dim3A_1414 = vector.shape_cast %broadcast_in_dim3A_1413 : vector<16xi32> to vector<16x1xi32>
    %gather3A_1415 = vector.shape_cast %broadcast_in_dim3A_1414 : vector<16x1xi32> to vector<16xi32>
    %gather3A_1416 = tpu.dynamic_gather %get3A_35[%gather3A_1415] in [0] : vector<16xf32>, vector<16xi32> -> vector<16xf32>
    %le3A_1417 = arith.cmpf ole, %gather3A_1416, %convert_element_type3A_1253 : vector<16xf32>
    %jit3A_1418 = arith.constant 1 : i32
    %jit3A_1419 = arith.constant 0 : i32
    %broadcast_in_dim3A_1420 = vector.broadcast %jit3A_1418 : i32 to vector<16xi32>
    %broadcast_in_dim3A_1421 = vector.broadcast %jit3A_1419 : i32 to vector<16xi32>
    %select_n3A_1422 = arith.select %le3A_1417, %broadcast_in_dim3A_1420, %broadcast_in_dim3A_1421 : vector<16xi1>, vector<16xi32>
    %add3A_1423 = arith.addi %add3A_1411, %select_n3A_1422 : vector<16xi32>
    %broadcast_in_dim3A_1424 = arith.constant 14 : i32
    %broadcast_in_dim3A_1425 = vector.broadcast %broadcast_in_dim3A_1424 : i32 to vector<16xi32>
    %broadcast_in_dim3A_1426 = vector.shape_cast %broadcast_in_dim3A_1425 : vector<16xi32> to vector<16x1xi32>
    %gather3A_1427 = vector.shape_cast %broadcast_in_dim3A_1426 : vector<16x1xi32> to vector<16xi32>
    %gather3A_1428 = tpu.dynamic_gather %get3A_35[%gather3A_1427] in [0] : vector<16xf32>, vector<16xi32> -> vector<16xf32>
    %le3A_1429 = arith.cmpf ole, %gather3A_1428, %convert_element_type3A_1253 : vector<16xf32>
    %jit3A_1430 = arith.constant 1 : i32
    %jit3A_1431 = arith.constant 0 : i32
    %broadcast_in_dim3A_1432 = vector.broadcast %jit3A_1430 : i32 to vector<16xi32>
    %broadcast_in_dim3A_1433 = vector.broadcast %jit3A_1431 : i32 to vector<16xi32>
    %select_n3A_1434 = arith.select %le3A_1429, %broadcast_in_dim3A_1432, %broadcast_in_dim3A_1433 : vector<16xi1>, vector<16xi32>
    %add3A_1435 = arith.addi %add3A_1423, %select_n3A_1434 : vector<16xi32>
    %broadcast_in_dim3A_1436 = arith.constant 15 : i32
    %broadcast_in_dim3A_1437 = vector.broadcast %broadcast_in_dim3A_1436 : i32 to vector<16xi32>
    %broadcast_in_dim3A_1438 = vector.shape_cast %broadcast_in_dim3A_1437 : vector<16xi32> to vector<16x1xi32>
    %gather3A_1439 = vector.shape_cast %broadcast_in_dim3A_1438 : vector<16x1xi32> to vector<16xi32>
    %gather3A_1440 = tpu.dynamic_gather %get3A_35[%gather3A_1439] in [0] : vector<16xf32>, vector<16xi32> -> vector<16xf32>
    %le3A_1441 = arith.cmpf ole, %gather3A_1440, %convert_element_type3A_1253 : vector<16xf32>
    %jit3A_1442 = arith.constant 1 : i32
    %jit3A_1443 = arith.constant 0 : i32
    %broadcast_in_dim3A_1444 = vector.broadcast %jit3A_1442 : i32 to vector<16xi32>
    %broadcast_in_dim3A_1445 = vector.broadcast %jit3A_1443 : i32 to vector<16xi32>
    %select_n3A_1446 = arith.select %le3A_1441, %broadcast_in_dim3A_1444, %broadcast_in_dim3A_1445 : vector<16xi1>, vector<16xi32>
    %add3A_1447 = arith.addi %add3A_1435, %select_n3A_1446 : vector<16xi32>
    %swap3A_1448 = arith.constant 96 : index
    %swap3A_1449 = tpu.vector_load %arg8[%swap3A_1448] {strides = array<i32>} : memref<128xi32, #tpu.memory_space<vmem>>, vector<16xi32>,
    tpu.vector_store %arg8[%swap3A_1448], %add3A_1447 {strides = array<i32>} : memref<128xi32, #tpu.memory_space<vmem>>, vector<16xi32>,
    %add3A_1450 = arith.constant 112 : i32
    %add3A_1451 = vector.broadcast %add3A_1450 : i32 to vector<16xi32>
    %add3A_1452 = arith.addi %iota3A, %add3A_1451 : vector<16xi32>
    %convert_element_type3A_1453 = arith.sitofp %add3A_1452 : vector<16xi32> to vector<16xf32>
    %broadcast_in_dim3A_1454 = arith.constant 0 : i32
    %broadcast_in_dim3A_1455 = vector.broadcast %broadcast_in_dim3A_1454 : i32 to vector<16xi32>
    %broadcast_in_dim3A_1456 = arith.constant 0 : i32
    %broadcast_in_dim3A_1457 = vector.broadcast %broadcast_in_dim3A_1456 : i32 to vector<16xi32>
    %broadcast_in_dim3A_1458 = vector.shape_cast %broadcast_in_dim3A_1457 : vector<16xi32> to vector<16x1xi32>
    %gather3A_1459 = vector.shape_cast %broadcast_in_dim3A_1458 : vector<16x1xi32> to vector<16xi32>
    %gather3A_1460 = tpu.dynamic_gather %get3A_35[%gather3A_1459] in [0] : vector<16xf32>, vector<16xi32> -> vector<16xf32>
    %le3A_1461 = arith.cmpf ole, %gather3A_1460, %convert_element_type3A_1453 : vector<16xf32>
    %jit3A_1462 = arith.constant 1 : i32
    %jit3A_1463 = arith.constant 0 : i32
    %broadcast_in_dim3A_1464 = vector.broadcast %jit3A_1462 : i32 to vector<16xi32>
    %broadcast_in_dim3A_1465 = vector.broadcast %jit3A_1463 : i32 to vector<16xi32>
    %select_n3A_1466 = arith.select %le3A_1461, %broadcast_in_dim3A_1464, %broadcast_in_dim3A_1465 : vector<16xi1>, vector<16xi32>
    %add3A_1467 = arith.addi %broadcast_in_dim3A_1455, %select_n3A_1466 : vector<16xi32>
    %broadcast_in_dim3A_1468 = arith.constant 1 : i32
    %broadcast_in_dim3A_1469 = vector.broadcast %broadcast_in_dim3A_1468 : i32 to vector<16xi32>
    %broadcast_in_dim3A_1470 = vector.shape_cast %broadcast_in_dim3A_1469 : vector<16xi32> to vector<16x1xi32>
    %gather3A_1471 = vector.shape_cast %broadcast_in_dim3A_1470 : vector<16x1xi32> to vector<16xi32>
    %gather3A_1472 = tpu.dynamic_gather %get3A_35[%gather3A_1471] in [0] : vector<16xf32>, vector<16xi32> -> vector<16xf32>
    %le3A_1473 = arith.cmpf ole, %gather3A_1472, %convert_element_type3A_1453 : vector<16xf32>
    %jit3A_1474 = arith.constant 1 : i32
    %jit3A_1475 = arith.constant 0 : i32
    %broadcast_in_dim3A_1476 = vector.broadcast %jit3A_1474 : i32 to vector<16xi32>
    %broadcast_in_dim3A_1477 = vector.broadcast %jit3A_1475 : i32 to vector<16xi32>
    %select_n3A_1478 = arith.select %le3A_1473, %broadcast_in_dim3A_1476, %broadcast_in_dim3A_1477 : vector<16xi1>, vector<16xi32>
    %add3A_1479 = arith.addi %add3A_1467, %select_n3A_1478 : vector<16xi32>
    %broadcast_in_dim3A_1480 = arith.constant 2 : i32
    %broadcast_in_dim3A_1481 = vector.broadcast %broadcast_in_dim3A_1480 : i32 to vector<16xi32>
    %broadcast_in_dim3A_1482 = vector.shape_cast %broadcast_in_dim3A_1481 : vector<16xi32> to vector<16x1xi32>
    %gather3A_1483 = vector.shape_cast %broadcast_in_dim3A_1482 : vector<16x1xi32> to vector<16xi32>
    %gather3A_1484 = tpu.dynamic_gather %get3A_35[%gather3A_1483] in [0] : vector<16xf32>, vector<16xi32> -> vector<16xf32>
    %le3A_1485 = arith.cmpf ole, %gather3A_1484, %convert_element_type3A_1453 : vector<16xf32>
    %jit3A_1486 = arith.constant 1 : i32
    %jit3A_1487 = arith.constant 0 : i32
    %broadcast_in_dim3A_1488 = vector.broadcast %jit3A_1486 : i32 to vector<16xi32>
    %broadcast_in_dim3A_1489 = vector.broadcast %jit3A_1487 : i32 to vector<16xi32>
    %select_n3A_1490 = arith.select %le3A_1485, %broadcast_in_dim3A_1488, %broadcast_in_dim3A_1489 : vector<16xi1>, vector<16xi32>
    %add3A_1491 = arith.addi %add3A_1479, %select_n3A_1490 : vector<16xi32>
    %broadcast_in_dim3A_1492 = arith.constant 3 : i32
    %broadcast_in_dim3A_1493 = vector.broadcast %broadcast_in_dim3A_1492 : i32 to vector<16xi32>
    %broadcast_in_dim3A_1494 = vector.shape_cast %broadcast_in_dim3A_1493 : vector<16xi32> to vector<16x1xi32>
    %gather3A_1495 = vector.shape_cast %broadcast_in_dim3A_1494 : vector<16x1xi32> to vector<16xi32>
    %gather3A_1496 = tpu.dynamic_gather %get3A_35[%gather3A_1495] in [0] : vector<16xf32>, vector<16xi32> -> vector<16xf32>
    %le3A_1497 = arith.cmpf ole, %gather3A_1496, %convert_element_type3A_1453 : vector<16xf32>
    %jit3A_1498 = arith.constant 1 : i32
    %jit3A_1499 = arith.constant 0 : i32
    %broadcast_in_dim3A_1500 = vector.broadcast %jit3A_1498 : i32 to vector<16xi32>
    %broadcast_in_dim3A_1501 = vector.broadcast %jit3A_1499 : i32 to vector<16xi32>
    %select_n3A_1502 = arith.select %le3A_1497, %broadcast_in_dim3A_1500, %broadcast_in_dim3A_1501 : vector<16xi1>, vector<16xi32>
    %add3A_1503 = arith.addi %add3A_1491, %select_n3A_1502 : vector<16xi32>
    %broadcast_in_dim3A_1504 = arith.constant 4 : i32
    %broadcast_in_dim3A_1505 = vector.broadcast %broadcast_in_dim3A_1504 : i32 to vector<16xi32>
    %broadcast_in_dim3A_1506 = vector.shape_cast %broadcast_in_dim3A_1505 : vector<16xi32> to vector<16x1xi32>
    %gather3A_1507 = vector.shape_cast %broadcast_in_dim3A_1506 : vector<16x1xi32> to vector<16xi32>
    %gather3A_1508 = tpu.dynamic_gather %get3A_35[%gather3A_1507] in [0] : vector<16xf32>, vector<16xi32> -> vector<16xf32>
    %le3A_1509 = arith.cmpf ole, %gather3A_1508, %convert_element_type3A_1453 : vector<16xf32>
    %jit3A_1510 = arith.constant 1 : i32
    %jit3A_1511 = arith.constant 0 : i32
    %broadcast_in_dim3A_1512 = vector.broadcast %jit3A_1510 : i32 to vector<16xi32>
    %broadcast_in_dim3A_1513 = vector.broadcast %jit3A_1511 : i32 to vector<16xi32>
    %select_n3A_1514 = arith.select %le3A_1509, %broadcast_in_dim3A_1512, %broadcast_in_dim3A_1513 : vector<16xi1>, vector<16xi32>
    %add3A_1515 = arith.addi %add3A_1503, %select_n3A_1514 : vector<16xi32>
    %broadcast_in_dim3A_1516 = arith.constant 5 : i32
    %broadcast_in_dim3A_1517 = vector.broadcast %broadcast_in_dim3A_1516 : i32 to vector<16xi32>
    %broadcast_in_dim3A_1518 = vector.shape_cast %broadcast_in_dim3A_1517 : vector<16xi32> to vector<16x1xi32>
    %gather3A_1519 = vector.shape_cast %broadcast_in_dim3A_1518 : vector<16x1xi32> to vector<16xi32>
    %gather3A_1520 = tpu.dynamic_gather %get3A_35[%gather3A_1519] in [0] : vector<16xf32>, vector<16xi32> -> vector<16xf32>
    %le3A_1521 = arith.cmpf ole, %gather3A_1520, %convert_element_type3A_1453 : vector<16xf32>
    %jit3A_1522 = arith.constant 1 : i32
    %jit3A_1523 = arith.constant 0 : i32
    %broadcast_in_dim3A_1524 = vector.broadcast %jit3A_1522 : i32 to vector<16xi32>
    %broadcast_in_dim3A_1525 = vector.broadcast %jit3A_1523 : i32 to vector<16xi32>
    %select_n3A_1526 = arith.select %le3A_1521, %broadcast_in_dim3A_1524, %broadcast_in_dim3A_1525 : vector<16xi1>, vector<16xi32>
    %add3A_1527 = arith.addi %add3A_1515, %select_n3A_1526 : vector<16xi32>
    %broadcast_in_dim3A_1528 = arith.constant 6 : i32
    %broadcast_in_dim3A_1529 = vector.broadcast %broadcast_in_dim3A_1528 : i32 to vector<16xi32>
    %broadcast_in_dim3A_1530 = vector.shape_cast %broadcast_in_dim3A_1529 : vector<16xi32> to vector<16x1xi32>
    %gather3A_1531 = vector.shape_cast %broadcast_in_dim3A_1530 : vector<16x1xi32> to vector<16xi32>
    %gather3A_1532 = tpu.dynamic_gather %get3A_35[%gather3A_1531] in [0] : vector<16xf32>, vector<16xi32> -> vector<16xf32>
    %le3A_1533 = arith.cmpf ole, %gather3A_1532, %convert_element_type3A_1453 : vector<16xf32>
    %jit3A_1534 = arith.constant 1 : i32
    %jit3A_1535 = arith.constant 0 : i32
    %broadcast_in_dim3A_1536 = vector.broadcast %jit3A_1534 : i32 to vector<16xi32>
    %broadcast_in_dim3A_1537 = vector.broadcast %jit3A_1535 : i32 to vector<16xi32>
    %select_n3A_1538 = arith.select %le3A_1533, %broadcast_in_dim3A_1536, %broadcast_in_dim3A_1537 : vector<16xi1>, vector<16xi32>
    %add3A_1539 = arith.addi %add3A_1527, %select_n3A_1538 : vector<16xi32>
    %broadcast_in_dim3A_1540 = arith.constant 7 : i32
    %broadcast_in_dim3A_1541 = vector.broadcast %broadcast_in_dim3A_1540 : i32 to vector<16xi32>
    %broadcast_in_dim3A_1542 = vector.shape_cast %broadcast_in_dim3A_1541 : vector<16xi32> to vector<16x1xi32>
    %gather3A_1543 = vector.shape_cast %broadcast_in_dim3A_1542 : vector<16x1xi32> to vector<16xi32>
    %gather3A_1544 = tpu.dynamic_gather %get3A_35[%gather3A_1543] in [0] : vector<16xf32>, vector<16xi32> -> vector<16xf32>
    %le3A_1545 = arith.cmpf ole, %gather3A_1544, %convert_element_type3A_1453 : vector<16xf32>
    %jit3A_1546 = arith.constant 1 : i32
    %jit3A_1547 = arith.constant 0 : i32
    %broadcast_in_dim3A_1548 = vector.broadcast %jit3A_1546 : i32 to vector<16xi32>
    %broadcast_in_dim3A_1549 = vector.broadcast %jit3A_1547 : i32 to vector<16xi32>
    %select_n3A_1550 = arith.select %le3A_1545, %broadcast_in_dim3A_1548, %broadcast_in_dim3A_1549 : vector<16xi1>, vector<16xi32>
    %add3A_1551 = arith.addi %add3A_1539, %select_n3A_1550 : vector<16xi32>
    %broadcast_in_dim3A_1552 = arith.constant 8 : i32
    %broadcast_in_dim3A_1553 = vector.broadcast %broadcast_in_dim3A_1552 : i32 to vector<16xi32>
    %broadcast_in_dim3A_1554 = vector.shape_cast %broadcast_in_dim3A_1553 : vector<16xi32> to vector<16x1xi32>
    %gather3A_1555 = vector.shape_cast %broadcast_in_dim3A_1554 : vector<16x1xi32> to vector<16xi32>
    %gather3A_1556 = tpu.dynamic_gather %get3A_35[%gather3A_1555] in [0] : vector<16xf32>, vector<16xi32> -> vector<16xf32>
    %le3A_1557 = arith.cmpf ole, %gather3A_1556, %convert_element_type3A_1453 : vector<16xf32>
    %jit3A_1558 = arith.constant 1 : i32
    %jit3A_1559 = arith.constant 0 : i32
    %broadcast_in_dim3A_1560 = vector.broadcast %jit3A_1558 : i32 to vector<16xi32>
    %broadcast_in_dim3A_1561 = vector.broadcast %jit3A_1559 : i32 to vector<16xi32>
    %select_n3A_1562 = arith.select %le3A_1557, %broadcast_in_dim3A_1560, %broadcast_in_dim3A_1561 : vector<16xi1>, vector<16xi32>
    %add3A_1563 = arith.addi %add3A_1551, %select_n3A_1562 : vector<16xi32>
    %broadcast_in_dim3A_1564 = arith.constant 9 : i32
    %broadcast_in_dim3A_1565 = vector.broadcast %broadcast_in_dim3A_1564 : i32 to vector<16xi32>
    %broadcast_in_dim3A_1566 = vector.shape_cast %broadcast_in_dim3A_1565 : vector<16xi32> to vector<16x1xi32>
    %gather3A_1567 = vector.shape_cast %broadcast_in_dim3A_1566 : vector<16x1xi32> to vector<16xi32>
    %gather3A_1568 = tpu.dynamic_gather %get3A_35[%gather3A_1567] in [0] : vector<16xf32>, vector<16xi32> -> vector<16xf32>
    %le3A_1569 = arith.cmpf ole, %gather3A_1568, %convert_element_type3A_1453 : vector<16xf32>
    %jit3A_1570 = arith.constant 1 : i32
    %jit3A_1571 = arith.constant 0 : i32
    %broadcast_in_dim3A_1572 = vector.broadcast %jit3A_1570 : i32 to vector<16xi32>
    %broadcast_in_dim3A_1573 = vector.broadcast %jit3A_1571 : i32 to vector<16xi32>
    %select_n3A_1574 = arith.select %le3A_1569, %broadcast_in_dim3A_1572, %broadcast_in_dim3A_1573 : vector<16xi1>, vector<16xi32>
    %add3A_1575 = arith.addi %add3A_1563, %select_n3A_1574 : vector<16xi32>
    %broadcast_in_dim3A_1576 = arith.constant 10 : i32
    %broadcast_in_dim3A_1577 = vector.broadcast %broadcast_in_dim3A_1576 : i32 to vector<16xi32>
    %broadcast_in_dim3A_1578 = vector.shape_cast %broadcast_in_dim3A_1577 : vector<16xi32> to vector<16x1xi32>
    %gather3A_1579 = vector.shape_cast %broadcast_in_dim3A_1578 : vector<16x1xi32> to vector<16xi32>
    %gather3A_1580 = tpu.dynamic_gather %get3A_35[%gather3A_1579] in [0] : vector<16xf32>, vector<16xi32> -> vector<16xf32>
    %le3A_1581 = arith.cmpf ole, %gather3A_1580, %convert_element_type3A_1453 : vector<16xf32>
    %jit3A_1582 = arith.constant 1 : i32
    %jit3A_1583 = arith.constant 0 : i32
    %broadcast_in_dim3A_1584 = vector.broadcast %jit3A_1582 : i32 to vector<16xi32>
    %broadcast_in_dim3A_1585 = vector.broadcast %jit3A_1583 : i32 to vector<16xi32>
    %select_n3A_1586 = arith.select %le3A_1581, %broadcast_in_dim3A_1584, %broadcast_in_dim3A_1585 : vector<16xi1>, vector<16xi32>
    %add3A_1587 = arith.addi %add3A_1575, %select_n3A_1586 : vector<16xi32>
    %broadcast_in_dim3A_1588 = arith.constant 11 : i32
    %broadcast_in_dim3A_1589 = vector.broadcast %broadcast_in_dim3A_1588 : i32 to vector<16xi32>
    %broadcast_in_dim3A_1590 = vector.shape_cast %broadcast_in_dim3A_1589 : vector<16xi32> to vector<16x1xi32>
    %gather3A_1591 = vector.shape_cast %broadcast_in_dim3A_1590 : vector<16x1xi32> to vector<16xi32>
    %gather3A_1592 = tpu.dynamic_gather %get3A_35[%gather3A_1591] in [0] : vector<16xf32>, vector<16xi32> -> vector<16xf32>
    %le3A_1593 = arith.cmpf ole, %gather3A_1592, %convert_element_type3A_1453 : vector<16xf32>
    %jit3A_1594 = arith.constant 1 : i32
    %jit3A_1595 = arith.constant 0 : i32
    %broadcast_in_dim3A_1596 = vector.broadcast %jit3A_1594 : i32 to vector<16xi32>
    %broadcast_in_dim3A_1597 = vector.broadcast %jit3A_1595 : i32 to vector<16xi32>
    %select_n3A_1598 = arith.select %le3A_1593, %broadcast_in_dim3A_1596, %broadcast_in_dim3A_1597 : vector<16xi1>, vector<16xi32>
    %add3A_1599 = arith.addi %add3A_1587, %select_n3A_1598 : vector<16xi32>
    %broadcast_in_dim3A_1600 = arith.constant 12 : i32
    %broadcast_in_dim3A_1601 = vector.broadcast %broadcast_in_dim3A_1600 : i32 to vector<16xi32>
    %broadcast_in_dim3A_1602 = vector.shape_cast %broadcast_in_dim3A_1601 : vector<16xi32> to vector<16x1xi32>
    %gather3A_1603 = vector.shape_cast %broadcast_in_dim3A_1602 : vector<16x1xi32> to vector<16xi32>
    %gather3A_1604 = tpu.dynamic_gather %get3A_35[%gather3A_1603] in [0] : vector<16xf32>, vector<16xi32> -> vector<16xf32>
    %le3A_1605 = arith.cmpf ole, %gather3A_1604, %convert_element_type3A_1453 : vector<16xf32>
    %jit3A_1606 = arith.constant 1 : i32
    %jit3A_1607 = arith.constant 0 : i32
    %broadcast_in_dim3A_1608 = vector.broadcast %jit3A_1606 : i32 to vector<16xi32>
    %broadcast_in_dim3A_1609 = vector.broadcast %jit3A_1607 : i32 to vector<16xi32>
    %select_n3A_1610 = arith.select %le3A_1605, %broadcast_in_dim3A_1608, %broadcast_in_dim3A_1609 : vector<16xi1>, vector<16xi32>
    %add3A_1611 = arith.addi %add3A_1599, %select_n3A_1610 : vector<16xi32>
    %broadcast_in_dim3A_1612 = arith.constant 13 : i32
    %broadcast_in_dim3A_1613 = vector.broadcast %broadcast_in_dim3A_1612 : i32 to vector<16xi32>
    %broadcast_in_dim3A_1614 = vector.shape_cast %broadcast_in_dim3A_1613 : vector<16xi32> to vector<16x1xi32>
    %gather3A_1615 = vector.shape_cast %broadcast_in_dim3A_1614 : vector<16x1xi32> to vector<16xi32>
    %gather3A_1616 = tpu.dynamic_gather %get3A_35[%gather3A_1615] in [0] : vector<16xf32>, vector<16xi32> -> vector<16xf32>
    %le3A_1617 = arith.cmpf ole, %gather3A_1616, %convert_element_type3A_1453 : vector<16xf32>
    %jit3A_1618 = arith.constant 1 : i32
    %jit3A_1619 = arith.constant 0 : i32
    %broadcast_in_dim3A_1620 = vector.broadcast %jit3A_1618 : i32 to vector<16xi32>
    %broadcast_in_dim3A_1621 = vector.broadcast %jit3A_1619 : i32 to vector<16xi32>
    %select_n3A_1622 = arith.select %le3A_1617, %broadcast_in_dim3A_1620, %broadcast_in_dim3A_1621 : vector<16xi1>, vector<16xi32>
    %add3A_1623 = arith.addi %add3A_1611, %select_n3A_1622 : vector<16xi32>
    %broadcast_in_dim3A_1624 = arith.constant 14 : i32
    %broadcast_in_dim3A_1625 = vector.broadcast %broadcast_in_dim3A_1624 : i32 to vector<16xi32>
    %broadcast_in_dim3A_1626 = vector.shape_cast %broadcast_in_dim3A_1625 : vector<16xi32> to vector<16x1xi32>
    %gather3A_1627 = vector.shape_cast %broadcast_in_dim3A_1626 : vector<16x1xi32> to vector<16xi32>
    %gather3A_1628 = tpu.dynamic_gather %get3A_35[%gather3A_1627] in [0] : vector<16xf32>, vector<16xi32> -> vector<16xf32>
    %le3A_1629 = arith.cmpf ole, %gather3A_1628, %convert_element_type3A_1453 : vector<16xf32>
    %jit3A_1630 = arith.constant 1 : i32
    %jit3A_1631 = arith.constant 0 : i32
    %broadcast_in_dim3A_1632 = vector.broadcast %jit3A_1630 : i32 to vector<16xi32>
    %broadcast_in_dim3A_1633 = vector.broadcast %jit3A_1631 : i32 to vector<16xi32>
    %select_n3A_1634 = arith.select %le3A_1629, %broadcast_in_dim3A_1632, %broadcast_in_dim3A_1633 : vector<16xi1>, vector<16xi32>
    %add3A_1635 = arith.addi %add3A_1623, %select_n3A_1634 : vector<16xi32>
    %broadcast_in_dim3A_1636 = arith.constant 15 : i32
    %broadcast_in_dim3A_1637 = vector.broadcast %broadcast_in_dim3A_1636 : i32 to vector<16xi32>
    %broadcast_in_dim3A_1638 = vector.shape_cast %broadcast_in_dim3A_1637 : vector<16xi32> to vector<16x1xi32>
    %gather3A_1639 = vector.shape_cast %broadcast_in_dim3A_1638 : vector<16x1xi32> to vector<16xi32>
    %gather3A_1640 = tpu.dynamic_gather %get3A_35[%gather3A_1639] in [0] : vector<16xf32>, vector<16xi32> -> vector<16xf32>
    %le3A_1641 = arith.cmpf ole, %gather3A_1640, %convert_element_type3A_1453 : vector<16xf32>
    %jit3A_1642 = arith.constant 1 : i32
    %jit3A_1643 = arith.constant 0 : i32
    %broadcast_in_dim3A_1644 = vector.broadcast %jit3A_1642 : i32 to vector<16xi32>
    %broadcast_in_dim3A_1645 = vector.broadcast %jit3A_1643 : i32 to vector<16xi32>
    %select_n3A_1646 = arith.select %le3A_1641, %broadcast_in_dim3A_1644, %broadcast_in_dim3A_1645 : vector<16xi1>, vector<16xi32>
    %add3A_1647 = arith.addi %add3A_1635, %select_n3A_1646 : vector<16xi32>
    %swap3A_1648 = arith.constant 112 : index
    %swap3A_1649 = tpu.vector_load %arg8[%swap3A_1648] {strides = array<i32>} : memref<128xi32, #tpu.memory_space<vmem>>, vector<16xi32>,
    tpu.vector_store %arg8[%swap3A_1648], %add3A_1647 {strides = array<i32>} : memref<128xi32, #tpu.memory_space<vmem>>, vector<16xi32>,
    %sub3A_1650 = arith.constant 1 : i32
    %sub3A_1651 = vector.broadcast %sub3A_1650 : i32 to vector<16xi32>
    %sub3A_1652 = arith.subi %iota3A, %sub3A_1651 : vector<16xi32>
    %max3A = arith.constant 0 : i32
    %max3A_1653 = vector.broadcast %max3A : i32 to vector<16xi32>
    %max3A_1654 = arith.maxsi %sub3A_1652, %max3A_1653 : vector<16xi32>
    %broadcast_in_dim3A_1655 = vector.shape_cast %max3A_1654 : vector<16xi32> to vector<16x1xi32>
    %gather3A_1656 = vector.shape_cast %broadcast_in_dim3A_1655 : vector<16x1xi32> to vector<16xi32>
    %gather3A_1657 = tpu.dynamic_gather %div3A[%gather3A_1656] in [0] : vector<16xf32>, vector<16xi32> -> vector<16xf32>
    %broadcast_in_dim3A_1658 = vector.shape_cast %max3A_1654 : vector<16xi32> to vector<16x1xi32>
    %gather3A_1659 = vector.shape_cast %broadcast_in_dim3A_1658 : vector<16x1xi32> to vector<16xi32>
    %gather3A_1660 = tpu.dynamic_gather %sub3A_52[%gather3A_1659] in [0] : vector<16xf32>, vector<16xi32> -> vector<16xf32>
    %convert_element_type3A_1661 = arith.fptosi %get3A_35 : vector<16xf32> to vector<16xi32>
    %convert_element_type3A_1662 = arith.sitofp %convert_element_type3A_1661 : vector<16xi32> to vector<16xf32>
    %eq3A = arith.cmpf oeq, %convert_element_type3A_1662, %get3A_35 : vector<16xf32>
    %reduce_and3A = arith.constant 1.000000e+00 : f32
    %reduce_and3A_1663 = arith.constant 0.000000e+00 : f32
    %reduce_and3A_1664 = vector.broadcast %reduce_and3A : f32 to vector<16xf32>
    %reduce_and3A_1665 = vector.broadcast %reduce_and3A_1663 : f32 to vector<16xf32>
    %reduce_and3A_1666 = arith.select %eq3A, %reduce_and3A_1664, %reduce_and3A_1665 : vector<16xi1>, vector<16xf32>
    %reduce_and3A_1667 = arith.constant true
    %reduce_and3A_1668 = vector.broadcast %reduce_and3A_1667 : i1 to vector<16xi1>
    %reduce_and3A_1669 = tpu.scan <min>, %reduce_and3A_1666 masked %reduce_and3A_1668 : vector<16xf32>, vector<16xi1> -> vector<16xf32>
    %reduce_and3A_1670 = vector.extract %reduce_and3A_1669[15] : f32 from vector<16xf32>
    %reduce_and3A_1671 = arith.constant 0.000000e+00 : f32
    %reduce_and3A_1672 = arith.cmpf ogt, %reduce_and3A_1670, %reduce_and3A_1671 : f32
    %get3A_1673 = arith.constant 0 : index
    %get3A_1674 = tpu.vector_load %arg8[%get3A_1673] {strides = array<i32>} : memref<128xi32, #tpu.memory_space<vmem>>, vector<16xi32>,
    %min3A_1675 = arith.constant 15 : i32
    %min3A_1676 = vector.broadcast %min3A_1675 : i32 to vector<16xi32>
    %min3A_1677 = arith.minsi %get3A_1674, %min3A_1676 : vector<16xi32>
    %sub3A_1678 = arith.constant 1 : i32
    %sub3A_1679 = vector.broadcast %sub3A_1678 : i32 to vector<16xi32>
    %sub3A_1680 = arith.subi %min3A_1677, %sub3A_1679 : vector<16xi32>
    %swap3A_1681 = arith.constant 0 : index
    %swap3A_1682 = tpu.vector_load %arg9[%swap3A_1681] {strides = array<i32>} : memref<128xi32, #tpu.memory_space<vmem>>, vector<16xi32>,
    tpu.vector_store %arg9[%swap3A_1681], %sub3A_1680 {strides = array<i32>} : memref<128xi32, #tpu.memory_space<vmem>>, vector<16xi32>,
    %get3A_1683 = arith.constant 16 : index
    %get3A_1684 = tpu.vector_load %arg8[%get3A_1683] {strides = array<i32>} : memref<128xi32, #tpu.memory_space<vmem>>, vector<16xi32>,
    %min3A_1685 = arith.constant 15 : i32
    %min3A_1686 = vector.broadcast %min3A_1685 : i32 to vector<16xi32>
    %min3A_1687 = arith.minsi %get3A_1684, %min3A_1686 : vector<16xi32>
    %sub3A_1688 = arith.constant 1 : i32
    %sub3A_1689 = vector.broadcast %sub3A_1688 : i32 to vector<16xi32>
    %sub3A_1690 = arith.subi %min3A_1687, %sub3A_1689 : vector<16xi32>
    %swap3A_1691 = arith.constant 16 : index
    %swap3A_1692 = tpu.vector_load %arg9[%swap3A_1691] {strides = array<i32>} : memref<128xi32, #tpu.memory_space<vmem>>, vector<16xi32>,
    tpu.vector_store %arg9[%swap3A_1691], %sub3A_1690 {strides = array<i32>} : memref<128xi32, #tpu.memory_space<vmem>>, vector<16xi32>,
    %get3A_1693 = arith.constant 32 : index
    %get3A_1694 = tpu.vector_load %arg8[%get3A_1693] {strides = array<i32>} : memref<128xi32, #tpu.memory_space<vmem>>, vector<16xi32>,
    %min3A_1695 = arith.constant 15 : i32
    %min3A_1696 = vector.broadcast %min3A_1695 : i32 to vector<16xi32>
    %min3A_1697 = arith.minsi %get3A_1694, %min3A_1696 : vector<16xi32>
    %sub3A_1698 = arith.constant 1 : i32
    %sub3A_1699 = vector.broadcast %sub3A_1698 : i32 to vector<16xi32>
    %sub3A_1700 = arith.subi %min3A_1697, %sub3A_1699 : vector<16xi32>
    %swap3A_1701 = arith.constant 32 : index
    %swap3A_1702 = tpu.vector_load %arg9[%swap3A_1701] {strides = array<i32>} : memref<128xi32, #tpu.memory_space<vmem>>, vector<16xi32>,
    tpu.vector_store %arg9[%swap3A_1701], %sub3A_1700 {strides = array<i32>} : memref<128xi32, #tpu.memory_space<vmem>>, vector<16xi32>,
    %get3A_1703 = arith.constant 48 : index
    %get3A_1704 = tpu.vector_load %arg8[%get3A_1703] {strides = array<i32>} : memref<128xi32, #tpu.memory_space<vmem>>, vector<16xi32>,
    %min3A_1705 = arith.constant 15 : i32
    %min3A_1706 = vector.broadcast %min3A_1705 : i32 to vector<16xi32>
    %min3A_1707 = arith.minsi %get3A_1704, %min3A_1706 : vector<16xi32>
    %sub3A_1708 = arith.constant 1 : i32
    %sub3A_1709 = vector.broadcast %sub3A_1708 : i32 to vector<16xi32>
    %sub3A_1710 = arith.subi %min3A_1707, %sub3A_1709 : vector<16xi32>
    %swap3A_1711 = arith.constant 48 : index
    %swap3A_1712 = tpu.vector_load %arg9[%swap3A_1711] {strides = array<i32>} : memref<128xi32, #tpu.memory_space<vmem>>, vector<16xi32>,
    tpu.vector_store %arg9[%swap3A_1711], %sub3A_1710 {strides = array<i32>} : memref<128xi32, #tpu.memory_space<vmem>>, vector<16xi32>,
    %get3A_1713 = arith.constant 64 : index
    %get3A_1714 = tpu.vector_load %arg8[%get3A_1713] {strides = array<i32>} : memref<128xi32, #tpu.memory_space<vmem>>, vector<16xi32>,
    %min3A_1715 = arith.constant 15 : i32
    %min3A_1716 = vector.broadcast %min3A_1715 : i32 to vector<16xi32>
    %min3A_1717 = arith.minsi %get3A_1714, %min3A_1716 : vector<16xi32>
    %sub3A_1718 = arith.constant 1 : i32
    %sub3A_1719 = vector.broadcast %sub3A_1718 : i32 to vector<16xi32>
    %sub3A_1720 = arith.subi %min3A_1717, %sub3A_1719 : vector<16xi32>
    %swap3A_1721 = arith.constant 64 : index
    %swap3A_1722 = tpu.vector_load %arg9[%swap3A_1721] {strides = array<i32>} : memref<128xi32, #tpu.memory_space<vmem>>, vector<16xi32>,
    tpu.vector_store %arg9[%swap3A_1721], %sub3A_1720 {strides = array<i32>} : memref<128xi32, #tpu.memory_space<vmem>>, vector<16xi32>,
    %get3A_1723 = arith.constant 80 : index
    %get3A_1724 = tpu.vector_load %arg8[%get3A_1723] {strides = array<i32>} : memref<128xi32, #tpu.memory_space<vmem>>, vector<16xi32>,
    %min3A_1725 = arith.constant 15 : i32
    %min3A_1726 = vector.broadcast %min3A_1725 : i32 to vector<16xi32>
    %min3A_1727 = arith.minsi %get3A_1724, %min3A_1726 : vector<16xi32>
    %sub3A_1728 = arith.constant 1 : i32
    %sub3A_1729 = vector.broadcast %sub3A_1728 : i32 to vector<16xi32>
    %sub3A_1730 = arith.subi %min3A_1727, %sub3A_1729 : vector<16xi32>
    %swap3A_1731 = arith.constant 80 : index
    %swap3A_1732 = tpu.vector_load %arg9[%swap3A_1731] {strides = array<i32>} : memref<128xi32, #tpu.memory_space<vmem>>, vector<16xi32>,
    tpu.vector_store %arg9[%swap3A_1731], %sub3A_1730 {strides = array<i32>} : memref<128xi32, #tpu.memory_space<vmem>>, vector<16xi32>,
    %get3A_1733 = arith.constant 96 : index
    %get3A_1734 = tpu.vector_load %arg8[%get3A_1733] {strides = array<i32>} : memref<128xi32, #tpu.memory_space<vmem>>, vector<16xi32>,
    %min3A_1735 = arith.constant 15 : i32
    %min3A_1736 = vector.broadcast %min3A_1735 : i32 to vector<16xi32>
    %min3A_1737 = arith.minsi %get3A_1734, %min3A_1736 : vector<16xi32>
    %sub3A_1738 = arith.constant 1 : i32
    %sub3A_1739 = vector.broadcast %sub3A_1738 : i32 to vector<16xi32>
    %sub3A_1740 = arith.subi %min3A_1737, %sub3A_1739 : vector<16xi32>
    %swap3A_1741 = arith.constant 96 : index
    %swap3A_1742 = tpu.vector_load %arg9[%swap3A_1741] {strides = array<i32>} : memref<128xi32, #tpu.memory_space<vmem>>, vector<16xi32>,
    tpu.vector_store %arg9[%swap3A_1741], %sub3A_1740 {strides = array<i32>} : memref<128xi32, #tpu.memory_space<vmem>>, vector<16xi32>,
    %get3A_1743 = arith.constant 112 : index
    %get3A_1744 = tpu.vector_load %arg8[%get3A_1743] {strides = array<i32>} : memref<128xi32, #tpu.memory_space<vmem>>, vector<16xi32>,
    %min3A_1745 = arith.constant 15 : i32
    %min3A_1746 = vector.broadcast %min3A_1745 : i32 to vector<16xi32>
    %min3A_1747 = arith.minsi %get3A_1744, %min3A_1746 : vector<16xi32>
    %sub3A_1748 = arith.constant 1 : i32
    %sub3A_1749 = vector.broadcast %sub3A_1748 : i32 to vector<16xi32>
    %sub3A_1750 = arith.subi %min3A_1747, %sub3A_1749 : vector<16xi32>
    %swap3A_1751 = arith.constant 112 : index
    %swap3A_1752 = tpu.vector_load %arg9[%swap3A_1751] {strides = array<i32>} : memref<128xi32, #tpu.memory_space<vmem>>, vector<16xi32>,
    tpu.vector_store %arg9[%swap3A_1751], %sub3A_1750 {strides = array<i32>} : memref<128xi32, #tpu.memory_space<vmem>>, vector<16xi32>,
    %convert_element_type3A_1753 = arith.extui %reduce_and3A_1672 : i1 to i32
    %cond3A = arith.constant 0 : i32
    %cond3A_1754 = arith.constant 1 : i32
    %cond3A_1755 = arith.constant 0 : i32
    %cond3A_1756 = arith.cmpi ne, %convert_element_type3A_1753, %cond3A_1755 : i32
    scf.if %cond3A_1756 {
      %dma_wait3A_1779 = arith.constant 0 : i32
      %dma_wait3A_1780 = tpu.memref_slice %arg6[%dma_wait3A_1779] : memref<32768xf32, #tpu.memory_space<vmem>> -> memref<16384xf32, #tpu.memory_space<vmem>>
      %dma_wait3A_1781 = tpu.memref_slice %arg2[%add3A_4] : memref<1048576xf32, #tpu.memory_space<hbm>> -> memref<16384xf32, #tpu.memory_space<hbm>>
      %dma_wait3A_1782 = tpu.memref_slice %arg12[%cond3A] : memref<2x!tpu.dma_semaphore, #tpu.memory_space<semaphore_mem>> -> memref<1x!tpu.dma_semaphore, #tpu.memory_space<semaphore_mem>>
      %dma_wait3A_1783 = tpu.memref_squeeze %dma_wait3A_1782 : memref<1x!tpu.dma_semaphore, #tpu.memory_space<semaphore_mem>> -> memref<!tpu.dma_semaphore, #tpu.memory_space<semaphore_mem>>
      %dma_wait3A_1784 = arith.constant 0 : i32
      %dma_wait3A_1785 = tpu.memref_slice %arg6[%dma_wait3A_1784] : memref<32768xf32, #tpu.memory_space<vmem>> -> memref<16384xf32, #tpu.memory_space<vmem>>
      %dma_wait3A_1786 = tpu.memref_slice %arg2[%add3A_4] : memref<1048576xf32, #tpu.memory_space<hbm>> -> memref<16384xf32, #tpu.memory_space<hbm>>
      tpu.wait_dma2 semaphore(%dma_wait3A_1783 : memref<!tpu.dma_semaphore, #tpu.memory_space<semaphore_mem>>) src(%dma_wait3A_1786 : memref<16384xf32, #tpu.memory_space<hbm>>) dst(%dma_wait3A_1785 : memref<16384xf32, #tpu.memory_space<vmem>>)
      %parallel_loop3A = arith.constant 0 : i32
      %parallel_loop3A_1787 = arith.constant 16384 : i32
      %parallel_loop3A_1788 = arith.constant 16 : i32
      scf.for %parallel_loop3A_1822 = %parallel_loop3A to %parallel_loop3A_1787 step %parallel_loop3A_1788  : i32 {
        %parallel_loop3A_1823 = arith.index_cast %parallel_loop3A_1822 : i32 to index
        %parallel_loop3A_1824 = tpu.vector_load %arg6[%parallel_loop3A_1823] {strides = array<i32>} : memref<32768xf32, #tpu.memory_space<vmem>>, vector<16xf32>,
        %parallel_loop3A_1825 = arith.fptosi %parallel_loop3A_1824 : vector<16xf32> to vector<16xi32>
        %parallel_loop3A_1826 = vector.bitcast %parallel_loop3A_1825 : vector<16xi32> to vector<16xi32>
        %parallel_loop3A_1827 = arith.constant 127 : i32
        %parallel_loop3A_1828 = vector.broadcast %parallel_loop3A_1827 : i32 to vector<16xi32>
        %parallel_loop3A_1829 = arith.minui %parallel_loop3A_1826, %parallel_loop3A_1828 : vector<16xi32>
        %parallel_loop3A_1830 = vector.bitcast %parallel_loop3A_1829 : vector<16xi32> to vector<16xi32>
        %parallel_loop3A_1831 = tpu.vector_load_idx %arg9[%parallel_loop3A_1830] : memref<128xi32, #tpu.memory_space<vmem>>[vector<16xi32>], vector<16xi32>,
        %parallel_loop3A_1832 = vector.shape_cast %parallel_loop3A_1831 : vector<16xi32> to vector<16x1xi32>
        %parallel_loop3A_1833 = vector.shape_cast %parallel_loop3A_1832 : vector<16x1xi32> to vector<16xi32>
        %parallel_loop3A_1834 = tpu.dynamic_gather %div3A[%parallel_loop3A_1833] in [0] : vector<16xf32>, vector<16xi32> -> vector<16xf32>
        %parallel_loop3A_1835 = arith.mulf %parallel_loop3A_1834, %parallel_loop3A_1824 : vector<16xf32>
        %parallel_loop3A_1836 = vector.shape_cast %parallel_loop3A_1831 : vector<16xi32> to vector<16x1xi32>
        %parallel_loop3A_1837 = vector.shape_cast %parallel_loop3A_1836 : vector<16x1xi32> to vector<16xi32>
        %parallel_loop3A_1838 = tpu.dynamic_gather %sub3A_52[%parallel_loop3A_1837] in [0] : vector<16xf32>, vector<16xi32> -> vector<16xf32>
        %parallel_loop3A_1839 = arith.addf %parallel_loop3A_1835, %parallel_loop3A_1838 : vector<16xf32>
        %parallel_loop3A_1840 = arith.index_cast %parallel_loop3A_1822 : i32 to index
        %parallel_loop3A_1841 = tpu.vector_load %arg7[%parallel_loop3A_1840] {strides = array<i32>} : memref<32768xf32, #tpu.memory_space<vmem>>, vector<16xf32>,
        tpu.vector_store %arg7[%parallel_loop3A_1840], %parallel_loop3A_1839 {strides = array<i32>} : memref<32768xf32, #tpu.memory_space<vmem>>, vector<16xf32>,
      } {sc.loop_unroll_factor = 8 : i64, sc.parallel_access}
      %add3A_1789 = arith.constant 0 : i32
      %add3A_1790 = arith.addi %mul3A_2, %add3A_1789 : i32
      %dma_start3A_1791 = arith.constant 0 : i32
      %dma_start3A_1792 = arith.constant 0 : i32
      %dma_start3A_1793 = tpu.memref_slice %arg7[%dma_start3A_1792] : memref<32768xf32, #tpu.memory_space<vmem>> -> memref<16384xf32, #tpu.memory_space<vmem>>
      %dma_start3A_1794 = tpu.memref_slice %arg5[%add3A_1790] : memref<1048576xf32, #tpu.memory_space<hbm>> -> memref<16384xf32, #tpu.memory_space<hbm>>
      %dma_start3A_1795 = tpu.memref_slice %arg13[%dma_start3A_1791] : memref<2x!tpu.dma_semaphore, #tpu.memory_space<semaphore_mem>> -> memref<1x!tpu.dma_semaphore, #tpu.memory_space<semaphore_mem>>
      %dma_start3A_1796 = tpu.memref_squeeze %dma_start3A_1795 : memref<1x!tpu.dma_semaphore, #tpu.memory_space<semaphore_mem>> -> memref<!tpu.dma_semaphore, #tpu.memory_space<semaphore_mem>>
      %dma_start3A_1797 = tpu.memref_slice %arg5[%add3A_1790] : memref<1048576xf32, #tpu.memory_space<hbm>> -> memref<16384xf32, #tpu.memory_space<hbm>>
      %dma_start3A_1798 = arith.constant 0 : i32
      %dma_start3A_1799 = tpu.memref_slice %arg7[%dma_start3A_1798] : memref<32768xf32, #tpu.memory_space<vmem>> -> memref<16384xf32, #tpu.memory_space<vmem>>
      tpu.enqueue_dma source(%dma_start3A_1799 : memref<16384xf32, #tpu.memory_space<vmem>>) target(%dma_start3A_1797 : memref<16384xf32, #tpu.memory_space<hbm>>) target_semaphore(%dma_start3A_1796 : memref<!tpu.dma_semaphore, #tpu.memory_space<semaphore_mem>>)
      %dma_wait3A_1800 = arith.constant 16384 : i32
      %dma_wait3A_1801 = tpu.memref_slice %arg6[%dma_wait3A_1800] : memref<32768xf32, #tpu.memory_space<vmem>> -> memref<16384xf32, #tpu.memory_space<vmem>>
      %dma_wait3A_1802 = tpu.memref_slice %arg2[%add3A_14] : memref<1048576xf32, #tpu.memory_space<hbm>> -> memref<16384xf32, #tpu.memory_space<hbm>>
      %dma_wait3A_1803 = tpu.memref_slice %arg12[%cond3A_1754] : memref<2x!tpu.dma_semaphore, #tpu.memory_space<semaphore_mem>> -> memref<1x!tpu.dma_semaphore, #tpu.memory_space<semaphore_mem>>
      %dma_wait3A_1804 = tpu.memref_squeeze %dma_wait3A_1803 : memref<1x!tpu.dma_semaphore, #tpu.memory_space<semaphore_mem>> -> memref<!tpu.dma_semaphore, #tpu.memory_space<semaphore_mem>>
      %dma_wait3A_1805 = arith.constant 16384 : i32
      %dma_wait3A_1806 = tpu.memref_slice %arg6[%dma_wait3A_1805] : memref<32768xf32, #tpu.memory_space<vmem>> -> memref<16384xf32, #tpu.memory_space<vmem>>
      %dma_wait3A_1807 = tpu.memref_slice %arg2[%add3A_14] : memref<1048576xf32, #tpu.memory_space<hbm>> -> memref<16384xf32, #tpu.memory_space<hbm>>
      tpu.wait_dma2 semaphore(%dma_wait3A_1804 : memref<!tpu.dma_semaphore, #tpu.memory_space<semaphore_mem>>) src(%dma_wait3A_1807 : memref<16384xf32, #tpu.memory_space<hbm>>) dst(%dma_wait3A_1806 : memref<16384xf32, #tpu.memory_space<vmem>>)
      %parallel_loop3A_1808 = arith.constant 16384 : i32
      %parallel_loop3A_1809 = arith.constant 32768 : i32
      %parallel_loop3A_1810 = arith.constant 16 : i32
      scf.for %parallel_loop3A_1822 = %parallel_loop3A_1808 to %parallel_loop3A_1809 step %parallel_loop3A_1810  : i32 {
        %parallel_loop3A_1823 = arith.index_cast %parallel_loop3A_1822 : i32 to index
        %parallel_loop3A_1824 = tpu.vector_load %arg6[%parallel_loop3A_1823] {strides = array<i32>} : memref<32768xf32, #tpu.memory_space<vmem>>, vector<16xf32>,
        %parallel_loop3A_1825 = arith.fptosi %parallel_loop3A_1824 : vector<16xf32> to vector<16xi32>
        %parallel_loop3A_1826 = vector.bitcast %parallel_loop3A_1825 : vector<16xi32> to vector<16xi32>
        %parallel_loop3A_1827 = arith.constant 127 : i32
        %parallel_loop3A_1828 = vector.broadcast %parallel_loop3A_1827 : i32 to vector<16xi32>
        %parallel_loop3A_1829 = arith.minui %parallel_loop3A_1826, %parallel_loop3A_1828 : vector<16xi32>
        %parallel_loop3A_1830 = vector.bitcast %parallel_loop3A_1829 : vector<16xi32> to vector<16xi32>
        %parallel_loop3A_1831 = tpu.vector_load_idx %arg9[%parallel_loop3A_1830] : memref<128xi32, #tpu.memory_space<vmem>>[vector<16xi32>], vector<16xi32>,
        %parallel_loop3A_1832 = vector.shape_cast %parallel_loop3A_1831 : vector<16xi32> to vector<16x1xi32>
        %parallel_loop3A_1833 = vector.shape_cast %parallel_loop3A_1832 : vector<16x1xi32> to vector<16xi32>
        %parallel_loop3A_1834 = tpu.dynamic_gather %div3A[%parallel_loop3A_1833] in [0] : vector<16xf32>, vector<16xi32> -> vector<16xf32>
        %parallel_loop3A_1835 = arith.mulf %parallel_loop3A_1834, %parallel_loop3A_1824 : vector<16xf32>
        %parallel_loop3A_1836 = vector.shape_cast %parallel_loop3A_1831 : vector<16xi32> to vector<16x1xi32>
        %parallel_loop3A_1837 = vector.shape_cast %parallel_loop3A_1836 : vector<16x1xi32> to vector<16xi32>
        %parallel_loop3A_1838 = tpu.dynamic_gather %sub3A_52[%parallel_loop3A_1837] in [0] : vector<16xf32>, vector<16xi32> -> vector<16xf32>
        %parallel_loop3A_1839 = arith.addf %parallel_loop3A_1835, %parallel_loop3A_1838 : vector<16xf32>
        %parallel_loop3A_1840 = arith.index_cast %parallel_loop3A_1822 : i32 to index
        %parallel_loop3A_1841 = tpu.vector_load %arg7[%parallel_loop3A_1840] {strides = array<i32>} : memref<32768xf32, #tpu.memory_space<vmem>>, vector<16xf32>,
        tpu.vector_store %arg7[%parallel_loop3A_1840], %parallel_loop3A_1839 {strides = array<i32>} : memref<32768xf32, #tpu.memory_space<vmem>>, vector<16xf32>,
      } {sc.loop_unroll_factor = 8 : i64, sc.parallel_access}
      %add3A_1811 = arith.constant 16384 : i32
      %add3A_1812 = arith.addi %mul3A_2, %add3A_1811 : i32
      %dma_start3A_1813 = arith.constant 1 : i32
      %dma_start3A_1814 = arith.constant 16384 : i32
      %dma_start3A_1815 = tpu.memref_slice %arg7[%dma_start3A_1814] : memref<32768xf32, #tpu.memory_space<vmem>> -> memref<16384xf32, #tpu.memory_space<vmem>>
      %dma_start3A_1816 = tpu.memref_slice %arg5[%add3A_1812] : memref<1048576xf32, #tpu.memory_space<hbm>> -> memref<16384xf32, #tpu.memory_space<hbm>>
      %dma_start3A_1817 = tpu.memref_slice %arg13[%dma_start3A_1813] : memref<2x!tpu.dma_semaphore, #tpu.memory_space<semaphore_mem>> -> memref<1x!tpu.dma_semaphore, #tpu.memory_space<semaphore_mem>>
      %dma_start3A_1818 = tpu.memref_squeeze %dma_start3A_1817 : memref<1x!tpu.dma_semaphore, #tpu.memory_space<semaphore_mem>> -> memref<!tpu.dma_semaphore, #tpu.memory_space<semaphore_mem>>
      %dma_start3A_1819 = tpu.memref_slice %arg5[%add3A_1812] : memref<1048576xf32, #tpu.memory_space<hbm>> -> memref<16384xf32, #tpu.memory_space<hbm>>
      %dma_start3A_1820 = arith.constant 16384 : i32
      %dma_start3A_1821 = tpu.memref_slice %arg7[%dma_start3A_1820] : memref<32768xf32, #tpu.memory_space<vmem>> -> memref<16384xf32, #tpu.memory_space<vmem>>
      tpu.enqueue_dma source(%dma_start3A_1821 : memref<16384xf32, #tpu.memory_space<vmem>>) target(%dma_start3A_1819 : memref<16384xf32, #tpu.memory_space<hbm>>) target_semaphore(%dma_start3A_1818 : memref<!tpu.dma_semaphore, #tpu.memory_space<semaphore_mem>>)
    } else {
      %dma_wait3A_1779 = arith.constant 0 : i32
      %dma_wait3A_1780 = tpu.memref_slice %arg6[%dma_wait3A_1779] : memref<32768xf32, #tpu.memory_space<vmem>> -> memref<16384xf32, #tpu.memory_space<vmem>>
      %dma_wait3A_1781 = tpu.memref_slice %arg2[%add3A_4] : memref<1048576xf32, #tpu.memory_space<hbm>> -> memref<16384xf32, #tpu.memory_space<hbm>>
      %dma_wait3A_1782 = tpu.memref_slice %arg12[%cond3A] : memref<2x!tpu.dma_semaphore, #tpu.memory_space<semaphore_mem>> -> memref<1x!tpu.dma_semaphore, #tpu.memory_space<semaphore_mem>>
      %dma_wait3A_1783 = tpu.memref_squeeze %dma_wait3A_1782 : memref<1x!tpu.dma_semaphore, #tpu.memory_space<semaphore_mem>> -> memref<!tpu.dma_semaphore, #tpu.memory_space<semaphore_mem>>
      %dma_wait3A_1784 = arith.constant 0 : i32
      %dma_wait3A_1785 = tpu.memref_slice %arg6[%dma_wait3A_1784] : memref<32768xf32, #tpu.memory_space<vmem>> -> memref<16384xf32, #tpu.memory_space<vmem>>
      %dma_wait3A_1786 = tpu.memref_slice %arg2[%add3A_4] : memref<1048576xf32, #tpu.memory_space<hbm>> -> memref<16384xf32, #tpu.memory_space<hbm>>
      tpu.wait_dma2 semaphore(%dma_wait3A_1783 : memref<!tpu.dma_semaphore, #tpu.memory_space<semaphore_mem>>) src(%dma_wait3A_1786 : memref<16384xf32, #tpu.memory_space<hbm>>) dst(%dma_wait3A_1785 : memref<16384xf32, #tpu.memory_space<vmem>>)
      %parallel_loop3A = arith.constant 0 : i32
      %parallel_loop3A_1787 = arith.constant 16384 : i32
      %parallel_loop3A_1788 = arith.constant 16 : i32
      scf.for %parallel_loop3A_1822 = %parallel_loop3A to %parallel_loop3A_1787 step %parallel_loop3A_1788  : i32 {
        %parallel_loop3A_1823 = arith.index_cast %parallel_loop3A_1822 : i32 to index
        %parallel_loop3A_1824 = tpu.vector_load %arg6[%parallel_loop3A_1823] {strides = array<i32>} : memref<32768xf32, #tpu.memory_space<vmem>>, vector<16xf32>,
        %parallel_loop3A_1825 = arith.fptosi %parallel_loop3A_1824 : vector<16xf32> to vector<16xi32>
        %parallel_loop3A_1826 = vector.bitcast %parallel_loop3A_1825 : vector<16xi32> to vector<16xi32>
        %parallel_loop3A_1827 = arith.constant 127 : i32
        %parallel_loop3A_1828 = vector.broadcast %parallel_loop3A_1827 : i32 to vector<16xi32>
        %parallel_loop3A_1829 = arith.minui %parallel_loop3A_1826, %parallel_loop3A_1828 : vector<16xi32>
        %parallel_loop3A_1830 = vector.bitcast %parallel_loop3A_1829 : vector<16xi32> to vector<16xi32>
        %parallel_loop3A_1831 = tpu.vector_load_idx %arg8[%parallel_loop3A_1830] : memref<128xi32, #tpu.memory_space<vmem>>[vector<16xi32>], vector<16xi32>,
        %parallel_loop3A_1832 = arith.constant 15 : i32
        %parallel_loop3A_1833 = vector.broadcast %parallel_loop3A_1832 : i32 to vector<16xi32>
        %parallel_loop3A_1834 = arith.minsi %parallel_loop3A_1831, %parallel_loop3A_1833 : vector<16xi32>
        %parallel_loop3A_1835 = vector.shape_cast %parallel_loop3A_1834 : vector<16xi32> to vector<16x1xi32>
        %parallel_loop3A_1836 = vector.shape_cast %parallel_loop3A_1835 : vector<16x1xi32> to vector<16xi32>
        %parallel_loop3A_1837 = tpu.dynamic_gather %get3A_35[%parallel_loop3A_1836] in [0] : vector<16xf32>, vector<16xi32> -> vector<16xf32>
        %parallel_loop3A_1838 = arith.cmpf oge, %parallel_loop3A_1824, %parallel_loop3A_1837 : vector<16xf32>
        %parallel_loop3A_1839 = arith.constant 1 : i32
        %parallel_loop3A_1840 = arith.constant 0 : i32
        %parallel_loop3A_1841 = vector.broadcast %parallel_loop3A_1839 : i32 to vector<16xi32>
        %parallel_loop3A_1842 = vector.broadcast %parallel_loop3A_1840 : i32 to vector<16xi32>
        %parallel_loop3A_1843 = arith.select %parallel_loop3A_1838, %parallel_loop3A_1841, %parallel_loop3A_1842 : vector<16xi1>, vector<16xi32>
        %parallel_loop3A_1844 = arith.addi %parallel_loop3A_1831, %parallel_loop3A_1843 : vector<16xi32>
        %parallel_loop3A_1845 = arith.constant 15 : i32
        %parallel_loop3A_1846 = vector.broadcast %parallel_loop3A_1845 : i32 to vector<16xi32>
        %parallel_loop3A_1847 = arith.minsi %parallel_loop3A_1844, %parallel_loop3A_1846 : vector<16xi32>
        %parallel_loop3A_1848 = vector.shape_cast %parallel_loop3A_1847 : vector<16xi32> to vector<16x1xi32>
        %parallel_loop3A_1849 = vector.shape_cast %parallel_loop3A_1848 : vector<16x1xi32> to vector<16xi32>
        %parallel_loop3A_1850 = tpu.dynamic_gather %gather3A_1657[%parallel_loop3A_1849] in [0] : vector<16xf32>, vector<16xi32> -> vector<16xf32>
        %parallel_loop3A_1851 = arith.mulf %parallel_loop3A_1850, %parallel_loop3A_1824 : vector<16xf32>
        %parallel_loop3A_1852 = vector.shape_cast %parallel_loop3A_1847 : vector<16xi32> to vector<16x1xi32>
        %parallel_loop3A_1853 = vector.shape_cast %parallel_loop3A_1852 : vector<16x1xi32> to vector<16xi32>
        %parallel_loop3A_1854 = tpu.dynamic_gather %gather3A_1660[%parallel_loop3A_1853] in [0] : vector<16xf32>, vector<16xi32> -> vector<16xf32>
        %parallel_loop3A_1855 = arith.addf %parallel_loop3A_1851, %parallel_loop3A_1854 : vector<16xf32>
        %parallel_loop3A_1856 = arith.index_cast %parallel_loop3A_1822 : i32 to index
        %parallel_loop3A_1857 = tpu.vector_load %arg7[%parallel_loop3A_1856] {strides = array<i32>} : memref<32768xf32, #tpu.memory_space<vmem>>, vector<16xf32>,
        tpu.vector_store %arg7[%parallel_loop3A_1856], %parallel_loop3A_1855 {strides = array<i32>} : memref<32768xf32, #tpu.memory_space<vmem>>, vector<16xf32>,
      } {sc.loop_unroll_factor = 8 : i64, sc.parallel_access}
      %add3A_1789 = arith.constant 0 : i32
      %add3A_1790 = arith.addi %mul3A_2, %add3A_1789 : i32
      %dma_start3A_1791 = arith.constant 0 : i32
      %dma_start3A_1792 = arith.constant 0 : i32
      %dma_start3A_1793 = tpu.memref_slice %arg7[%dma_start3A_1792] : memref<32768xf32, #tpu.memory_space<vmem>> -> memref<16384xf32, #tpu.memory_space<vmem>>
      %dma_start3A_1794 = tpu.memref_slice %arg5[%add3A_1790] : memref<1048576xf32, #tpu.memory_space<hbm>> -> memref<16384xf32, #tpu.memory_space<hbm>>
      %dma_start3A_1795 = tpu.memref_slice %arg13[%dma_start3A_1791] : memref<2x!tpu.dma_semaphore, #tpu.memory_space<semaphore_mem>> -> memref<1x!tpu.dma_semaphore, #tpu.memory_space<semaphore_mem>>
      %dma_start3A_1796 = tpu.memref_squeeze %dma_start3A_1795 : memref<1x!tpu.dma_semaphore, #tpu.memory_space<semaphore_mem>> -> memref<!tpu.dma_semaphore, #tpu.memory_space<semaphore_mem>>
      %dma_start3A_1797 = tpu.memref_slice %arg5[%add3A_1790] : memref<1048576xf32, #tpu.memory_space<hbm>> -> memref<16384xf32, #tpu.memory_space<hbm>>
      %dma_start3A_1798 = arith.constant 0 : i32
      %dma_start3A_1799 = tpu.memref_slice %arg7[%dma_start3A_1798] : memref<32768xf32, #tpu.memory_space<vmem>> -> memref<16384xf32, #tpu.memory_space<vmem>>
      tpu.enqueue_dma source(%dma_start3A_1799 : memref<16384xf32, #tpu.memory_space<vmem>>) target(%dma_start3A_1797 : memref<16384xf32, #tpu.memory_space<hbm>>) target_semaphore(%dma_start3A_1796 : memref<!tpu.dma_semaphore, #tpu.memory_space<semaphore_mem>>)
      %dma_wait3A_1800 = arith.constant 16384 : i32
      %dma_wait3A_1801 = tpu.memref_slice %arg6[%dma_wait3A_1800] : memref<32768xf32, #tpu.memory_space<vmem>> -> memref<16384xf32, #tpu.memory_space<vmem>>
      %dma_wait3A_1802 = tpu.memref_slice %arg2[%add3A_14] : memref<1048576xf32, #tpu.memory_space<hbm>> -> memref<16384xf32, #tpu.memory_space<hbm>>
      %dma_wait3A_1803 = tpu.memref_slice %arg12[%cond3A_1754] : memref<2x!tpu.dma_semaphore, #tpu.memory_space<semaphore_mem>> -> memref<1x!tpu.dma_semaphore, #tpu.memory_space<semaphore_mem>>
      %dma_wait3A_1804 = tpu.memref_squeeze %dma_wait3A_1803 : memref<1x!tpu.dma_semaphore, #tpu.memory_space<semaphore_mem>> -> memref<!tpu.dma_semaphore, #tpu.memory_space<semaphore_mem>>
      %dma_wait3A_1805 = arith.constant 16384 : i32
      %dma_wait3A_1806 = tpu.memref_slice %arg6[%dma_wait3A_1805] : memref<32768xf32, #tpu.memory_space<vmem>> -> memref<16384xf32, #tpu.memory_space<vmem>>
      %dma_wait3A_1807 = tpu.memref_slice %arg2[%add3A_14] : memref<1048576xf32, #tpu.memory_space<hbm>> -> memref<16384xf32, #tpu.memory_space<hbm>>
      tpu.wait_dma2 semaphore(%dma_wait3A_1804 : memref<!tpu.dma_semaphore, #tpu.memory_space<semaphore_mem>>) src(%dma_wait3A_1807 : memref<16384xf32, #tpu.memory_space<hbm>>) dst(%dma_wait3A_1806 : memref<16384xf32, #tpu.memory_space<vmem>>)
      %parallel_loop3A_1808 = arith.constant 16384 : i32
      %parallel_loop3A_1809 = arith.constant 32768 : i32
      %parallel_loop3A_1810 = arith.constant 16 : i32
      scf.for %parallel_loop3A_1822 = %parallel_loop3A_1808 to %parallel_loop3A_1809 step %parallel_loop3A_1810  : i32 {
        %parallel_loop3A_1823 = arith.index_cast %parallel_loop3A_1822 : i32 to index
        %parallel_loop3A_1824 = tpu.vector_load %arg6[%parallel_loop3A_1823] {strides = array<i32>} : memref<32768xf32, #tpu.memory_space<vmem>>, vector<16xf32>,
        %parallel_loop3A_1825 = arith.fptosi %parallel_loop3A_1824 : vector<16xf32> to vector<16xi32>
        %parallel_loop3A_1826 = vector.bitcast %parallel_loop3A_1825 : vector<16xi32> to vector<16xi32>
        %parallel_loop3A_1827 = arith.constant 127 : i32
        %parallel_loop3A_1828 = vector.broadcast %parallel_loop3A_1827 : i32 to vector<16xi32>
        %parallel_loop3A_1829 = arith.minui %parallel_loop3A_1826, %parallel_loop3A_1828 : vector<16xi32>
        %parallel_loop3A_1830 = vector.bitcast %parallel_loop3A_1829 : vector<16xi32> to vector<16xi32>
        %parallel_loop3A_1831 = tpu.vector_load_idx %arg8[%parallel_loop3A_1830] : memref<128xi32, #tpu.memory_space<vmem>>[vector<16xi32>], vector<16xi32>,
        %parallel_loop3A_1832 = arith.constant 15 : i32
        %parallel_loop3A_1833 = vector.broadcast %parallel_loop3A_1832 : i32 to vector<16xi32>
        %parallel_loop3A_1834 = arith.minsi %parallel_loop3A_1831, %parallel_loop3A_1833 : vector<16xi32>
        %parallel_loop3A_1835 = vector.shape_cast %parallel_loop3A_1834 : vector<16xi32> to vector<16x1xi32>
        %parallel_loop3A_1836 = vector.shape_cast %parallel_loop3A_1835 : vector<16x1xi32> to vector<16xi32>
        %parallel_loop3A_1837 = tpu.dynamic_gather %get3A_35[%parallel_loop3A_1836] in [0] : vector<16xf32>, vector<16xi32> -> vector<16xf32>
        %parallel_loop3A_1838 = arith.cmpf oge, %parallel_loop3A_1824, %parallel_loop3A_1837 : vector<16xf32>
        %parallel_loop3A_1839 = arith.constant 1 : i32
        %parallel_loop3A_1840 = arith.constant 0 : i32
        %parallel_loop3A_1841 = vector.broadcast %parallel_loop3A_1839 : i32 to vector<16xi32>
        %parallel_loop3A_1842 = vector.broadcast %parallel_loop3A_1840 : i32 to vector<16xi32>
        %parallel_loop3A_1843 = arith.select %parallel_loop3A_1838, %parallel_loop3A_1841, %parallel_loop3A_1842 : vector<16xi1>, vector<16xi32>
        %parallel_loop3A_1844 = arith.addi %parallel_loop3A_1831, %parallel_loop3A_1843 : vector<16xi32>
        %parallel_loop3A_1845 = arith.constant 15 : i32
        %parallel_loop3A_1846 = vector.broadcast %parallel_loop3A_1845 : i32 to vector<16xi32>
        %parallel_loop3A_1847 = arith.minsi %parallel_loop3A_1844, %parallel_loop3A_1846 : vector<16xi32>
        %parallel_loop3A_1848 = vector.shape_cast %parallel_loop3A_1847 : vector<16xi32> to vector<16x1xi32>
        %parallel_loop3A_1849 = vector.shape_cast %parallel_loop3A_1848 : vector<16x1xi32> to vector<16xi32>
        %parallel_loop3A_1850 = tpu.dynamic_gather %gather3A_1657[%parallel_loop3A_1849] in [0] : vector<16xf32>, vector<16xi32> -> vector<16xf32>
        %parallel_loop3A_1851 = arith.mulf %parallel_loop3A_1850, %parallel_loop3A_1824 : vector<16xf32>
        %parallel_loop3A_1852 = vector.shape_cast %parallel_loop3A_1847 : vector<16xi32> to vector<16x1xi32>
        %parallel_loop3A_1853 = vector.shape_cast %parallel_loop3A_1852 : vector<16x1xi32> to vector<16xi32>
        %parallel_loop3A_1854 = tpu.dynamic_gather %gather3A_1660[%parallel_loop3A_1853] in [0] : vector<16xf32>, vector<16xi32> -> vector<16xf32>
        %parallel_loop3A_1855 = arith.addf %parallel_loop3A_1851, %parallel_loop3A_1854 : vector<16xf32>
        %parallel_loop3A_1856 = arith.index_cast %parallel_loop3A_1822 : i32 to index
        %parallel_loop3A_1857 = tpu.vector_load %arg7[%parallel_loop3A_1856] {strides = array<i32>} : memref<32768xf32, #tpu.memory_space<vmem>>, vector<16xf32>,
        tpu.vector_store %arg7[%parallel_loop3A_1856], %parallel_loop3A_1855 {strides = array<i32>} : memref<32768xf32, #tpu.memory_space<vmem>>, vector<16xf32>,
      } {sc.loop_unroll_factor = 8 : i64, sc.parallel_access}
      %add3A_1811 = arith.constant 16384 : i32
      %add3A_1812 = arith.addi %mul3A_2, %add3A_1811 : i32
      %dma_start3A_1813 = arith.constant 1 : i32
      %dma_start3A_1814 = arith.constant 16384 : i32
      %dma_start3A_1815 = tpu.memref_slice %arg7[%dma_start3A_1814] : memref<32768xf32, #tpu.memory_space<vmem>> -> memref<16384xf32, #tpu.memory_space<vmem>>
      %dma_start3A_1816 = tpu.memref_slice %arg5[%add3A_1812] : memref<1048576xf32, #tpu.memory_space<hbm>> -> memref<16384xf32, #tpu.memory_space<hbm>>
      %dma_start3A_1817 = tpu.memref_slice %arg13[%dma_start3A_1813] : memref<2x!tpu.dma_semaphore, #tpu.memory_space<semaphore_mem>> -> memref<1x!tpu.dma_semaphore, #tpu.memory_space<semaphore_mem>>
      %dma_start3A_1818 = tpu.memref_squeeze %dma_start3A_1817 : memref<1x!tpu.dma_semaphore, #tpu.memory_space<semaphore_mem>> -> memref<!tpu.dma_semaphore, #tpu.memory_space<semaphore_mem>>
      %dma_start3A_1819 = tpu.memref_slice %arg5[%add3A_1812] : memref<1048576xf32, #tpu.memory_space<hbm>> -> memref<16384xf32, #tpu.memory_space<hbm>>
      %dma_start3A_1820 = arith.constant 16384 : i32
      %dma_start3A_1821 = tpu.memref_slice %arg7[%dma_start3A_1820] : memref<32768xf32, #tpu.memory_space<vmem>> -> memref<16384xf32, #tpu.memory_space<vmem>>
      tpu.enqueue_dma source(%dma_start3A_1821 : memref<16384xf32, #tpu.memory_space<vmem>>) target(%dma_start3A_1819 : memref<16384xf32, #tpu.memory_space<hbm>>) target_semaphore(%dma_start3A_1818 : memref<!tpu.dma_semaphore, #tpu.memory_space<semaphore_mem>>)
    }
    %add3A_1757 = arith.constant 0 : i32
    %add3A_1758 = arith.addi %mul3A_2, %add3A_1757 : i32
    %dma_wait3A_1759 = arith.constant 0 : i32
    %dma_wait3A_1760 = arith.constant 0 : i32
    %dma_wait3A_1761 = tpu.memref_slice %arg7[%dma_wait3A_1760] : memref<32768xf32, #tpu.memory_space<vmem>> -> memref<16384xf32, #tpu.memory_space<vmem>>
    %dma_wait3A_1762 = tpu.memref_slice %arg5[%add3A_1758] : memref<1048576xf32, #tpu.memory_space<hbm>> -> memref<16384xf32, #tpu.memory_space<hbm>>
    %dma_wait3A_1763 = tpu.memref_slice %arg13[%dma_wait3A_1759] : memref<2x!tpu.dma_semaphore, #tpu.memory_space<semaphore_mem>> -> memref<1x!tpu.dma_semaphore, #tpu.memory_space<semaphore_mem>>
    %dma_wait3A_1764 = tpu.memref_squeeze %dma_wait3A_1763 : memref<1x!tpu.dma_semaphore, #tpu.memory_space<semaphore_mem>> -> memref<!tpu.dma_semaphore, #tpu.memory_space<semaphore_mem>>
    %dma_wait3A_1765 = tpu.memref_slice %arg5[%add3A_1758] : memref<1048576xf32, #tpu.memory_space<hbm>> -> memref<16384xf32, #tpu.memory_space<hbm>>
    %dma_wait3A_1766 = arith.constant 0 : i32
    %dma_wait3A_1767 = tpu.memref_slice %arg7[%dma_wait3A_1766] : memref<32768xf32, #tpu.memory_space<vmem>> -> memref<16384xf32, #tpu.memory_space<vmem>>
    tpu.wait_dma2 semaphore(%dma_wait3A_1764 : memref<!tpu.dma_semaphore, #tpu.memory_space<semaphore_mem>>) src(%dma_wait3A_1767 : memref<16384xf32, #tpu.memory_space<vmem>>) dst(%dma_wait3A_1765 : memref<16384xf32, #tpu.memory_space<hbm>>)
    %add3A_1768 = arith.constant 16384 : i32
    %add3A_1769 = arith.addi %mul3A_2, %add3A_1768 : i32
    %dma_wait3A_1770 = arith.constant 1 : i32
    %dma_wait3A_1771 = arith.constant 16384 : i32
    %dma_wait3A_1772 = tpu.memref_slice %arg7[%dma_wait3A_1771] : memref<32768xf32, #tpu.memory_space<vmem>> -> memref<16384xf32, #tpu.memory_space<vmem>>
    %dma_wait3A_1773 = tpu.memref_slice %arg5[%add3A_1769] : memref<1048576xf32, #tpu.memory_space<hbm>> -> memref<16384xf32, #tpu.memory_space<hbm>>
    %dma_wait3A_1774 = tpu.memref_slice %arg13[%dma_wait3A_1770] : memref<2x!tpu.dma_semaphore, #tpu.memory_space<semaphore_mem>> -> memref<1x!tpu.dma_semaphore, #tpu.memory_space<semaphore_mem>>
    %dma_wait3A_1775 = tpu.memref_squeeze %dma_wait3A_1774 : memref<1x!tpu.dma_semaphore, #tpu.memory_space<semaphore_mem>> -> memref<!tpu.dma_semaphore, #tpu.memory_space<semaphore_mem>>
    %dma_wait3A_1776 = tpu.memref_slice %arg5[%add3A_1769] : memref<1048576xf32, #tpu.memory_space<hbm>> -> memref<16384xf32, #tpu.memory_space<hbm>>
    %dma_wait3A_1777 = arith.constant 16384 : i32
    %dma_wait3A_1778 = tpu.memref_slice %arg7[%dma_wait3A_1777] : memref<32768xf32, #tpu.memory_space<vmem>> -> memref<16384xf32, #tpu.memory_space<vmem>>
    tpu.wait_dma2 semaphore(%dma_wait3A_1775 : memref<!tpu.dma_semaphore, #tpu.memory_space<semaphore_mem>>) src(%dma_wait3A_1778 : memref<16384xf32, #tpu.memory_space<vmem>>) dst(%dma_wait3A_1776 : memref<16384xf32, #tpu.memory_space<hbm>>)
    return
  }
}

</mosaic_0001>

<sc_bundles>
// kernel: kernel.3.cloned.1.call-start
scs
__scs_entry_jumppad:
0x0: {  	(pc) =	sbr.rel $0x88, $3  }
0x1: {  	(tag) =	ssettag $0x0;
	lr =	simm.s32 $0x1  }
0x2: {  	[smem:$0x3F9E] =	sst lr;
	_ =	strace $0xD0000000  }
0x3: {  	_ = 	snop  }
0x4: {  	_ = 	snop  }
0x5: {  	_ = 	snop  }
0x6: {  	_ = 	snop  }
0x7: {  	_ = 	snop  }
__scs_overlays_trampoline_lowered:
0x8: {  	[smem:$0x3FAD] =	sst s0  }
0x9: {  	[smem:$0x3FAE] =	sst s1  }
0xa: {  	[smem:$0x3FAF] =	sst s2  }
0xb: {  	[smem:$0x3FB0] =	sst s3  }
0xc: {  	[smem:$0x3FB1] =	sst s4  }
0xd: {  	[smem:$0x3FB2] =	sst s5  }
0xe: {  	[smem:$0x3FB3] =	sst s6  }
0xf: {  	[smem:$0x3FB4] =	sst s7  }
0x10: {  	[smem:$0x3FB5] =	sst s8  }
0x11: {  	[smem:$0x3FB6] =	sst s9;
	s0 =	simm.s32 @!p0 $0x0  }
0x12: {  	s1 =	sld [smem:$0x3F9C];
	s0 =	simm.s32 @p0 $0x1  }
0x13: {  	[smem:$0x3FB7] =	sst s0;
	s0 =	simm.s32 @!p1 $0x0  }
0x14: {  	s2 =	sld [smem:$0x3F9B];
	s0 =	simm.s32 @p1 $0x1  }
0x15: {  	[smem:$0x3FB8] =	sst s0;
	s0 =	simm.s32 @!p2 $0x0  }
0x16: {  	s3 =	sld [smem:$0x3FDB];
	s0 =	simm.s32 @p2 $0x1  }
0x17: {  	s4 =	simm.s32 $0x1BF5;
	[smem:$0x3FBA] =	sst s0  }
0x18: {  	s0 =	sld [smem:$0x3F9D];
	_ =	swait.ge [sflag:s4], $0x0  }
0x19: {  	s7 =	sld [smem:$0x3F9E]  }
0x1a: {  	s8 =	sadd.s32 $0xFFFFE003, lr  }
0x1b: {  	s9 =	sadd.s32 $0xFFFFFEF7, lr;
	s5 =	simm.s32 $0xFFFFFFFF;
	p2 =	slt.u32 s8, $0xFFFFF086  }
0x1c: {  	p1 =	slt.u32 s9, $0xF7A;
	s5 =	simm.s32 @!p2 $0x0  }
0x1d: {  	s5 =	simm.s32 @p1 $0x1;
	p0 =	seq.s32 s7, s2  }
0x1e: {  	s7 =	smul.u32 @!p0 $0xF7A, s2;
	p2 =	seq.s32 @!p0 s5, $0x0  }
0x1f: {  	s9 =	smul.u32 $0xF7A, s1;
	s8 =	simm.s32 @!p0 $0x1BF5;
	p2 =	por !p2, p0  }
0x20: {  	[sflag:s8] =	ssyncset.s32 @!p0 $0xFFFFF086;
	s6 =	sadd.s32 @!p0 s3, s7;
	s7 =	simm.s32 @!p0 $0x108  }
0x21: {  	s3 =	sadd.s32 s3, s9;
	s6 =	sadd.s32 @!p0 $0x88, s6;
	s7 =	simm.s32 @p2 $0x1082  }
0x22: {  	[simem:s7], [sflag:s8] =	dma.local @!p0 [hbm:s6], $0xF7A  }
0x23: {  	s9 =	sor.u32 $0xD0000000, s2;
	s6 =	simm.s32 $0x108;
	_ =	swait.ge @!p0 [sflag:s8], $0x0  }
0x24: {  	s3 =	sadd.s32 $0x88, s3;
	s6 =	simm.s32 @!p1 $0x1082;
	[sflag:s4] =	ssyncset.s32 $0xFFFFF086  }
0x25: {  	[simem:s6], [sflag:s4] =	dma.local [hbm:s3], $0xF7A  }
0x26: {  	[smem:$0x3F9E] =	sst s1;
	(tag) =	ssettag s2;
	_ =	strace s9  }
0x27: {  	s1 =	sld [smem:$0x3FAE]  }
0x28: {  	s2 =	sld [smem:$0x3FAF]  }
0x29: {  	s4 =	sld [smem:$0x3FB1]  }
0x2a: {  	p0 =	seq.s32 s5, $0x0;
	s5 =	sld [smem:$0x3FB2]  }
0x2b: {  	s6 =	sld [smem:$0x3FB3]  }
0x2c: {  	s7 =	sld [smem:$0x3FB4]  }
0x2d: {  	s3 =	simm.s32 $0x108;
	s8 =	sld [smem:$0x3FB5]  }
0x2e: {  	s3 =	simm.s32 @!p0 $0x1082;
	s9 =	sld [smem:$0x3FB6]  }
0x2f: {  	lr =	sadd.s32 s0, s3;
	s0 =	sld [smem:$0x3FAD]  }
0x30: {  	s3 =	sld [smem:$0x3FB0]  }
0x31: {  	[smem:$0x3FB9] =	sst s10  }
0x32: {  	s10 =	sld [smem:$0x3FB7];
	_ =	sdelay $0x3  }
0x33: {  	p0 =	seq.s32 s10, $0x1;
	s10 =	sld [smem:$0x3FB9];
	_ =	sdelay $0x3  }
0x34: {  	[smem:$0x3FB9] =	sst s10  }
0x35: {  	s10 =	sld [smem:$0x3FB8];
	_ =	sdelay $0x3  }
0x36: {  	p1 =	seq.s32 s10, $0x1;
	s10 =	sld [smem:$0x3FB9];
	_ =	sdelay $0x3  }
0x37: {  	[smem:$0x3FB9] =	sst s10  }
0x38: {  	s10 =	sld [smem:$0x3FBA]  }
0x39: {  	_ = 	snop;
	(pc) =	sbr.ind lr, $3  }
0x3a: {  	_ = 	snop  }
0x3b: {  	_ = 	snop  }
0x3c: {  	p2 =	seq.s32 s10, $0x1;
	s10 =	sld [smem:$0x3FB9]  }
0x3d: {  	_ =	shalt  }
0x3e: {  	_ =	shalt  }
0x3f: {  	_ =	shalt  }
0x40: {  	_ =	shalt  }
0x41: {  	_ =	shalt  }
0x42: {  	_ =	shalt  }
0x43: {  	_ =	shalt  }
0x44: {  	_ =	shalt  }
0x45: {  	_ =	shalt  }
0x46: {  	_ =	shalt  }
0x47: {  	_ =	shalt  }
0x48: {  	_ =	shalt  }
0x49: {  	_ =	shalt  }
0x4a: {  	_ =	shalt  }
0x4b: {  	_ =	shalt  }
0x4c: {  	_ =	shalt  }
0x4d: {  	_ =	shalt  }
0x4e: {  	_ =	shalt  }
0x4f: {  	_ =	shalt  }
0x50: {  	_ =	shalt  }
0x51: {  	_ =	shalt  }
0x52: {  	_ =	shalt  }
0x53: {  	_ =	shalt  }
0x54: {  	_ =	shalt  }
0x55: {  	_ =	shalt  }
0x56: {  	_ =	shalt  }
0x57: {  	_ =	shalt  }
0x58: {  	_ =	shalt  }
0x59: {  	_ =	shalt  }
0x5a: {  	_ =	shalt  }
0x5b: {  	_ =	shalt  }
0x5c: {  	_ =	shalt  }
0x5d: {  	_ =	shalt  }
0x5e: {  	_ =	shalt  }
0x5f: {  	_ =	shalt  }
0x60: {  	_ =	shalt  }
0x61: {  	_ =	shalt  }
0x62: {  	_ =	shalt  }
0x63: {  	_ =	shalt  }
0x64: {  	_ =	shalt  }
0x65: {  	_ =	shalt  }
0x66: {  	_ =	shalt  }
0x67: {  	_ =	shalt  }
0x68: {  	_ =	shalt  }
0x69: {  	_ =	shalt  }
0x6a: {  	_ =	shalt  }
0x6b: {  	_ =	shalt  }
0x6c: {  	_ =	shalt  }
0x6d: {  	_ =	shalt  }
0x6e: {  	_ =	shalt  }
0x6f: {  	_ =	shalt  }
0x70: {  	_ =	shalt  }
0x71: {  	_ =	shalt  }
0x72: {  	_ =	shalt  }
0x73: {  	_ =	shalt  }
0x74: {  	_ =	shalt  }
0x75: {  	_ =	shalt  }
0x76: {  	_ =	shalt  }
0x77: {  	_ =	shalt  }
0x78: {  	_ =	shalt  }
0x79: {  	_ =	shalt  }
0x7a: {  	_ =	shalt  }
0x7b: {  	_ =	shalt  }
0x7c: {  	_ =	shalt  }
0x7d: {  	_ =	shalt  }
0x7e: {  	_ =	shalt  }
0x7f: {  	_ =	shalt  }
0x80: {  	_ =	shalt  }
0x81: {  	_ =	shalt  }
0x82: {  	_ =	shalt  }
0x83: {  	_ =	shalt  }
0x84: {  	_ =	shalt  }
0x85: {  	_ =	shalt  }
0x86: {  	_ =	shalt  }
0x87: {  	_ =	shalt  }
.Lfunc_end0:
.L_simem_size_0:
called_computation_lowered:
.L_overlay_start_0:
0x88: {  	s2 =	sld [smem:$0x3FD9]  }
0x89: {  	s3 =	sld [smem:$0x3FFE];
	_ =	sdelay $0x1  }
0x8a: {  	s1 =	srdreg.scid  }
0x8b: {  	s0 =	sand.u32 $0x1, s1  }
0x8c: {  	s18 =	sshll.u32 s0, $0xA;
	s2 =	sadd.s32 s3, s2  }
0x8d: {  	s2 =	sadd.s32 s2, s18  }
0x8e: {  	[smem:$0x3FC5] =	sst s2  }
0x8f: {  	_ = 	snop  }
0x90: {  	s2 =	sld [smem:$0x3FC9]  }
0x91: {  	s19 =	sld [smem:$0x3FC8]  }
0x92: {  	s4 =	sld [smem:$0x3FC7]  }
0x93: {  	s5 =	sld [smem:$0x3FD0];
	(tm) =	ssettm $0x1  }
0x94: {  	s6 =	sld [smem:$0x3FFB];
	_ =	sdelay $0x3  }
0x95: {  	_ =	strace s6  }
0x96: {  	s6 =	sld [smem:$0x3FFC];
	_ =	sdelay $0x3  }
0x97: {  	_ =	strace s6  }
0x98: {  	s6 =	sld [smem:$0x3FFD];
	_ =	sdelay $0x3  }
0x99: {  	_ =	strace s6  }
0x9a: {  	_ =	strace $0x8FFFFFFF  }
0x9b: {  	s20 =	sld [smem:$0x3FDB];
	_ =	sdelay $0x1  }
0x9c: {  	s7 =	simm.s32 $_scs_section_size  }
0x9d: {  	s8 =	simm.s32 $_size__tile_overlayer_lowered;
	s9 =	simm.s32 $_tile_overlayer_lowered  }
0x9e: {  	s23 =	simm.s32 $0x1BFF;
	s22 =	sshll.u32 s9, $0x1;
	s6 =	sadd.s32 s7, s20  }
0x9f: {  	s10 =	simm.s32 $0x0;
	s21 =	sshll.u32 s8, $0x1;
	s8 =	sadd.s32 s22, s6  }
0xa0: {  	[timem:s10], [sflag:s23] =	dma.local [hbm:s8], s21  }
0xa1: {  	_ =	swait.ge [sflag:s23], s21  }
0xa2: {  	s7 =	ssub.s32 $0x0, s21;
	[sflag:s23] =	ssyncset.done $0x0  }
0xa3: {  	[sflag:s23] =	ssyncadd.s32 s7;
	_ =	sdelay $0x1  }
0xa4: {  	s24 =	simm.s32 $0x1B8B  }
0xa5: {  	_ =	swait.ge [sflag:s24], $0x1  }
0xa6: {  	[sflag:s24] =	ssyncset.done $0x0  }
0xa7: {  	s25 =	simm.s32 $0x1B8E;
	[sflag:s24] =	ssyncadd.s32 $0xFFFFFFFF  }
0xa8: {  	s26 =	simm.s32 $execute0_lowered;
	[smem:$0x3FD2] =	sst s25  }
0xa9: {  	s7 =	sshll.u32 s26, $0x1;
	_ =	strace $0x80000046;
	[dreg:$0x1] =	wrdreg $0xFFFFFFFF  }
0xaa: {  	s28 =	simm.s32 $_size_execute0_lowered;
	s6 =	sadd.s32 s6, s7;
	[dreg:$0x0] =	wrdreg $0x0  }
0xab: {  	s7 =	sshll.u32 s28, $0x1;
	[dreg:$0x2] =	wrdreg s6  }
0xac: {  	[dreg:$0x3] =	wrdreg s7  }
0xad: {  	[dreg:$0x4] =	wrdreg $0xC0  }
0xae: {  	_ =	task [dreg:s10], $0x5FFFF  }
0xaf: {  	[dreg:$0x1] =	wrdreg $0xFFFFFFFF  }
0xb0: {  	[dreg:$0x0] =	wrdreg $0x60  }
0xb1: {  	[dreg:$0x2] =	wrdreg s2  }
0xb2: {  	[dreg:$0x3] =	wrdreg s19  }
0xb3: {  	[dreg:$0x4] =	wrdreg s4  }
0xb4: {  	[dreg:$0x5] =	wrdreg s5  }
0xb5: {  	[dreg:$0x6] =	wrdreg $0x9  }
0xb6: {  	_ =	task.clear_ibuf [dreg:s10], $0x7FFFF;
	_ =	strace $0x90000046  }
0xb7: {  	s29 =	simm.s32 $0x9;
	_ =	strace $0x80000048  }
0xb8: {  	_ =	swait.ge [sflag:s29], $0x1  }
0xb9: {  	[sflag:s29] =	ssyncadd.s32 $0xFFFFFFFF  }
0xba: {  	_ =	strace $0x90000048  }
0xbb: {  	_ =	sfence  }
0xbc: {  	s30 =	sld [smem:$0x0];
	_ =	sdelay $0x2  }
0xbd: {  	s31 =	sshll.u32 s1, $0xD;
	s1 =	sshrl.u32 s1, $0x2  }
0xbe: {  	s3 =	sand.u32 $0x4000, s31;
	s1 =	sadd.s32 s1, s30  }
0xbf: {  	s0 =	sor.u32 s3, s0;
	s1 =	sshll.u32 s1, $0x11  }
0xc0: {  	s0 =	sor.u32 s1, s0  }
0xc1: {  	s0 =	sadd.s32 $0x8F2B, s0  }
0xc2: {  	[sflag:s0] =	ssyncadd.remote.s32 $0x1  }
0xc3: {  	_ =	sfence.sel $0xFFFF  }
0xc4: {  	[dreg:$0x0] =	wrdreg $0xFFFFFFFF;
	(pc) =	sbr.abs _section_cstart, $3  }
0xc5: {  	[dreg:$0x1] =	wrdreg $0xFFFFFFFF  }
0xc6: {  	_ =	task.clear_ibuf [dreg:s10], $0x2FFFF;
	_ =	strace $0x9FFFFFFF  }
0xc7: {  	(tm) =	ssettm $0x7FFFFFFF  }
tec
execute0_lowered:
.L_overlay_start_1:
0x0: {  	(tag) =	ssettag $0x1  }
0x1: {  	v0 =	vimm.f32 $1.500000000e+01;
	vm14 =	vcmask $0x300  }
0x2: {  	v1 =	vimm.s32 $0xFFEDCBA9;
	vm13 =	vcmask $0x704;
	vm12 =	vcmask $0xB08  }
0x3: {  	v2 =	vimm.s32 $0x87654321;
	vm11 =	vcmask $0xF0C;
	vm10 =	vcmask $0x1310  }
0x4: {  	vm9 =	vcmask $0x1714;
	vm8 =	vcmask $0x1B18;
	vm7 =	vcmask $0x1F1C  }
0x5: {  	vm6 =	vcmask $0x2320;
	vm5 =	vcmask $0x2724;
	vm4 =	vcmask $0x2B28  }
0x6: {  	v62 =	vlaneseq.u32;
	vm3 =	vcmask $0x2F2C;
	vm2 =	vcmask $0x3330  }
0x7: {  	v3 =	vimm.f32 $3.100000000e+01;
	vm1 =	vcmask $0x3734;
	vm0 =	vcmask $0x3B38  }
0x8: {  	v63 =	vimm.s32 $0x1;
	v7 =	vimm.s32 $0x4;
	v9 =	vimm.s32 $0x6  }
0x9: {  	v11 =	vimm.s32 $0x8;
	v13 =	vimm.s32 $0xA;
	v17 =	vimm.f32 $4.700000000e+01  }
0xa: {  	v22 =	vimm.f32 $6.300000000e+01;
	v23 =	vimm.f32 $9.500000000e+01;
	v24 =	vimm.f32 $1.110000000e+02  }
0xb: {  	v25 =	vimm.f32 $1.270000000e+02;
	v26 =	vimm.s32 $0xEDCBA987;
	v27 =	vimm.s32 $0x65432100  }
0xc: {  	v0 =	vsel vm14, $0x0, v0;
	v1 =	vunpack.c.l.s4.s8 v1;
	v2 =	vunpack.c.l.s4.s8 v2  }
0xd: {  	v3 =	vsel vm14, $0x41800000, v3;
	v17 =	vsel vm14, $0x42000000, v17;
	v23 =	vsel vm14, $0x42A00000, v23  }
0xe: {  	v24 =	vsel vm14, $0x42C00000, v24;
	v25 =	vsel vm14, $0x42E00000, v25;
	v26 =	vunpack.c.l.s4.s8 v26  }
0xf: {  	v27 =	vunpack.c.l.s4.s8 v27;
	v0 =	vsel vm13, $0x3F800000, v0;
	v5 =	vsel vm13, $0x41880000, v3  }
0x10: {  	v19 =	vsel vm13, $0x42040000, v17;
	v17 =	vimm.s32 $0xE;
	v23 =	vsel vm13, $0x42A20000, v23  }
0x11: {  	v24 =	vsel vm13, $0x42C20000, v24;
	v25 =	vsel vm13, $0x42E20000, v25;
	v0 =	vsel vm12, $0x40000000, v0  }
0x12: {  	v1 =	vunpack.c.0.s8.s32 v1;
	v2 =	vunpack.c.0.s8.s32 v2;
	v6 =	vsel vm12, $0x41900000, v5  }
0x13: {  	v19 =	vsel vm12, $0x42080000, v19;
	v23 =	vsel vm12, $0x42A40000, v23;
	v24 =	vsel vm12, $0x42C40000, v24  }
0x14: {  	v25 =	vsel vm12, $0x42E40000, v25;
	v26 =	vunpack.c.0.s8.s32 v26;
	v27 =	vunpack.c.0.s8.s32 v27  }
0x15: {  	v0 =	vsel vm11, $0x40400000, v0;
	v8 =	vsel vm11, $0x41980000, v6;
	v6 =	vimm.s32 $0x3  }
0x16: {  	v19 =	vsel vm11, $0x420C0000, v19;
	v23 =	vsel vm11, $0x42A60000, v23;
	v24 =	vsel vm11, $0x42C60000, v24  }
0x17: {  	v25 =	vsel vm11, $0x42E60000, v25;
	v0 =	vsel vm10, $0x40800000, v0;
	v1 =	vcombine.low v2, v1  }
0x18: {  	v10 =	vsel vm10, $0x41A00000, v8;
	v8 =	vimm.s32 $0x5;
	v21 =	vsel vm10, $0x42100000, v19  }
0x19: {  	v23 =	vsel vm10, $0x42A80000, v23;
	v24 =	vsel vm10, $0x42C80000, v24;
	v25 =	vsel vm10, $0x42E80000, v25  }
0x1a: {  	v26 =	vand.u32 $0xF, v26;
	v0 =	vsel vm9, $0x40A00000, v0;
	v12 =	vsel vm9, $0x41A80000, v10  }
0x1b: {  	v10 =	vimm.s32 $0x7;
	v23 =	vsel vm9, $0x42AA0000, v23;
	v24 =	vsel vm9, $0x42CA0000, v24  }
0x1c: {  	v25 =	vsel vm9, $0x42EA0000, v25;
	v26 =	vcombine.low v27, v26;
	v27 =	vimm.f32 $0.0e+00  }
0x1d: {  	v0 =	vsel vm8, $0x40C00000, v0;
	v14 =	vsel vm8, $0x41B00000, v12;
	v12 =	vimm.s32 $0x9  }
0x1e: {  	v23 =	vsel vm8, $0x42AC0000, v23;
	v24 =	vsel vm8, $0x42CC0000, v24;
	v25 =	vsel vm8, $0x42EC0000, v25  }
0x1f: {  	v0 =	vsel vm7, $0x40E00000, v0;
	v15 =	vsel vm7, $0x41B80000, v14;
	v14 =	vimm.s32 $0xB  }
0x20: {  	v23 =	vsel vm7, $0x42AE0000, v23;
	v24 =	vsel vm7, $0x42CE0000, v24;
	v25 =	vsel vm7, $0x42EE0000, v25  }
0x21: {  	v2 =	vsel vm6, $0x41000000, v0;
	v0 =	vand.u32 $0xF, v1;
	v16 =	vsel vm6, $0x41C00000, v15  }
0x22: {  	v15 =	vimm.s32 $0xC;
	v23 =	vsel vm6, $0x42B00000, v23;
	v24 =	vsel vm6, $0x42D00000, v24  }
0x23: {  	v25 =	vsel vm6, $0x42F00000, v25;
	v2 =	vsel vm5, $0x41100000, v2;
	v18 =	vsel vm5, $0x41C80000, v16  }
0x24: {  	v16 =	vimm.s32 $0xD;
	v23 =	vsel vm5, $0x42B20000, v23;
	v24 =	vsel vm5, $0x42D20000, v24  }
0x25: {  	v25 =	vsel vm5, $0x42F20000, v25;
	v2 =	vsel vm4, $0x41200000, v2;
	v18 =	vsel vm4, $0x41D00000, v18  }
0x26: {  	v23 =	vsel vm4, $0x42B40000, v23;
	v24 =	vsel vm4, $0x42D40000, v24;
	v25 =	vsel vm4, $0x42F40000, v25  }
0x27: {  	v2 =	vsel vm3, $0x41300000, v2;
	v20 =	vsel vm3, $0x41D80000, v18;
	v18 =	vimm.s32 $0xF  }
0x28: {  	v23 =	vsel vm3, $0x42B60000, v23;
	v24 =	vsel vm3, $0x42D60000, v24;
	v25 =	vsel vm3, $0x42F60000, v25  }
0x29: {  	v2 =	vsel vm2, $0x41400000, v2;
	v20 =	vsel vm2, $0x41E00000, v20;
	v23 =	vsel vm2, $0x42B80000, v23  }
0x2a: {  	v24 =	vsel vm2, $0x42D80000, v24;
	v25 =	vsel vm2, $0x42F80000, v25;
	v20 =	vsel vm1, $0x41E80000, v20  }
0x2b: {  	v4 =	vsel vm1, $0x41500000, v2;
	v2 =	vimm.s32 $0x0;
	v19 =	vsel vm0, $0x41F00000, v20  }
0x2c: {  	s6 =	rddreg [dreg:$0x0];
	v20 =	vsel vm9, $0x42140000, v21;
	v21 =	vsel vm14, $0x42400000, v22;
	v22 =	vimm.f32 $7.900000000e+01  }
0x2d: {  	s0 =	rddreg [dreg:$0x1];
	v23 =	vsel vm1, $0x42BA0000, v23;
	v24 =	vsel vm1, $0x42DA0000, v24;
	v22 =	vsel vm14, $0x42800000, v22  }
0x2e: {  	s1 =	rddreg [dreg:$0x2];
	v25 =	vsel vm1, $0x42FA0000, v25;
	v21 =	vsel vm13, $0x42440000, v21;
	v22 =	vsel vm13, $0x42820000, v22  }
0x2f: {  	s8 =	rddreg [dreg:$0x3];
	v3 =	vsel vm0, $0x41600000, v4;
	v21 =	vsel vm12, $0x42480000, v21;
	v22 =	vsel vm12, $0x42840000, v22  }
0x30: {  	s2 =	rddreg [dreg:$0x4];
	v23 =	vsel vm0, $0x42BC0000, v23;
	v21 =	vsel vm11, $0x424C0000, v21;
	v22 =	vsel vm11, $0x42860000, v22  }
0x31: {  	s3 =	simm.s32 $0x0;
	s5 =	srdreg.scid;
	s4 =	stileid.u32;
	v24 =	vsel vm0, $0x42DC0000, v24;
	v21 =	vsel vm10, $0x42500000, v21;
	v22 =	vsel vm10, $0x42880000, v22  }
0x32: {  	s12 =	simm.s32 $0x10180;
	s13 =	simm.s32 $0x5;
	s14 =	simm.s32 $0x6;
	v25 =	vsel vm0, $0x42FC0000, v25;
	v21 =	vsel vm9, $0x42540000, v21;
	v22 =	vsel vm9, $0x428A0000, v22  }
0x33: {  	s15 =	simm.s32 $0x1;
	s16 =	simm.s32 $0x10080;
	s17 =	simm.s32 $0x8000;
	v20 =	vsel vm8, $0x42180000, v20;
	v21 =	vsel vm8, $0x42580000, v21;
	v22 =	vsel vm8, $0x428C0000, v22  }
0x34: {  	s18 =	simm.s32 $0x2;
	s19 =	simm.s32 $0xC000;
	s20 =	simm.s32 $0x3;
	v20 =	vsel vm7, $0x421C0000, v20;
	v21 =	vsel vm7, $0x425C0000, v21;
	v22 =	vsel vm7, $0x428E0000, v22  }
0x35: {  	s21 =	simm.s32 $0x4;
	s22 =	simm.s32 $0x10000;
	s23 =	simm.s32 $0x0;
	v20 =	vsel vm6, $0x42200000, v20;
	v21 =	vsel vm6, $0x42600000, v21;
	v22 =	vsel vm6, $0x42900000, v22  }
0x36: {  	[smem:$0x7FF] =	sst s3;
	s5 =	sand.u32 $0x1, s5;
	s9 =	sshll.u32 s4, $0xD;
	v20 =	vsel vm5, $0x42240000, v20;
	v21 =	vsel vm5, $0x42640000, v21;
	v22 =	vsel vm5, $0x42920000, v22  }
.Ltmp0:
0x37: {  	s7 =	ssub.s32 $0x2, s5;
	s5 =	sshll.u32 s5, $0xC;
	v20 =	vsel vm4, $0x42280000, v20;
	v21 =	vsel vm4, $0x42680000, v21;
	v22 =	vsel vm4, $0x42940000, v22;
	(pc) =	sbr.rel .LBB2_1-.Ltmp0, $4  }
0x38: {  	_ =	strace $0x80000047;
	s10 =	sshrl.u32 s7, $0x1;
	s9 =	sor.u32 s5, s9;
	v20 =	vsel vm3, $0x422C0000, v20;
	v21 =	vsel vm3, $0x426C0000, v21;
	v22 =	vsel vm3, $0x42960000, v22  }
0x39: {  	s10 =	ssub.s32 s7, s10;
	s5 =	sadd.s32 s6, s9;
	s11 =	sor.u32 $0x800, s9;
	v20 =	vsel vm2, $0x42300000, v20;
	v21 =	vsel vm2, $0x42700000, v21;
	v22 =	vsel vm2, $0x42980000, v22  }
0x3a: {  	s7 =	sadd.s32 s8, s9;
	s6 =	sadd.s32 s6, s11;
	s8 =	sadd.s32 s8, s11;
	v20 =	vsel vm1, $0x42340000, v20;
	v21 =	vsel vm1, $0x42740000, v21;
	v22 =	vsel vm1, $0x429A0000, v22  }
0x3b: {  	s9 =	smax.u32 s10, $0x1;
	s10 =	simm.s32 $0x4000;
	s11 =	simm.s32 $0x10100;
	v20 =	vsel vm0, $0x42380000, v20;
	v21 =	vsel vm0, $0x42780000, v21;
	v22 =	vsel vm0, $0x429C0000, v22  }
.LBB2_11:
0x3c: {  	_ =	sdelay $0x1  }
0x3d: {  	v1 =	vperm.xlane v30, v45  }
0x3e: {  	v5 =	vadd.f32 v56, v49;
	v43 =	vperm.xlane v29, v43;
	v58 =	vperm.xlane v30, v50  }
0x3f: {  	v4 =	vld.idx.msk [tilespmem:v51+s16+$0x0], $0xffff;
	v59 =	vperm.xlane v29, v50;
	v60 =	vadd.f32 v53, v47;
	v61 =	vperm.xlane v29, v45  }
0x40: {  	[tilespmem:s24+$0xC010] =	vst v55;
	v62 =	vadd.f32 v54, v48;
	v63 =	vperm.xlane v30, v41;
	v54 =	vperm.xlane v30, v38  }
0x41: {  	v42 =	vld.idx.msk [tilespmem:v42+s16+$0x0], $0xffff;
	v55 =	vperm.xlane v30, v39;
	v1 =	vmul.f32 v1, v37;
	[tilespmem:s24+$0xC020] =	vst v5  }
0x42: {  	v53 =	vadd.f32 v52, v46;
	v5 =	vperm.xlane v30, v40;
	v35 =	vmul.f32 v58, v35;
	[tilespmem:s24+$0xC030] =	vst v60  }
0x43: {  	[tilespmem:s24+$0xC040] =	vst v62;
	v57 =	vadd.f32 v43, v44;
	v32 =	vmul.f32 v63, v32;
	v58 =	vperm.xlane v29, v40  }
0x44: {  	[tilespmem:s24+$0xC050] =	vst v53;
	v28 =	vmul.f32 v55, v28;
	v62 =	vperm.xlane v29, v39;
	v1 =	vadd.f32 v61, v1  }
0x45: {  	v5 =	vmul.f32 v5, v36;
	v35 =	vadd.f32 v59, v35;
	[tilespmem:s24+$0xC060] =	vst v57;
	v61 =	vperm.xlane v29, v38  }
0x46: {  	v28 =	vadd.f32 v62, v28;
	v56 =	vperm.xlane v30, v4;
	[tilespmem:s25+$0xC070] =	vst v1;
	v1 =	vmul.f32 v54, v33  }
0x47: {  	v59 =	vperm.xlane v29, v41;
	v60 =	vperm.xlane v30, v42;
	v5 =	vadd.f32 v58, v5;
	[tilespmem:s25+$0xC000] =	vst v35  }
0x48: {  	v4 =	vperm.xlane v29, v4;
	[tilespmem:s25+$0xC040] =	vst v28;
	v63 =	vmul.f32 v56, v34;
	v1 =	vadd.f32 v61, v1  }
0x49: {  	v29 =	vperm.xlane v29, v42;
	v32 =	vadd.f32 v59, v32;
	[tilespmem:s25+$0xC010] =	vst v5;
	v5 =	vmul.f32 v60, v31  }
0x4a: {  	[tilespmem:s25+$0xC030] =	vst v1;
	v1 =	vadd.f32 v4, v63  }
0x4b: {  	[tilespmem:s25+$0xC020] =	vst v32;
	v4 =	vadd.f32 v29, v5  }
0x4c: {  	[tilespmem:s25+$0xC050] =	vst v1  }
0x4d: {  	v62 =	vlaneseq.u32;
	v63 =	vimm.s32 $0x1;
	[tilespmem:s25+$0xC060] =	vst v4  }
.LBB2_12:
0x4e: {  	[hbm4b:s8+s3] =	stream.linear.scatter [tilespmem:s19], [sflag:$0x4], $0x4000, $0x38;
	[tilespmem:$0x10200] =	vst v63  }
0x4f: {  	s23 =	sadd.s32 $0x1, s23  }
0x50: {  	_ =	swait.ge [sflag:s20], $0x4000;
	p0 =	sne.s32 s23, s9  }
.Ltmp1:
0x51: {  	[sflag:s20] =	ssyncset.done $0x0;
	(pc) =	sbr.rel @!p0 .LBB2_13-.Ltmp1, $4  }
0x52: {  	[sflag:s20] =	ssyncadd.s32 $0xFFFFC000  }
0x53: {  	_ =	swait.ge [sflag:s21], $0x4000  }
0x54: {  	[sflag:s21] =	ssyncset.done $0x0  }
0x55: {  	[sflag:s21] =	ssyncadd.s32 $0xFFFFC000  }
.LBB2_1:
0x56: {  	[tilespmem:s3], [sflag:$0x1] =	stream.linear.gather [hbm4b:s5+s3], $0x4000, $0x38;
	[tilespmem:$0x10200] =	vst v63  }
0x57: {  	_ = 	snop  }
0x58: {  	[tilespmem:s10], [sflag:$0x2] =	stream.linear.gather [hbm4b:s6+s3], $0x4000, $0x38;
	[tilespmem:$0x10200] =	vst v63  }
0x59: {  	_ = 	snop  }
0x5a: {  	[tilespmem:s11], [sflag:$0x5] =	stream.linear.gather [hbm4b:s0+s3], $0x80, $0x38;
	[tilespmem:$0x10200] =	vst v63  }
0x5b: {  	_ = 	snop  }
0x5c: {  	[tilespmem:s12], [sflag:$0x6] =	stream.linear.gather [hbm4b:s1+s3], $0x80, $0x38;
	[tilespmem:$0x10200] =	vst v63  }
0x5d: {  	_ =	swait.ge [sflag:s13], $0x80  }
0x5e: {  	[sflag:s13] =	ssyncset.done $0x0  }
0x5f: {  	[sflag:s13] =	ssyncadd.s32 $0xFFFFFF80  }
0x60: {  	_ =	swait.ge [sflag:s14], $0x80  }
0x61: {  	[sflag:s14] =	ssyncset.done $0x0  }
0x62: {  	[sflag:s14] =	ssyncadd.s32 $0xFFFFFF80  }
0x63: {  	v28 =	vld [tilespmem:$0x10180];
	_ =	sdelay $0x4  }
0x64: {  	v1 =	vimm.s32 $0x2;
	v29 =	vperm.xlane v28, v0;
	v40 =	vperm.xlane v28, v2  }
0x65: {  	v38 =	vperm.xlane v28, v63;
	v39 =	vperm.xlane v28, v1  }
0x66: {  	v42 =	vperm.xlane v28, v6;
	v41 =	vperm.xlane v28, v7  }
0x67: {  	v43 =	vperm.xlane v28, v8;
	v37 =	vperm.xlane v28, v9  }
0x68: {  	v33 =	vperm.xlane v28, v10;
	v34 =	vperm.xlane v28, v11  }
0x69: {  	vm0 =	veq.s32 v62, $0xF;
	v35 =	vperm.xlane v28, v12;
	v36 =	vperm.xlane v28, v13  }
0x6a: {  	v32 =	vperm.xlane v28, v14;
	v54 =	vtrunc.f32 v28;
	v29 =	vsub.f32 v29, v28  }
0x6b: {  	vm1 =	vle.f32 v40, v3;
	vm13 =	vle.f32 v38, v3;
	vm14 =	vle.f32 v39, v3  }
0x6c: {  	vm15 =	vle.f32 v42, v3;
	vm4 =	vle.f32 v41, v3;
	vm5 =	vle.f32 v43, v3  }
0x6d: {  	vm6 =	vle.f32 v37, v3;
	vm7 =	vle.f32 v33, v3;
	vm8 =	vle.f32 v34, v3  }
0x6e: {  	vm9 =	vle.f32 v35, v3;
	vm10 =	vle.f32 v36, v3;
	vm11 =	vle.f32 v32, v3  }
0x6f: {  	v30 =	vsel vm1, $0x1, v2;
	v31 =	vsel vm13, $0x1, v2;
	v45 =	vsel vm5, $0x1, v2  }
0x70: {  	v46 =	vsel vm6, $0x1, v2;
	v47 =	vsel vm7, $0x1, v2;
	v48 =	vsel vm8, $0x1, v2  }
0x71: {  	v49 =	vsel vm9, $0x1, v2;
	v50 =	vsel vm10, $0x1, v2;
	v51 =	vsel vm11, $0x1, v2  }
0x72: {  	vm5 =	vle.f32 v39, v19;
	vm6 =	vle.f32 v42, v19;
	vm7 =	vle.f32 v41, v19  }
0x73: {  	vm8 =	vle.f32 v43, v19;
	vm9 =	vle.f32 v37, v19;
	vm10 =	vle.f32 v33, v19  }
0x74: {  	vm11 =	vle.f32 v34, v19;
	v29 =	vsel vm0, $0x3F800000, v29;
	v30 =	vadd.s32 v30, v31  }
0x75: {  	v31 =	vsel vm14, $0x1, v2;
	v60 =	vsel vm5, $0x1, v2;
	v61 =	vsel vm6, $0x1, v2  }
0x76: {  	v52 =	vsel vm7, $0x1, v2;
	v53 =	vsel vm10, $0x1, v2;
	vm7 =	vle.f32 v40, v20  }
0x77: {  	vm10 =	vle.f32 v42, v20;
	(erf) = vrcp.f32 v29;
	v29 =	vadd.s32 v31, v30  }
0x78: {  	v30 =	vsel vm15, $0x1, v2;
	v31 =	vperm.xlane v28, v15;
	vm15 =	vle.f32 v40, v19  }
0x79: {  	v29 =	vadd.s32 v30, v29;
	v30 =	vsel vm4, $0x1, v2;
	v58 =	vsel vm15, $0x1, v2  }
0x7a: {  	vm4 =	vle.f32 v38, v19;
	v44 =	vadd.s32 v30, v29;
	v30 =	vperm.xlane v28, v16  }
0x7b: {  	vm12 =	vle.f32 v31, v3;
	v29 =	vperm.xlane v28, v17;
	v59 =	vsel vm4, $0x1, v2  }
0x7c: {  	vm15 =	vle.f32 v31, v19;
	v44 =	vadd.s32 v45, v44;
	v55 =	vsel vm12, $0x1, v2  }
0x7d: {  	v45 =	vperm.xlane v28, v18;
	vm12 =	vle.f32 v35, v19;
	vm13 =	vle.f32 v30, v3  }
0x7e: {  	v44 =	vadd.s32 v46, v44;
	vm14 =	vle.f32 v29, v3;
	vm4 =	vle.f32 v30, v19  }
0x7f: {  	vm5 =	vle.f32 v29, v19;
	v56 =	vsel vm13, $0x1, v2;
	v44 =	vadd.s32 v47, v44  }
0x80: {  	v57 =	vsel vm14, $0x1, v2;
	vm13 =	vle.f32 v36, v19;
	vm14 =	vle.f32 v32, v19  }
0x81: {  	vm6 =	vle.f32 v45, v19;
	v44 =	vadd.s32 v48, v44;
	v48 =	vadd.s32 v58, v59  }
0x82: {  	v58 =	vsel vm11, $0x1, v2;
	v59 =	vsel vm13, $0x1, v2;
	vm11 =	vle.f32 v41, v20  }
0x83: {  	vm13 =	vle.f32 v37, v20;
	v44 =	vadd.s32 v49, v44;
	v48 =	vadd.s32 v60, v48  }
0x84: {  	v60 =	vsel vm14, $0x1, v2;
	vm14 =	vle.f32 v33, v20;
	v44 =	vadd.s32 v50, v44  }
0x85: {  	v50 =	vsel vm12, $0x1, v2;
	v48 =	vadd.s32 v61, v48;
	v44 =	vadd.s32 v51, v44  }
0x86: {  	v61 =	vsel vm15, $0x1, v2;
	vm12 =	vle.f32 v43, v20;
	v44 =	vadd.s32 v55, v44  }
0x87: {  	vm15 =	vle.f32 v34, v20;
	v48 =	vadd.s32 v52, v48;
	v44 =	vadd.s32 v56, v44  }
0x88: {  	v56 =	vsel vm8, $0x1, v2;
	vm8 =	vle.f32 v38, v20;
	v44 =	vadd.s32 v57, v44  }
0x89: {  	v57 =	vsel vm9, $0x1, v2;
	v46 =	vadd.s32 v56, v48;
	v56 =	vsel vm4, $0x1, v2  }
0x8a: {  	vm9 =	vle.f32 v39, v20;
	vm4 =	vle.f32 v35, v20;
	v46 =	vadd.s32 v57, v46  }
0x8b: {  	v57 =	vsel vm5, $0x1, v2;
	vm5 =	vle.f32 v36, v20;
	v46 =	vadd.s32 v53, v46  }
0x8c: {  	v46 =	vadd.s32 v58, v46;
	v58 =	vsel vm6, $0x1, v2;
	vm6 =	vle.f32 v32, v20  }
0x8d: {  	v46 =	vadd.s32 v50, v46;
	v50 =	vsel vm7, $0x1, v2;
	vm7 =	vle.f32 v31, v20  }
0x8e: {  	v46 =	vadd.s32 v59, v46;
	v59 =	vsel vm8, $0x1, v2;
	vm8 =	vle.f32 v30, v20  }
0x8f: {  	v46 =	vadd.s32 v60, v46;
	v60 =	vsel vm9, $0x1, v2;
	v50 =	vadd.s32 v50, v59  }
0x90: {  	v59 =	vsel vm14, $0x1, v2;
	vm9 =	vle.f32 v29, v20;
	vm14 =	vle.f32 v42, v21  }
0x91: {  	v46 =	vadd.s32 v61, v46;
	v61 =	vsel vm10, $0x1, v2;
	v50 =	vadd.s32 v60, v50  }
0x92: {  	v60 =	vsel vm15, $0x1, v2;
	vm10 =	vle.f32 v45, v20;
	vm15 =	vle.f32 v41, v21  }
0x93: {  	v46 =	vadd.s32 v56, v46;
	v56 =	vsel vm11, $0x1, v2;
	v48 =	vadd.s32 v61, v50  }
0x94: {  	v61 =	vsel vm4, $0x1, v2;
	vm11 =	vle.f32 v40, v21;
	vm4 =	vle.f32 v43, v21  }
0x95: {  	v46 =	vadd.s32 v57, v46;
	v57 =	vsel vm12, $0x1, v2;
	v47 =	vadd.s32 v56, v48  }
0x96: {  	v56 =	vsel vm5, $0x1, v2;
	vm12 =	vle.f32 v38, v21;
	vm5 =	vle.f32 v37, v21  }
0x97: {  	v46 =	vadd.s32 v58, v46;
	v58 =	vsel vm13, $0x1, v2;
	v47 =	vadd.s32 v57, v47  }
0x98: {  	v57 =	vsel vm6, $0x1, v2;
	vm13 =	vle.f32 v39, v21;
	vm6 =	vle.f32 v33, v21  }
0x99: {  	v47 =	vadd.s32 v58, v47;
	v58 =	vsel vm7, $0x1, v2;
	vm7 =	vle.f32 v34, v21  }
0x9a: {  	v47 =	vadd.s32 v59, v47;
	v59 =	vsel vm8, $0x1, v2;
	vm8 =	vle.f32 v35, v21  }
0x9b: {  	v47 =	vadd.s32 v60, v47;
	v60 =	vsel vm9, $0x1, v2;
	vm9 =	vle.f32 v36, v21  }
0x9c: {  	v47 =	vadd.s32 v61, v47;
	v61 =	vsel vm10, $0x1, v2;
	vm10 =	vle.f32 v32, v21  }
0x9d: {  	v47 =	vadd.s32 v56, v47;
	v56 =	vsel vm11, $0x1, v2;
	vm11 =	vle.f32 v31, v21  }
0x9e: {  	v47 =	vadd.s32 v57, v47;
	v57 =	vsel vm12, $0x1, v2;
	vm12 =	vle.f32 v30, v21  }
0x9f: {  	v47 =	vadd.s32 v58, v47;
	v58 =	vsel vm13, $0x1, v2;
	v48 =	vadd.s32 v56, v57  }
0xa0: {  	v56 =	vsel vm5, $0x1, v2;
	v57 =	vsel vm6, $0x1, v2;
	vm13 =	vle.f32 v29, v21  }
0xa1: {  	vm5 =	vle.f32 v39, v22;
	vm6 =	vle.f32 v42, v22;
	v47 =	vadd.s32 v59, v47  }
0xa2: {  	v59 =	vsel vm14, $0x1, v2;
	v48 =	vadd.s32 v58, v48;
	v58 =	vsel vm7, $0x1, v2  }
0xa3: {  	vm14 =	vle.f32 v45, v21;
	vm7 =	vle.f32 v41, v22;
	v47 =	vadd.s32 v60, v47  }
0xa4: {  	v60 =	vsel vm15, $0x1, v2;
	v48 =	vadd.s32 v59, v48;
	v59 =	vsel vm8, $0x1, v2  }
0xa5: {  	vm15 =	vle.f32 v40, v22;
	vm8 =	vle.f32 v43, v22;
	v47 =	vadd.s32 v61, v47  }
0xa6: {  	v61 =	vsel vm4, $0x1, v2;
	v48 =	vadd.s32 v60, v48;
	v60 =	vsel vm9, $0x1, v2  }
0xa7: {  	vm4 =	vle.f32 v38, v22;
	vm9 =	vle.f32 v37, v22;
	v48 =	vadd.s32 v61, v48  }
0xa8: {  	v61 =	vsel vm10, $0x1, v2;
	vm10 =	vle.f32 v33, v22;
	v48 =	vadd.s32 v56, v48  }
0xa9: {  	v56 =	vsel vm11, $0x1, v2;
	vm11 =	vle.f32 v34, v22;
	v48 =	vadd.s32 v57, v48  }
0xaa: {  	v57 =	vsel vm12, $0x1, v2;
	vm12 =	vle.f32 v35, v22;
	v48 =	vadd.s32 v58, v48  }
0xab: {  	v58 =	vsel vm13, $0x1, v2;
	vm13 =	vle.f32 v36, v22;
	v48 =	vadd.s32 v59, v48  }
0xac: {  	v59 =	vsel vm14, $0x1, v2;
	vm14 =	vle.f32 v32, v22;
	v48 =	vadd.s32 v60, v48  }
0xad: {  	v60 =	vsel vm15, $0x1, v2;
	vm15 =	vle.f32 v31, v22;
	v48 =	vadd.s32 v61, v48  }
0xae: {  	v61 =	vsel vm4, $0x1, v2;
	vm4 =	vle.f32 v30, v22;
	v48 =	vadd.s32 v56, v48  }
0xaf: {  	v56 =	vsel vm5, $0x1, v2;
	v49 =	vadd.s32 v60, v61;
	v60 =	vsel vm9, $0x1, v2  }
0xb0: {  	v61 =	vsel vm10, $0x1, v2;
	vm5 =	vle.f32 v29, v22;
	vm9 =	vle.f32 v39, v23  }
0xb1: {  	vm10 =	vle.f32 v42, v23;
	v48 =	vadd.s32 v57, v48;
	v57 =	vsel vm6, $0x1, v2  }
0xb2: {  	v49 =	vadd.s32 v56, v49;
	v56 =	vsel vm11, $0x1, v2;
	vm6 =	vle.f32 v45, v22  }
0xb3: {  	vm11 =	vle.f32 v41, v23;
	v48 =	vadd.s32 v58, v48;
	v58 =	vsel vm7, $0x1, v2  }
0xb4: {  	v49 =	vadd.s32 v57, v49;
	v57 =	vsel vm12, $0x1, v2;
	vm7 =	vle.f32 v40, v23  }
0xb5: {  	vm12 =	vle.f32 v43, v23;
	v48 =	vadd.s32 v59, v48;
	v59 =	vsel vm8, $0x1, v2  }
0xb6: {  	v49 =	vadd.s32 v58, v49;
	v58 =	vsel vm13, $0x1, v2;
	vm8 =	vle.f32 v38, v23  }
0xb7: {  	vm13 =	vle.f32 v37, v23;
	v49 =	vadd.s32 v59, v49;
	v59 =	vsel vm14, $0x1, v2  }
0xb8: {  	vm14 =	vle.f32 v33, v23;
	v49 =	vadd.s32 v60, v49;
	v60 =	vsel vm15, $0x1, v2  }
0xb9: {  	vm15 =	vle.f32 v34, v23;
	v49 =	vadd.s32 v61, v49;
	v61 =	vsel vm4, $0x1, v2  }
0xba: {  	vm4 =	vle.f32 v35, v23;
	v49 =	vadd.s32 v56, v49;
	v56 =	vsel vm5, $0x1, v2  }
0xbb: {  	vm5 =	vle.f32 v36, v23;
	v49 =	vadd.s32 v57, v49;
	v57 =	vsel vm6, $0x1, v2  }
0xbc: {  	vm6 =	vle.f32 v32, v23;
	v49 =	vadd.s32 v58, v49;
	v58 =	vsel vm7, $0x1, v2  }
0xbd: {  	vm7 =	vle.f32 v31, v23;
	v49 =	vadd.s32 v59, v49;
	v59 =	vsel vm8, $0x1, v2  }
0xbe: {  	vm8 =	vle.f32 v30, v23;
	v49 =	vadd.s32 v60, v49;
	v60 =	vsel vm9, $0x1, v2  }
0xbf: {  	v50 =	vadd.s32 v58, v59;
	v58 =	vsel vm13, $0x1, v2;
	v59 =	vsel vm14, $0x1, v2  }
0xc0: {  	vm9 =	vle.f32 v29, v23;
	vm13 =	vle.f32 v39, v24;
	vm14 =	vle.f32 v42, v24  }
0xc1: {  	v49 =	vadd.s32 v61, v49;
	v61 =	vsel vm10, $0x1, v2;
	v50 =	vadd.s32 v60, v50  }
0xc2: {  	v60 =	vsel vm15, $0x1, v2;
	vm10 =	vle.f32 v45, v23;
	vm15 =	vle.f32 v41, v24  }
0xc3: {  	v49 =	vadd.s32 v56, v49;
	v56 =	vsel vm11, $0x1, v2;
	v50 =	vadd.s32 v61, v50  }
0xc4: {  	v61 =	vsel vm4, $0x1, v2;
	vm11 =	vle.f32 v40, v24;
	vm4 =	vle.f32 v43, v24  }
0xc5: {  	v49 =	vadd.s32 v57, v49;
	v57 =	vsel vm12, $0x1, v2;
	v50 =	vadd.s32 v56, v50  }
0xc6: {  	v56 =	vsel vm5, $0x1, v2;
	vm12 =	vle.f32 v38, v24;
	vm5 =	vle.f32 v37, v24  }
0xc7: {  	v50 =	vadd.s32 v57, v50;
	v57 =	vsel vm6, $0x1, v2;
	vm6 =	vle.f32 v33, v24  }
0xc8: {  	v50 =	vadd.s32 v58, v50;
	v58 =	vsel vm7, $0x1, v2;
	vm7 =	vle.f32 v34, v24  }
0xc9: {  	v50 =	vadd.s32 v59, v50;
	v59 =	vsel vm8, $0x1, v2;
	vm8 =	vle.f32 v35, v24  }
0xca: {  	v50 =	vadd.s32 v60, v50;
	v60 =	vsel vm9, $0x1, v2;
	vm9 =	vle.f32 v36, v24  }
0xcb: {  	v50 =	vadd.s32 v61, v50;
	v61 =	vsel vm10, $0x1, v2;
	vm10 =	vle.f32 v32, v24  }
0xcc: {  	v50 =	vadd.s32 v56, v50;
	v56 =	vsel vm11, $0x1, v2;
	vm11 =	vle.f32 v31, v24  }
0xcd: {  	v50 =	vadd.s32 v57, v50;
	v57 =	vsel vm12, $0x1, v2;
	vm12 =	vle.f32 v30, v24  }
0xce: {  	v50 =	vadd.s32 v58, v50;
	v58 =	vsel vm13, $0x1, v2;
	v51 =	vadd.s32 v56, v57  }
0xcf: {  	v56 =	vsel vm5, $0x1, v2;
	v57 =	vsel vm6, $0x1, v2;
	vm13 =	vle.f32 v29, v24  }
0xd0: {  	vm5 =	vle.f32 v42, v25;
	vm6 =	vle.f32 v41, v25;
	v50 =	vadd.s32 v59, v50  }
0xd1: {  	v59 =	vsel vm14, $0x1, v2;
	v51 =	vadd.s32 v58, v51;
	v58 =	vsel vm7, $0x1, v2  }
0xd2: {  	v50 =	vadd.s32 v60, v50;
	v60 =	vsel vm15, $0x1, v2;
	v51 =	vadd.s32 v59, v51  }
0xd3: {  	v50 =	vadd.s32 v61, v50;
	v61 =	vsel vm4, $0x1, v2;
	v51 =	vadd.s32 v60, v51  }
0xd4: {  	vm14 =	vle.f32 v40, v25;
	v53 =	vsel vm5, $0x1, v2;
	v51 =	vadd.s32 v61, v51  }
0xd5: {  	v41 =	vsel vm6, $0x1, v2;
	vm7 =	vle.f32 v43, v25;
	v51 =	vadd.s32 v56, v51  }
0xd6: {  	vm5 =	vle.f32 v31, v25;
	vm6 =	vle.f32 v30, v25;
	v51 =	vadd.s32 v57, v51  }
0xd7: {  	v59 =	vsel vm8, $0x1, v2;
	vm15 =	vle.f32 v38, v25;
	v51 =	vadd.s32 v58, v51  }
0xd8: {  	v55 =	vsel vm7, $0x1, v2;
	v60 =	vsel vm9, $0x1, v2;
	v51 =	vadd.s32 v59, v51  }
0xd9: {  	vm8 =	veq.f32 v28, v54;
	v61 =	vsel vm10, $0x1, v2;
	v51 =	vadd.s32 v60, v51  }
0xda: {  	[tilespmem:$0x10020] =	vst v47;
	v47 =	vsel vm5, $0x1, v2;
	v56 =	vsel vm11, $0x1, v2;
	v51 =	vadd.s32 v61, v51  }
0xdb: {  	vm4 =	vle.f32 v39, v25;
	v51 =	vadd.s32 v56, v51;
	v56 =	vsel vm8, $0x3F800000, v27  }
0xdc: {  	v57 =	vsel vm12, $0x1, v2;
	v60 =	vsel vm14, $0x1, v2;
	v61 =	vsel vm15, $0x1, v2;
	(xrf0) =	vmin.scan.msk.f32 $0xffff, v56  }
0xdd: {  	v52 =	vsel vm4, $0x1, v2;
	v59 =	vadd.s32 v57, v51;
	v51 =	vadd.s32 v60, v61  }
0xde: {  	vm7 =	vle.f32 v29, v25;
	vm9 =	vle.f32 v45, v3;
	v39 =	vadd.s32 v52, v51  }
0xdf: {  	vm10 =	vle.f32 v37, v25;
	vm11 =	vle.f32 v33, v25;
	v39 =	vadd.s32 v53, v39  }
0xe0: {  	vm12 =	vle.f32 v34, v25;
	v58 =	vsel vm13, $0x1, v2;
	v39 =	vadd.s32 v41, v39  }
0xe1: {  	v38 =	vadd.s32 v58, v59;
	v58 =	vsel vm10, $0x1, v2;
	v39 =	vadd.s32 v55, v39  }
0xe2: {  	v34 =	vsel vm12, $0x1, v2;
	v60 =	vsel vm11, $0x1, v2;
	v59 =	vadd.s32 v58, v39;
	v43, _, _ =	vpop (xrf0)  }
0xe3: {  	vm13 =	vle.f32 v35, v25;
	v33 =	vadd.s32 v60, v59;
	(v2sf) =	vpush v43, $0xF  }
0xe4: {  	[tilespmem:$0x10010] =	vst v46;
	vm14 =	vle.f32 v36, v25;
	v61 =	vsel vm13, $0x1, v2;
	v33 =	vadd.s32 v34, v33  }
0xe5: {  	v30 =	vld [tilespmem:$0x10010];
	vm4 =	vle.f32 v32, v25;
	v39 =	vsel vm14, $0x1, v2;
	v33 =	vadd.s32 v61, v33  }
0xe6: {  	v29 =	vld [tilespmem:$0x10020];
	v46 =	vsel vm4, $0x1, v2;
	vm15 =	vle.f32 v45, v24;
	v33 =	vadd.s32 v39, v33  }
0xe7: {  	[tilespmem:$0x10030] =	vst v48;
	v42 =	vld [tilespmem:$0x10100];
	vm8 =	vle.f32 v45, v25;
	v57 =	vsel vm9, $0x1, v2;
	v31 =	vadd.s32 v46, v33  }
0xe8: {  	[tilespmem:$0x10040] =	vst v49;
	v54 =	vsel vm8, $0x1, v2;
	v51 =	vsel vm6, $0x1, v2;
	v53 =	vld [tilespmem:$0x10030];
	v31 =	vadd.s32 v47, v31  }
0xe9: {  	v52 =	vsel vm7, $0x1, v2;
	v41 =	vsel vm15, $0x1, v2;
	v55 =	vld [tilespmem:$0x10040];
	v31 =	vadd.s32 v51, v31  }
0xea: {  	[tilespmem:$0x10050] =	vst v50;
	vm9 =	vlt.s32 v30, $0xF;
	v34 =	vadd.s32 v41, v38;
	v31 =	vadd.s32 v52, v31  }
0xeb: {  	v56 =	vadd.s32 v57, v44;
	v57 =	vld [tilespmem:$0x10050];
	vm10 =	vlt.s32 v29, $0xF;
	[tilespmem:$0x10060] =	vst v34;
	v31 =	vadd.s32 v54, v31  }
0xec: {  	v37 =	vperm.xlane v42, v0;
	v30 =	vnsel vm9, $0xF, v30;
	v29 =	vnsel vm10, $0xF, v29;
	v59 =	vld [tilespmem:$0x10060];
	[tilespmem:$0x10070] =	vst v31  }
0xed: {  	[tilespmem:$0x10000] =	vst v56;
	v30 =	vadd.s32 $0xFFFFFFFF, v30;
	v29 =	vadd.s32 $0xFFFFFFFF, v29;
	vm11 =	vlt.s32 v53, $0xF;
	v60 =	vld [tilespmem:$0x10070]  }
0xee: {  	[tilespmem:$0x10090] =	vst v30;
	v30 =	vnsel vm11, $0xF, v53;
	vm12 =	vlt.s32 v55, $0xF;
	v31 =	vmin.u32 v56, $0xF  }
0xef: {  	[tilespmem:$0x100A0] =	vst v29;
	v29 =	vadd.s32 $0xFFFFFFFF, v30;
	v30 =	vnsel vm12, $0xF, v55;
	v31 =	vadd.s32 $0xFFFFFFFF, v31  }
0xf0: {  	vm13 =	vlt.s32 v57, $0xF;
	[tilespmem:$0x100B0] =	vst v29;
	v29 =	vadd.s32 $0xFFFFFFFF, v30  }
0xf1: {  	v58 =	vsub.f32 v37, v42;
	v30 =	vnsel vm13, $0xF, v57;
	[tilespmem:$0x100C0] =	vst v29;
	vm14 =	vlt.s32 v59, $0xF  }
0xf2: {  	v29 =	vadd.s32 $0xFFFFFFFF, v30;
	v30 =	vnsel vm14, $0xF, v59;
	[tilespmem:$0x10080] =	vst v31;
	v31 =	vpop (erf);
	vm15 =	vlt.s32 v60, $0xF;
	s24 =	spop (v2sf)  }
0xf3: {  	[tilespmem:$0x100D0] =	vst v29;
	v29 =	vadd.s32 $0xFFFFFFFF, v30;
	v30 =	vmul.f32 v31, v58;
	v61 =	vnsel vm15, $0xF, v60;
	p0 =	sgt.f32 s24, $0.0e+00  }
.Ltmp2:
0xf4: {  	[tilespmem:$0x100E0] =	vst v29;
	v29 =	vadd.s32 $0xFFFFFFFF, v61;
	(pc) =	sbr.rel @!p0 .LBB2_2-.Ltmp2, $4  }
0xf5: {  	[tilespmem:$0x100F0] =	vst v29;
	v29 =	vmul.f32 v30, v28  }
0xf6: {  	_ =	swait.ge [sflag:s15], $0x4000  }
0xf7: {  	[sflag:s15] =	ssyncset.done $0x0;
	v29 =	vsub.f32 v42, v29  }
0xf8: {  	s25 =	simm.s32 $0x40;
	s24 =	simm.s32 $0x8040;
	[sflag:s15] =	ssyncadd.s32 $0xFFFFC000  }
0xf9: {  	v28 =	vld [tilespmem:s25+$0x30]  }
0xfa: {  	v32 =	vld [tilespmem:s25+$0xFFFFFFD0]  }
0xfb: {  	v33 =	vld [tilespmem:s25+$0xFFFFFFE0]  }
0xfc: {  	v38 =	vld [tilespmem:s25+$0xFFFFFFF0]  }
0xfd: {  	v39 =	vld [tilespmem:s25+$0x0]  }
0xfe: {  	v40 =	vld [tilespmem:s25+$0x10];
	v31 =	vtrunc.f32 v28  }
0xff: {  	v34 =	vtrunc.f32 v32;
	v31 =	vcvt.f32.s32 v31  }
0x100: {  	v35 =	vtrunc.f32 v33;
	v34 =	vcvt.f32.s32 v34  }
0x101: {  	v36 =	vtrunc.f32 v38;
	v35 =	vcvt.f32.s32 v35;
	v31 =	vmin.u32 v31, $0x7F  }
0x102: {  	v37 =	vtrunc.f32 v39;
	v36 =	vcvt.f32.s32 v36;
	v34 =	vmin.u32 v34, $0x7F  }
0x103: {  	v41 =	vtrunc.f32 v40;
	v37 =	vcvt.f32.s32 v37;
	v35 =	vmin.u32 v35, $0x7F  }
0x104: {  	v42 =	vld [tilespmem:s25+$0x20];
	v41 =	vcvt.f32.s32 v41;
	v36 =	vmin.u32 v36, $0x7F  }
0x105: {  	v43 =	vld [tilespmem:s25+$0xFFFFFFC0];
	v37 =	vmin.u32 v37, $0x7F  }
0x106: {  	v41 =	vmin.u32 v41, $0x7F;
	v31 =	vld.idx.msk [tilespmem:v31+s16+$0x0], $0xffff  }
0x107: {  	v34 =	vld.idx.msk [tilespmem:v34+s16+$0x0], $0xffff  }
0x108: {  	v50 =	vld.idx.msk [tilespmem:v35+s16+$0x0], $0xffff  }
0x109: {  	v51 =	vld.idx.msk [tilespmem:v36+s16+$0x0], $0xffff  }
0x10a: {  	v59 =	vtrunc.f32 v42;
	v52 =	vld.idx.msk [tilespmem:v37+s16+$0x0], $0xffff  }
0x10b: {  	s31 =	simm.s32 $0xC0;
	v44 =	vcvt.f32.s32 v59;
	v55 =	vld.idx.msk [tilespmem:v41+s16+$0x0], $0xffff  }
0x10c: {  	v37 =	vld [tilespmem:s31+$0x30]  }
0x10d: {  	v60 =	vtrunc.f32 v43;
	v44 =	vmin.u32 v44, $0x7F;
	v36 =	vld [tilespmem:s31+$0xFFFFFFD0]  }
0x10e: {  	v61 =	vcvt.f32.s32 v60;
	v35 =	vld [tilespmem:s31+$0xFFFFFFE0];
	v62 =	vperm.xlane v30, v31  }
0x10f: {  	v45 =	vperm.xlane v30, v34;
	v53 =	vperm.xlane v29, v34  }
0x110: {  	v46 =	vperm.xlane v29, v31;
	v47 =	vperm.xlane v30, v50  }
0x111: {  	v48 =	vperm.xlane v30, v51;
	v56 =	vperm.xlane v30, v55  }
0x112: {  	v58 =	vld.idx.msk [tilespmem:v44+s16+$0x0], $0xffff;
	v59 =	vtrunc.f32 v37;
	v49 =	vtrunc.f32 v36  }
0x113: {  	v31 =	vld [tilespmem:s31+$0xFFFFFFF0];
	v60 =	vtrunc.f32 v35;
	v50 =	vperm.xlane v29, v50  }
0x114: {  	v41 =	vmin.u32 v61, $0x7F;
	v49 =	vcvt.f32.s32 v49;
	v63 =	vmul.f32 v62, v28;
	v28 =	vld [tilespmem:s31+$0x0]  }
0x115: {  	v44 =	vcvt.f32.s32 v60;
	v54 =	vmul.f32 v45, v32;
	v32 =	vld [tilespmem:s31+$0x10]  }
0x116: {  	v45 =	vperm.xlane v30, v52;
	v57 =	vmul.f32 v47, v33;
	v33 =	vld [tilespmem:s31+$0x20]  }
0x117: {  	v47 =	vcvt.f32.s32 v59;
	v52 =	vperm.xlane v29, v52  }
0x118: {  	v49 =	vmin.u32 v49, $0x7F;
	v59 =	vadd.f32 v46, v63;
	v61 =	vtrunc.f32 v31  }
0x119: {  	v41 =	vld.idx.msk [tilespmem:v41+s16+$0x0], $0xffff;
	v47 =	vmin.u32 v47, $0x7F;
	v46 =	vcvt.f32.s32 v61;
	v60 =	vtrunc.f32 v28  }
0x11a: {  	v34 =	vld [tilespmem:s31+$0xFFFFFFC0];
	v44 =	vmin.u32 v44, $0x7F;
	v61 =	vtrunc.f32 v32;
	v60 =	vcvt.f32.s32 v60  }
0x11b: {  	v63 =	vtrunc.f32 v33;
	v61 =	vcvt.f32.s32 v61;
	v62 =	vmin.u32 v46, $0x7F  }
0x11c: {  	v46 =	vmul.f32 v48, v38;
	v48 =	vcvt.f32.s32 v63;
	v60 =	vmin.u32 v60, $0x7F  }
0x11d: {  	v45 =	vmul.f32 v45, v39;
	v38 =	vperm.xlane v30, v58;
	v49 =	vld.idx.msk [tilespmem:v49+s16+$0x0], $0xffff;
	v61 =	vmin.u32 v61, $0x7F  }
0x11e: {  	v47 =	vld.idx.msk [tilespmem:v47+s16+$0x0], $0xffff;
	v63 =	vmin.u32 v48, $0x7F;
	v48 =	vmul.f32 v56, v40;
	v56 =	vperm.xlane v30, v41  }
0x11f: {  	v53 =	vadd.f32 v53, v54;
	v39 =	vtrunc.f32 v34;
	v40 =	vld.idx.msk [tilespmem:v44+s16+$0x0], $0xffff;
	v44 =	vmul.f32 v38, v42  }
0x120: {  	v54 =	vmul.f32 v56, v43;
	v42 =	vld.idx.msk [tilespmem:v62+s16+$0x0], $0xffff;
	v62 =	vperm.xlane v29, v41  }
0x121: {  	v39 =	vcvt.f32.s32 v39;
	[tilespmem:s24+$0xFFFFFFD0] =	vst v53;
	v53 =	vperm.xlane v29, v51;
	v41 =	vld.idx.msk [tilespmem:v60+s16+$0x0], $0xffff  }
0x122: {  	v51 =	vperm.xlane v29, v55;
	v55 =	vadd.f32 v50, v57;
	v38 =	vld.idx.msk [tilespmem:v61+s16+$0x0], $0xffff;
	v54 =	vadd.f32 v62, v54  }
0x123: {  	s26 =	simm.s32 $0x80;
	s28 =	simm.s32 $0x140;
	s25 =	simm.s32 $0x8040;
	[tilespmem:s24+$0x30] =	vst v59;
	v50 =	vperm.xlane v29, v58;
	v43 =	vmin.u32 v39, $0x7F;
	v56 =	vperm.xlane v30, v47;
	v39 =	vld.idx.msk [tilespmem:v63+s16+$0x0], $0xffff  }
.LBB2_8:
0x124: {  	v57 =	vld [tilespmem:s28+$0x30];
	s26 =	sadd.s32 $0x80, s26;
	v58 =	vperm.xlane v30, v49;
	v49 =	vperm.xlane v29, v49;
	[tilespmem:s24+$0xFFFFFFC0] =	vst v54;
	v46 =	vadd.f32 v53, v46  }
0x125: {  	v47 =	vperm.xlane v29, v47;
	v45 =	vadd.f32 v52, v45;
	v53 =	vld [tilespmem:s28+$0xFFFFFFD0];
	p0 =	slt.u32 s26, $0x3F80;
	v37 =	vmul.f32 v56, v37;
	[tilespmem:s24+$0xFFFFFFE0] =	vst v55  }
0x126: {  	v54 =	vperm.xlane v30, v40;
	v55 =	vperm.xlane v30, v42;
	v52 =	vld [tilespmem:s28+$0xFFFFFFE0];
	[tilespmem:s24+$0xFFFFFFF0] =	vst v46;
	v46 =	vadd.f32 v51, v48  }
0x127: {  	v4 =	vmul.f32 v58, v36;
	v51 =	vperm.xlane v30, v41;
	v48 =	vld [tilespmem:s28+$0xFFFFFFF0];
	v1 =	vadd.f32 v47, v37;
	[tilespmem:s24+$0x0] =	vst v45  }
0x128: {  	v5 =	vadd.f32 v50, v44;
	v58 =	vmul.f32 v54, v35;
	v54 =	vperm.xlane v30, v38;
	s24 =	sadd.s32 $0x80, s24;
	v56 =	vld [tilespmem:s28+$0x0];
	[tilespmem:s25+$0x10] =	vst v46  }
0x129: {  	v45 =	vadd.f32 v49, v4;
	v59 =	vperm.xlane v30, v39;
	v50 =	vld [tilespmem:s28+$0x10];
	v44 =	vtrunc.f32 v57;
	[tilespmem:s24+$0x30] =	vst v1;
	v37 =	vmovc v57  }
0x12a: {  	v60 =	vmovc v42;
	v46 =	vtrunc.f32 v53;
	v57 =	vld [tilespmem:s28+$0x20];
	v44 =	vcvt.f32.s32 v44;
	[tilespmem:s25+$0x20] =	vst v5;
	v36 =	vmovc v53;
	v53 =	vmov v40;
	s25 =	smov.u32 s24  }
0x12b: {  	v61 =	vld [tilespmem:s28+$0xFFFFFFC0];
	v40 =	vcvt.f32.s32 v46;
	v42 =	vtrunc.f32 v52;
	[tilespmem:s24+$0xFFFFFFD0] =	vst v45;
	v35 =	vmovc v52;
	v52 =	vmov v41  }
0x12c: {  	v41 =	vcvt.f32.s32 v42;
	v42 =	vtrunc.f32 v48;
	v44 =	vmin.u32 v44, $0x7F;
	v62 =	vld.idx.msk [tilespmem:v43+s16+$0x0], $0xffff  }
0x12d: {  	v40 =	vmin.u32 v40, $0x7F;
	v42 =	vcvt.f32.s32 v42;
	v43 =	vtrunc.f32 v56  }
0x12e: {  	v41 =	vmin.u32 v41, $0x7F;
	v43 =	vcvt.f32.s32 v43;
	v45 =	vtrunc.f32 v50  }
0x12f: {  	v42 =	vmin.u32 v42, $0x7F;
	v45 =	vcvt.f32.s32 v45;
	v46 =	vtrunc.f32 v57  }
0x130: {  	v47 =	vtrunc.f32 v61;
	v63 =	vmin.u32 v43, $0x7F;
	v43 =	vcvt.f32.s32 v46  }
0x131: {  	v46 =	vmul.f32 v55, v31;
	v31 =	vmovc v48;
	v1 =	vcvt.f32.s32 v47;
	v4 =	vmin.u32 v45, $0x7F;
	v47 =	vld.idx.msk [tilespmem:v44+s16+$0x0], $0xffff  }
0x132: {  	v55 =	vperm.xlane v30, v62;
	v45 =	vmul.f32 v51, v28;
	v28 =	vmovc v56;
	v49 =	vld.idx.msk [tilespmem:v40+s16+$0x0], $0xffff;
	v5 =	vmin.u32 v43, $0x7F  }
.Ltmp3:
0x133: {  	v48 =	vmul.f32 v54, v32;
	v32 =	vmovc v50;
	v44 =	vmul.f32 v59, v33;
	v43 =	vmin.u32 v1, $0x7F;
	v40 =	vld.idx.msk [tilespmem:v41+s16+$0x0], $0xffff;
	(pc) =	sbr.rel @p0 .LBB2_8-.Ltmp3, $4  }
0x134: {  	v50 =	vperm.xlane v29, v62;
	v33 =	vmovc v57;
	v1 =	vmul.f32 v55, v34;
	v34 =	vmov v61;
	v42 =	vld.idx.msk [tilespmem:v42+s16+$0x0], $0xffff  }
0x135: {  	v55 =	vperm.xlane v29, v53;
	v53 =	vperm.xlane v29, v60;
	v41 =	vld.idx.msk [tilespmem:v63+s16+$0x0], $0xffff  }
0x136: {  	v52 =	vperm.xlane v29, v52;
	v51 =	vperm.xlane v29, v38;
	v54 =	vadd.f32 v50, v1;
	v38 =	vld.idx.msk [tilespmem:v4+s16+$0x0], $0xffff  }
0x137: {  	s28 =	sadd.s32 $0x80, s28;
	v55 =	vadd.f32 v55, v58;
	v50 =	vperm.xlane v29, v39;
	v56 =	vperm.xlane v30, v47;
	v39 =	vld.idx.msk [tilespmem:v5+s16+$0x0], $0xffff  }
0x138: {  	_ =	sdelay $0x3  }
0x139: {  	v1 =	vld.idx.msk [tilespmem:v43+s16+$0x0], $0xffff  }
0x13a: {  	v4 =	vperm.xlane v30, v49  }
0x13b: {  	v5 =	vperm.xlane v29, v49;
	v57 =	vperm.xlane v30, v40  }
0x13c: {  	[tilespmem:s24+$0xFFFFFFC0] =	vst v54;
	v54 =	vadd.f32 v53, v46;
	v40 =	vperm.xlane v29, v40;
	v37 =	vmul.f32 v56, v37  }
0x13d: {  	v45 =	vadd.f32 v52, v45;
	v56 =	vperm.xlane v29, v47;
	[tilespmem:s24+$0xFFFFFFE0] =	vst v55;
	v58 =	vperm.xlane v30, v42  }
0x13e: {  	v59 =	vadd.f32 v51, v48;
	v42 =	vperm.xlane v29, v42;
	[tilespmem:s24+$0xFFFFFFF0] =	vst v54;
	v61 =	vperm.xlane v30, v1  }
0x13f: {  	v63 =	vadd.f32 v50, v44;
	v4 =	vmul.f32 v4, v36;
	v60 =	vperm.xlane v30, v41;
	[tilespmem:s24+$0x0] =	vst v45  }
0x140: {  	[tilespmem:s25+$0x10] =	vst v59;
	v37 =	vadd.f32 v56, v37;
	v1 =	vperm.xlane v29, v1;
	v34 =	vmul.f32 v61, v34  }
0x141: {  	s30 =	sadd.s32 $0x80, s24;
	v35 =	vmul.f32 v57, v35;
	v62 =	vperm.xlane v30, v38;
	[tilespmem:s25+$0x20] =	vst v63;
	v4 =	vadd.f32 v5, v4  }
0x142: {  	v31 =	vmul.f32 v58, v31;
	v5 =	vperm.xlane v30, v39;
	[tilespmem:s30+$0x30] =	vst v37;
	v1 =	vadd.f32 v1, v34  }
0x143: {  	v44 =	vadd.f32 v40, v35;
	[tilespmem:s30+$0xFFFFFFD0] =	vst v4;
	v4 =	vmul.f32 v60, v28;
	v28 =	vperm.xlane v29, v41  }
0x144: {  	v45 =	vperm.xlane v29, v38;
	v32 =	vmul.f32 v62, v32;
	[tilespmem:s30+$0xFFFFFFC0] =	vst v1;
	v1 =	vadd.f32 v42, v31  }
0x145: {  	v5 =	vmul.f32 v5, v33;
	[tilespmem:s30+$0xFFFFFFE0] =	vst v44;
	v4 =	vadd.f32 v28, v4;
	v31 =	vperm.xlane v29, v39  }
0x146: {  	[tilespmem:s30+$0xFFFFFFF0] =	vst v1;
	v1 =	vadd.f32 v45, v32  }
0x147: {  	[tilespmem:s30+$0x0] =	vst v4;
	v4 =	vadd.f32 v31, v5  }
0x148: {  	[tilespmem:s30+$0x10] =	vst v1  }
0x149: {  	s31 =	simm.s32 $0x0;
	[tilespmem:s30+$0x20] =	vst v4  }
0x14a: {  	[hbm4b:s7+s31] =	stream.linear.scatter [tilespmem:s17], [sflag:$0x3], $0x4000, $0x38;
	[tilespmem:$0x10200] =	vst v63  }
0x14b: {  	_ =	swait.ge [sflag:s18], $0x4000  }
0x14c: {  	[sflag:s18] =	ssyncset.done $0x0  }
0x14d: {  	s24 =	simm.s32 $0x0;
	[sflag:s18] =	ssyncadd.s32 $0xFFFFC000  }
0x14e: {  	v1 =	vld [tilespmem:s24+$0x4070]  }
0x14f: {  	v4 =	vld [tilespmem:s24+$0x4000]  }
0x150: {  	v5 =	vld [tilespmem:s24+$0x4010]  }
0x151: {  	v38 =	vld [tilespmem:s24+$0x4020]  }
0x152: {  	v39 =	vld [tilespmem:s24+$0x4030]  }
0x153: {  	v40 =	vld [tilespmem:s24+$0x4040];
	v28 =	vtrunc.f32 v1  }
0x154: {  	v31 =	vtrunc.f32 v4;
	v28 =	vcvt.f32.s32 v28  }
0x155: {  	v46 =	vtrunc.f32 v5;
	v31 =	vcvt.f32.s32 v31  }
0x156: {  	v47 =	vtrunc.f32 v38;
	v32 =	vcvt.f32.s32 v46;
	v28 =	vmin.u32 v28, $0x7F  }
0x157: {  	v41 =	vld [tilespmem:s24+$0x4050];
	v48 =	vtrunc.f32 v39;
	v33 =	vcvt.f32.s32 v47;
	v31 =	vmin.u32 v31, $0x7F  }
0x158: {  	s25 =	simm.s32 $0x80;
	v42 =	vld [tilespmem:s24+$0x4060];
	v49 =	vtrunc.f32 v40;
	v34 =	vcvt.f32.s32 v48;
	v32 =	vmin.u32 v32, $0x7F  }
0x159: {  	v37 =	vld [tilespmem:s25+$0x4070];
	v35 =	vcvt.f32.s32 v49;
	v33 =	vmin.u32 v33, $0x7F  }
0x15a: {  	v36 =	vld [tilespmem:s25+$0x4010];
	v34 =	vmin.u32 v34, $0x7F  }
0x15b: {  	v35 =	vmin.u32 v35, $0x7F;
	v28 =	vld.idx.msk [tilespmem:v28+s16+$0x0], $0xffff  }
0x15c: {  	v31 =	vld.idx.msk [tilespmem:v31+s16+$0x0], $0xffff  }
0x15d: {  	v44 =	vld.idx.msk [tilespmem:v32+s16+$0x0], $0xffff  }
0x15e: {  	v50 =	vtrunc.f32 v41;
	v52 =	vld.idx.msk [tilespmem:v33+s16+$0x0], $0xffff  }
0x15f: {  	v51 =	vtrunc.f32 v42;
	v60 =	vtrunc.f32 v37;
	v53 =	vld.idx.msk [tilespmem:v34+s16+$0x0], $0xffff  }
0x160: {  	v62 =	vtrunc.f32 v36;
	v57 =	vcvt.f32.s32 v51;
	v54 =	vld.idx.msk [tilespmem:v35+s16+$0x0], $0xffff  }
0x161: {  	v49 =	vcvt.f32.s32 v60;
	v55 =	vcvt.f32.s32 v62;
	v35 =	vld [tilespmem:s25+$0x4000]  }
0x162: {  	v32 =	vcvt.f32.s32 v50;
	v58 =	vperm.xlane v30, v28  }
0x163: {  	v59 =	vperm.xlane v30, v31;
	v46 =	vperm.xlane v29, v31  }
0x164: {  	v33 =	vld [tilespmem:s25+$0x4030];
	v48 =	vperm.xlane v29, v28;
	v28 =	vperm.xlane v30, v44  }
0x165: {  	v43 =	vmin.u32 v57, $0x7F;
	v34 =	vld [tilespmem:s25+$0x4050];
	v45 =	vperm.xlane v30, v52;
	v47 =	vperm.xlane v30, v53  }
0x166: {  	v31 =	vmin.u32 v32, $0x7F;
	v32 =	vld [tilespmem:s25+$0x4020];
	v51 =	vperm.xlane v30, v54;
	v61 =	vtrunc.f32 v35  }
0x167: {  	v53 =	vperm.xlane v29, v53;
	v5 =	vmul.f32 v28, v5;
	v28 =	vld [tilespmem:s25+$0x4040]  }
0x168: {  	v54 =	vperm.xlane v29, v54;
	v50 =	vcvt.f32.s32 v61  }
0x169: {  	v61 =	vtrunc.f32 v33;
	v1 =	vmul.f32 v58, v1  }
0x16a: {  	v55 =	vmin.u32 v55, $0x7F;
	v43 =	vld.idx.msk [tilespmem:v43+s16+$0x0], $0xffff;
	v4 =	vmul.f32 v59, v4;
	v56 =	vcvt.f32.s32 v61  }
0x16b: {  	v58 =	vmin.u32 v49, $0x7F;
	v61 =	vtrunc.f32 v34;
	v57 =	vld.idx.msk [tilespmem:v31+s16+$0x0], $0xffff;
	v63 =	vtrunc.f32 v32  }
0x16c: {  	v50 =	vmin.u32 v50, $0x7F;
	v31 =	vld [tilespmem:s25+$0x4060];
	v60 =	vcvt.f32.s32 v63;
	v59 =	vtrunc.f32 v28  }
0x16d: {  	v49 =	vmul.f32 v45, v38;
	v56 =	vmin.u32 v56, $0x7F;
	v59 =	vcvt.f32.s32 v59  }
0x16e: {  	v47 =	vmul.f32 v47, v39;
	v61 =	vcvt.f32.s32 v61;
	v60 =	vmin.u32 v60, $0x7F  }
0x16f: {  	v1 =	vadd.f32 v48, v1;
	v48 =	vmul.f32 v51, v40;
	v40 =	vld.idx.msk [tilespmem:v55+s16+$0x0], $0xffff;
	v59 =	vmin.u32 v59, $0x7F  }
0x170: {  	v51 =	vmin.u32 v61, $0x7F;
	v63 =	vperm.xlane v30, v43;
	v45 =	vld.idx.msk [tilespmem:v58+s16+$0x0], $0xffff;
	v38 =	vperm.xlane v30, v57  }
0x171: {  	[tilespmem:s24+$0xC070] =	vst v1;
	v1 =	vperm.xlane v29, v44;
	v50 =	vld.idx.msk [tilespmem:v50+s16+$0x0], $0xffff;
	v62 =	vtrunc.f32 v31  }
0x172: {  	v4 =	vadd.f32 v46, v4;
	v39 =	vcvt.f32.s32 v62;
	v46 =	vmul.f32 v38, v41;
	v38 =	vld.idx.msk [tilespmem:v56+s16+$0x0], $0xffff  }
0x173: {  	v44 =	vmul.f32 v63, v42;
	v56 =	vperm.xlane v29, v52;
	v41 =	vld.idx.msk [tilespmem:v60+s16+$0x0], $0xffff  }
0x174: {  	s26 =	simm.s32 $0x4080;
	s28 =	simm.s32 $0x400;
	[tilespmem:s24+$0xC000] =	vst v4;
	v55 =	vadd.f32 v1, v5;
	v52 =	vperm.xlane v29, v57;
	v42 =	vmin.u32 v39, $0x7F;
	v39 =	vld.idx.msk [tilespmem:v59+s16+$0x0], $0xffff  }
.LBB2_10:
0x175: {  	s29 =	sshra.s32 s28, $0x2;
	s26 =	sadd.s32 $0x80, s26;
	v1 =	vld.idx.msk [tilespmem:v51+s16+$0x0], $0xffff;
	v4 =	vperm.xlane v30, v45;
	v5 =	vadd.f32 v56, v49;
	v43 =	vperm.xlane v29, v43  }
0x176: {  	v51 =	vperm.xlane v30, v50;
	v50 =	vperm.xlane v29, v50;
	v47 =	vadd.f32 v53, v47;
	v49 =	vld [tilespmem:s29+$0x4070];
	p0 =	slt.u32 s26, $0x7F80;
	[tilespmem:s24+$0xC010] =	vst v55  }
0x177: {  	v53 =	vld [tilespmem:s29+$0x4000];
	v4 =	vmul.f32 v4, v37;
	v37 =	vperm.xlane v29, v45;
	[tilespmem:s24+$0xC020] =	vst v5;
	v5 =	vadd.f32 v54, v48  }
0x178: {  	v46 =	vadd.f32 v52, v46;
	v48 =	vperm.xlane v30, v40;
	v54 =	vperm.xlane v30, v41;
	v45 =	vld [tilespmem:s29+$0x4010];
	[tilespmem:s24+$0xC030] =	vst v47  }
0x179: {  	v52 =	vperm.xlane v30, v38;
	v51 =	vmul.f32 v51, v35;
	v47 =	vld [tilespmem:s29+$0x4020];
	v4 =	vadd.f32 v37, v4;
	[tilespmem:s24+$0xC040] =	vst v5  }
0x17a: {  	v60 =	vadd.f32 v43, v44;
	v55 =	vmul.f32 v48, v36;
	v48 =	vperm.xlane v30, v39;
	v5 =	vld [tilespmem:s29+$0x4030];
	[tilespmem:s24+$0xC050] =	vst v46  }
0x17b: {  	v46 =	vadd.f32 v50, v51;
	v56 =	vperm.xlane v30, v1;
	v44 =	vld [tilespmem:s29+$0x4040];
	v43 =	vtrunc.f32 v49;
	[tilespmem:s25+$0xC070] =	vst v4;
	v37 =	vmovc v49  }
0x17c: {  	v58 =	vmovc v41;
	v4 =	vtrunc.f32 v53;
	v57 =	vld [tilespmem:s29+$0x4050];
	v43 =	vcvt.f32.s32 v43;
	[tilespmem:s24+$0xC060] =	vst v60;
	v35 =	vmovc v53;
	v53 =	vmov v40;
	s24 =	smov.u32 s25;
	s25 =	smov.u32 s29  }
0x17d: {  	v4 =	vcvt.f32.s32 v4;
	v40 =	vtrunc.f32 v45;
	v59 =	vld [tilespmem:s25+$0x4060];
	[tilespmem:s24+$0xC000] =	vst v46;
	v36 =	vmov v45  }
0x17e: {  	v40 =	vcvt.f32.s32 v40;
	v41 =	vtrunc.f32 v47;
	v45 =	vmin.u32 v43, $0x7F;
	v43 =	vld.idx.msk [tilespmem:v42+s16+$0x0], $0xffff  }
0x17f: {  	v4 =	vmin.u32 v4, $0x7F;
	v41 =	vcvt.f32.s32 v41;
	v42 =	vtrunc.f32 v5  }
0x180: {  	v40 =	vmin.u32 v40, $0x7F;
	v42 =	vcvt.f32.s32 v42;
	v46 =	vtrunc.f32 v44  }
0x181: {  	v41 =	vmin.u32 v41, $0x7F;
	v46 =	vcvt.f32.s32 v46;
	v49 =	vtrunc.f32 v57  }
0x182: {  	v60 =	vmin.u32 v42, $0x7F;
	v42 =	vcvt.f32.s32 v49;
	v49 =	vtrunc.f32 v59  }
0x183: {  	v61 =	vmin.u32 v46, $0x7F;
	v46 =	vcvt.f32.s32 v49;
	v45 =	vld.idx.msk [tilespmem:v45+s16+$0x0], $0xffff;
	v49 =	vmul.f32 v54, v32;
	v32 =	vmovc v47  }
.Ltmp4:
0x184: {  	v47 =	vmul.f32 v52, v33;
	v33 =	vmovc v5;
	v50 =	vld.idx.msk [tilespmem:v4+s16+$0x0], $0xffff;
	v51 =	vmin.u32 v42, $0x7F;
	v4 =	vperm.xlane v30, v43;
	(pc) =	sbr.rel @p0 .LBB2_10-.Ltmp4, $4  }
0x185: {  	v48 =	vmul.f32 v48, v28;
	v28 =	vmovc v44;
	v40 =	vld.idx.msk [tilespmem:v40+s16+$0x0], $0xffff;
	v42 =	vmin.u32 v46, $0x7F;
	v46 =	vmul.f32 v56, v34  }
0x186: {  	v5 =	vperm.xlane v29, v53;
	v34 =	vmovc v57;
	v41 =	vld.idx.msk [tilespmem:v41+s16+$0x0], $0xffff;
	v44 =	vmul.f32 v4, v31;
	v31 =	vmov v59  }
0x187: {  	v53 =	vperm.xlane v29, v38;
	v56 =	vperm.xlane v29, v58;
	v38 =	vld.idx.msk [tilespmem:v60+s16+$0x0], $0xffff  }
0x188: {  	s28 =	sadd.s32 $0x200, s28;
	v54 =	vperm.xlane v29, v39;
	v52 =	vperm.xlane v29, v1;
	v55 =	vadd.f32 v5, v55;
	v39 =	vld.idx.msk [tilespmem:v61+s16+$0x0], $0xffff  }
.Ltmp5:
0x189: {  	_ = 	snop;
	(pc) =	sbr.rel .LBB2_11-.Ltmp5, $1  }
0x18a: {  	_ =	sdelay $0x3  }
.LBB2_2:
0x18b: {  	v1 =	vld [tilespmem:s25+$0x20]  }
0x18c: {  	v31 =	vld [tilespmem:s25+$0xFFFFFFF0]  }
0x18d: {  	v36 =	vld [tilespmem:s25+$0xFFFFFFC0]  }
0x18e: {  	v4 =	vld [tilespmem:s25+$0x30];
	_ =	sdelay $0x1  }
0x18f: {  	v33 =	vld [tilespmem:s25+$0xFFFFFFE0];
	v5 =	vtrunc.f32 v1  }
0x190: {  	v32 =	vld [tilespmem:s25+$0xFFFFFFD0];
	v38 =	vtrunc.f32 v31;
	v5 =	vcvt.f32.s32 v5  }
0x191: {  	v34 =	vtrunc.f32 v36;
	v38 =	vcvt.f32.s32 v38  }
0x192: {  	v37 =	vtrunc.f32 v4;
	v35 =	vcvt.f32.s32 v34;
	v34 =	vld [tilespmem:s25+$0x0];
	v5 =	vmin.u32 v5, $0x7F  }
0x193: {  	v37 =	vcvt.f32.s32 v37;
	v38 =	vmin.u32 v38, $0x7F  }
0x194: {  	v40 =	vtrunc.f32 v33;
	v39 =	vmin.u32 v35, $0x7F  }
0x195: {  	v41 =	vtrunc.f32 v32;
	v40 =	vcvt.f32.s32 v40;
	v37 =	vmin.u32 v37, $0x7F;
	v35 =	vld [tilespmem:s25+$0x10]  }
0x196: {  	v41 =	vcvt.f32.s32 v41  }
0x197: {  	v40 =	vmin.u32 v40, $0x7F;
	v42 =	vtrunc.f32 v34;
	v5 =	vld.idx.msk [tilespmem:v5+s22+$0x0], $0xffff  }
0x198: {  	v60 =	vmin.u32 v41, $0x7F;
	v42 =	vcvt.f32.s32 v42;
	v43 =	vld.idx.msk [tilespmem:v38+s22+$0x0], $0xffff  }
0x199: {  	v44 =	vld.idx.msk [tilespmem:v39+s22+$0x0], $0xffff  }
0x19a: {  	v61 =	vld.idx.msk [tilespmem:v37+s22+$0x0], $0xffff;
	v49 =	vtrunc.f32 v35;
	v48 =	vmin.u32 v42, $0x7F  }
0x19b: {  	v50 =	vcvt.f32.s32 v49  }
0x19c: {  	v30 =	vperm.xlane v30, v26;
	v29 =	vperm.xlane v29, v26;
	v40 =	vld.idx.msk [tilespmem:v40+s22+$0x0], $0xffff;
	vm0 =	vlt.s32 v5, $0xF  }
0x19d: {  	v39 =	vld.idx.msk [tilespmem:v60+s22+$0x0], $0xffff;
	v45 =	vmin.u32 v50, $0x7F;
	vm1 =	vlt.s32 v43, $0xF;
	v51 =	vnsel vm0, $0xF, v5  }
0x19e: {  	vm0 =	vlt.s32 v44, $0xF;
	v54 =	vnsel vm1, $0xF, v43;
	v42 =	vperm.xlane v28, v51  }
0x19f: {  	v38 =	vld.idx.msk [tilespmem:v48+s22+$0x0], $0xffff;
	v46 =	vnsel vm0, $0xF, v44;
	vm0 =	vlt.s32 v61, $0xF;
	v48 =	vperm.xlane v28, v54  }
0x1a0: {  	v52 =	vnsel vm0, $0xF, v61;
	v53 =	vperm.xlane v28, v46;
	vm2 =	vge.f32 v1, v42  }
0x1a1: {  	vm0 =	vlt.s32 v40, $0xF;
	v47 =	vperm.xlane v28, v52;
	v55 =	vsel vm2, $0x1, v2  }
0x1a2: {  	v37 =	vld.idx.msk [tilespmem:v45+s22+$0x0], $0xffff;
	vm1 =	vge.f32 v36, v53;
	vm2 =	vlt.s32 v39, $0xF;
	v5 =	vadd.s32 v55, v5  }
0x1a3: {  	v56 =	vnsel vm2, $0xF, v39;
	vm3 =	vge.f32 v4, v47;
	v57 =	vsel vm1, $0x1, v2  }
0x1a4: {  	vm1 =	vlt.s32 v38, $0xF;
	vm2 =	vlt.s32 v5, $0xF;
	v45 =	vadd.s32 v57, v44  }
0x1a5: {  	v58 =	vnsel vm1, $0xF, v38;
	v59 =	vsel vm3, $0x1, v2;
	v47 =	vperm.xlane v28, v56  }
0x1a6: {  	v5 =	vnsel vm2, $0xF, v5;
	v50 =	vperm.xlane v28, v58;
	v41 =	vadd.s32 v59, v61  }
0x1a7: {  	vm2 =	vlt.s32 v37, $0xF;
	v60 =	vperm.xlane v30, v5;
	vm1 =	vlt.s32 v41, $0xF  }
0x1a8: {  	v5 =	vperm.xlane v29, v5;
	v46 =	vnsel vm2, $0xF, v37;
	v41 =	vnsel vm1, $0xF, v41  }
0x1a9: {  	vm2 =	vge.f32 v31, v48;
	v1 =	vmul.f32 v60, v1;
	v61 =	vperm.xlane v30, v41  }
0x1aa: {  	vm1 =	vlt.s32 v45, $0xF;
	v49 =	vsel vm2, $0x1, v2;
	vm2 =	vge.f32 v34, v50  }
0x1ab: {  	s26 =	simm.s32 $0x0;
	s28 =	simm.s32 $0xC0;
	s25 =	simm.s32 $0x8040;
	v48 =	vperm.xlane v29, v41;
	v44 =	vadd.f32 v5, v1;
	v41 =	vmul.f32 v61, v4  }
.LBB2_3:
0x1ac: {  	v1 =	vld [tilespmem:s28+$0xFFFFFFC0];
	s26 =	sadd.s32 $0x80, s26;
	v4 =	vnsel vm1, $0xF, v45;
	vm1 =	vge.f32 v32, v47;
	v5 =	vnsel vm0, $0xF, v40;
	s24 =	sadd.s32 $0x80, s24  }
0x1ad: {  	v43 =	vadd.s32 v49, v43;
	v42 =	vld [tilespmem:s28+$0x20];
	p0 =	slt.u32 s26, $0x3F80;
	v5 =	vperm.xlane v28, v5;
	v45 =	vadd.f32 v48, v41  }
0x1ae: {  	v47 =	vperm.xlane v30, v4;
	v4 =	vperm.xlane v29, v4;
	v48 =	vsel vm2, $0x1, v2;
	v41 =	vld [tilespmem:s28+$0x30]  }
0x1af: {  	vm2 =	vlt.s32 v43, $0xF;
	v49 =	vld [tilespmem:s28+$0x10];
	vm0 =	vge.f32 v33, v5;
	v5 =	vperm.xlane v28, v46;
	[tilespmem:s25+$0x30] =	vst v45  }
0x1b0: {  	v46 =	vmul.f32 v47, v36;
	v47 =	vnsel vm2, $0xF, v43;
	v45 =	vld [tilespmem:s28+$0xFFFFFFE0];
	v52 =	vsel vm0, $0x1, v2  }
0x1b1: {  	v51 =	vperm.xlane v30, v47;
	v43 =	vtrunc.f32 v1;
	v50 =	vld [tilespmem:s28+$0xFFFFFFF0];
	v40 =	vadd.s32 v52, v40;
	[tilespmem:s25+$0x20] =	vst v44;
	v36 =	vmovc v1  }
0x1b2: {  	v4 =	vadd.f32 v4, v46;
	v1 =	vcvt.f32.s32 v43;
	v44 =	vld [tilespmem:s28+$0xFFFFFFD0];
	v43 =	vsel vm1, $0x1, v2  }
0x1b3: {  	vm0 =	vlt.s32 v40, $0xF;
	v46 =	vtrunc.f32 v41;
	v39 =	vadd.s32 v43, v39  }
0x1b4: {  	vm2 =	vge.f32 v35, v5;
	v43 =	vtrunc.f32 v42;
	[tilespmem:s25+$0xFFFFFFC0] =	vst v4;
	vm1 =	vlt.s32 v39, $0xF  }
0x1b5: {  	v40 =	vnsel vm0, $0xF, v40;
	v5 =	vcvt.f32.s32 v43;
	v4 =	vld [tilespmem:s28+$0x0];
	v39 =	vnsel vm1, $0xF, v39  }
0x1b6: {  	v52 =	vsel vm2, $0x1, v2;
	v43 =	vcvt.f32.s32 v46;
	v46 =	vperm.xlane v29, v39  }
0x1b7: {  	v53 =	vtrunc.f32 v50;
	v5 =	vmin.u32 v5, $0x7F;
	v39 =	vperm.xlane v30, v39  }
0x1b8: {  	v1 =	vmin.u32 v1, $0x7F;
	v54 =	vperm.xlane v30, v40;
	v43 =	vmin.u32 v43, $0x7F  }
0x1b9: {  	v38 =	vadd.s32 v48, v38;
	v55 =	vtrunc.f32 v45;
	v53 =	vcvt.f32.s32 v53  }
0x1ba: {  	v37 =	vadd.s32 v52, v37;
	v40 =	vperm.xlane v29, v40;
	v48 =	vtrunc.f32 v4  }
0x1bb: {  	vm0 =	vlt.s32 v38, $0xF;
	v52 =	vtrunc.f32 v44;
	v48 =	vcvt.f32.s32 v48  }
0x1bc: {  	v38 =	vnsel vm0, $0xF, v38;
	v55 =	vcvt.f32.s32 v55;
	v53 =	vmin.u32 v53, $0x7F;
	v5 =	vld.idx.msk [tilespmem:v5+s22+$0x0], $0xffff  }
0x1bd: {  	v56 =	vtrunc.f32 v49;
	v52 =	vcvt.f32.s32 v52;
	v48 =	vmin.u32 v48, $0x7F  }
0x1be: {  	v56 =	vcvt.f32.s32 v56;
	v57 =	vperm.xlane v29, v38;
	v55 =	vmin.u32 v55, $0x7F  }
0x1bf: {  	v38 =	vperm.xlane v30, v38;
	v54 =	vmul.f32 v54, v33;
	v33 =	vmovc v45;
	v52 =	vmin.u32 v52, $0x7F;
	v1 =	vld.idx.msk [tilespmem:v1+s22+$0x0], $0xffff  }
0x1c0: {  	v51 =	vmul.f32 v51, v31;
	vm0 =	vlt.s32 v37, $0xF;
	v31 =	vmovc v50;
	v45 =	vmin.u32 v56, $0x7F;
	v56 =	vld.idx.msk [tilespmem:v43+s22+$0x0], $0xffff  }
0x1c1: {  	v47 =	vperm.xlane v29, v47;
	v37 =	vnsel vm0, $0xF, v37;
	v38 =	vmul.f32 v38, v34;
	v34 =	vmovc v4;
	v43 =	vld.idx.msk [tilespmem:v53+s22+$0x0], $0xffff  }
0x1c2: {  	v50 =	vadd.f32 v40, v54;
	v4 =	vmul.f32 v39, v32;
	v32 =	vmovc v44;
	v53 =	vperm.xlane v30, v37  }
0x1c3: {  	v38 =	vadd.f32 v57, v38;
	v44 =	vperm.xlane v29, v37;
	vm0 =	vlt.s32 v5, $0xF;
	v40 =	vld.idx.msk [tilespmem:v55+s22+$0x0], $0xffff  }
0x1c4: {  	v4 =	vadd.f32 v46, v4;
	v39 =	vld.idx.msk [tilespmem:v52+s22+$0x0], $0xffff;
	v52 =	vnsel vm0, $0xF, v5;
	[tilespmem:s25+$0xFFFFFFE0] =	vst v50;
	v50 =	vmul.f32 v53, v35  }
0x1c5: {  	v46 =	vadd.f32 v47, v51;
	vm0 =	vlt.s32 v1, $0xF;
	v37 =	vld.idx.msk [tilespmem:v45+s22+$0x0], $0xffff;
	v45 =	vperm.xlane v28, v52;
	[tilespmem:s25+$0x0] =	vst v38  }
0x1c6: {  	v35 =	vmovc v49;
	v47 =	vnsel vm0, $0xF, v1;
	vm0 =	vlt.s32 v56, $0xF;
	v38 =	vld.idx.msk [tilespmem:v48+s22+$0x0], $0xffff;
	[tilespmem:s25+$0xFFFFFFD0] =	vst v4;
	v4 =	vadd.f32 v44, v50  }
0x1c7: {  	vm1 =	vlt.s32 v43, $0xF;
	v44 =	vnsel vm0, $0xF, v56;
	vm2 =	vge.f32 v42, v45;
	[tilespmem:s25+$0xFFFFFFF0] =	vst v46  }
0x1c8: {  	v45 =	vperm.xlane v28, v47;
	v46 =	vnsel vm1, $0xF, v43;
	v44 =	vperm.xlane v28, v44;
	[tilespmem:s25+$0x10] =	vst v4;
	s25 =	smov.u32 s24  }
0x1c9: {  	vm0 =	vlt.s32 v40, $0xF;
	v4 =	vperm.xlane v28, v46;
	v46 =	vsel vm2, $0x1, v2  }
0x1ca: {  	vm1 =	vge.f32 v36, v45;
	vm2 =	vlt.s32 v39, $0xF;
	v5 =	vadd.s32 v46, v5  }
0x1cb: {  	vm3 =	vge.f32 v41, v44;
	v46 =	vnsel vm2, $0xF, v39;
	vm2 =	vlt.s32 v5, $0xF  }
0x1cc: {  	v44 =	vsel vm1, $0x1, v2;
	vm1 =	vlt.s32 v38, $0xF;
	v5 =	vnsel vm2, $0xF, v5  }
0x1cd: {  	v45 =	vadd.s32 v44, v1;
	v44 =	vsel vm3, $0x1, v2;
	v1 =	vnsel vm1, $0xF, v38  }
0x1ce: {  	v48 =	vperm.xlane v30, v5;
	v44 =	vadd.s32 v44, v56;
	v1 =	vperm.xlane v28, v1  }
.Ltmp6:
0x1cf: {  	vm2 =	vlt.s32 v37, $0xF;
	v5 =	vperm.xlane v29, v5;
	vm1 =	vlt.s32 v44, $0xF;
	(pc) =	sbr.rel @p0 .LBB2_3-.Ltmp6, $4  }
0x1d0: {  	v47 =	vperm.xlane v28, v46;
	v42 =	vmul.f32 v48, v42;
	v48 =	vnsel vm1, $0xF, v44  }
0x1d1: {  	v46 =	vnsel vm2, $0xF, v37;
	vm1 =	vlt.s32 v45, $0xF;
	v50 =	vperm.xlane v30, v48  }
0x1d2: {  	vm2 =	vge.f32 v31, v4;
	v48 =	vperm.xlane v29, v48;
	v44 =	vadd.f32 v5, v42  }
0x1d3: {  	s28 =	sadd.s32 $0x80, s28;
	v49 =	vsel vm2, $0x1, v2;
	vm2 =	vge.f32 v34, v1;
	v41 =	vmul.f32 v50, v41  }
0x1d4: {  	v1 =	vnsel vm0, $0xF, v40  }
0x1d5: {  	v4 =	vnsel vm1, $0xF, v45;
	vm0 =	vge.f32 v32, v47;
	v5 =	vadd.s32 v49, v43  }
0x1d6: {  	v51 =	vsel vm2, $0x1, v2;
	v1 =	vperm.xlane v28, v1;
	v41 =	vadd.f32 v48, v41  }
0x1d7: {  	v42 =	vperm.xlane v30, v4;
	v4 =	vperm.xlane v29, v4;
	vm2 =	vlt.s32 v5, $0xF  }
0x1d8: {  	v53 =	vsel vm0, $0x1, v2;
	v56 =	vadd.s32 v51, v38;
	v5 =	vnsel vm2, $0xF, v5  }
0x1d9: {  	v39 =	vadd.s32 v53, v39;
	vm1 =	vge.f32 v33, v1;
	v1 =	vperm.xlane v28, v46  }
0x1da: {  	v36 =	vmul.f32 v42, v36;
	v55 =	vperm.xlane v30, v5;
	v52 =	vsel vm1, $0x1, v2  }
0x1db: {  	v5 =	vperm.xlane v29, v5;
	vm1 =	vlt.s32 v39, $0xF;
	v54 =	vadd.s32 v52, v40  }
0x1dc: {  	v4 =	vadd.f32 v4, v36;
	vm2 =	vge.f32 v35, v1;
	v1 =	vnsel vm1, $0xF, v39  }
0x1dd: {  	vm0 =	vlt.s32 v54, $0xF;
	v39 =	vperm.xlane v29, v1;
	v58 =	vsel vm2, $0x1, v2  }
0x1de: {  	v1 =	vperm.xlane v30, v1;
	v57 =	vnsel vm0, $0xF, v54;
	vm0 =	vlt.s32 v56, $0xF  }
0x1df: {  	v37 =	vadd.s32 v58, v37;
	[tilespmem:s25+$0xFFFFFFC0] =	vst v4;
	v4 =	vmul.f32 v55, v31;
	v59 =	vperm.xlane v30, v57  }
0x1e0: {  	v36 =	vnsel vm0, $0xF, v56;
	v38 =	vperm.xlane v29, v57;
	vm0 =	vlt.s32 v37, $0xF  }
0x1e1: {  	v1 =	vmul.f32 v1, v32;
	v60 =	vperm.xlane v30, v36;
	v37 =	vnsel vm0, $0xF, v37  }
0x1e2: {  	[tilespmem:s25+$0x20] =	vst v44;
	v4 =	vadd.f32 v5, v4;
	v61 =	vmul.f32 v59, v33;
	v43 =	vperm.xlane v30, v37  }
0x1e3: {  	[tilespmem:s25+$0x30] =	vst v41;
	v36 =	vperm.xlane v29, v36;
	v1 =	vadd.f32 v39, v1;
	v34 =	vmul.f32 v60, v34  }
0x1e4: {  	v44 =	vperm.xlane v29, v37;
	[tilespmem:s25+$0xFFFFFFF0] =	vst v4;
	v41 =	vadd.f32 v38, v61;
	v45 =	vmul.f32 v43, v35  }
0x1e5: {  	[tilespmem:s25+$0xFFFFFFD0] =	vst v1;
	v31 =	vadd.f32 v36, v34  }
0x1e6: {  	[tilespmem:s25+$0xFFFFFFE0] =	vst v41;
	v1 =	vadd.f32 v44, v45  }
0x1e7: {  	[tilespmem:s25+$0x0] =	vst v31  }
0x1e8: {  	s24 =	simm.s32 $0x0;
	[tilespmem:s25+$0x10] =	vst v1  }
0x1e9: {  	[hbm4b:s7+s24] =	stream.linear.scatter [tilespmem:s17], [sflag:$0x3], $0x4000, $0x38;
	[tilespmem:$0x10200] =	vst v63  }
0x1ea: {  	_ =	swait.ge [sflag:s18], $0x4000  }
0x1eb: {  	[sflag:s18] =	ssyncset.done $0x0  }
0x1ec: {  	s24 =	simm.s32 $0x0;
	[sflag:s18] =	ssyncadd.s32 $0xFFFFC000  }
0x1ed: {  	v37 =	vld [tilespmem:s24+$0x4060]  }
0x1ee: {  	v32 =	vld [tilespmem:s24+$0x4050]  }
0x1ef: {  	v36 =	vld [tilespmem:s24+$0x4020]  }
0x1f0: {  	v34 =	vld [tilespmem:s24+$0x4040]  }
0x1f1: {  	v31 =	vld [tilespmem:s24+$0x4010]  }
0x1f2: {  	v38 =	vld [tilespmem:s24+$0x4030];
	v1 =	vtrunc.f32 v37  }
0x1f3: {  	v4 =	vtrunc.f32 v32;
	v1 =	vcvt.f32.s32 v1  }
0x1f4: {  	v46 =	vtrunc.f32 v36;
	v4 =	vcvt.f32.s32 v4  }
0x1f5: {  	v47 =	vtrunc.f32 v34;
	v48 =	vcvt.f32.s32 v46;
	v1 =	vmin.u32 v1, $0x7F  }
0x1f6: {  	v33 =	vld [tilespmem:s24+$0x4070];
	v49 =	vtrunc.f32 v31;
	v39 =	vcvt.f32.s32 v47;
	v4 =	vmin.u32 v4, $0x7F  }
0x1f7: {  	v35 =	vld [tilespmem:s24+$0x4000];
	v5 =	vtrunc.f32 v38;
	v41 =	vcvt.f32.s32 v49;
	v40 =	vmin.u32 v48, $0x7F  }
0x1f8: {  	v5 =	vcvt.f32.s32 v5;
	v39 =	vmin.u32 v39, $0x7F  }
0x1f9: {  	v52 =	vmin.u32 v41, $0x7F  }
0x1fa: {  	v5 =	vmin.u32 v5, $0x7F;
	v1 =	vld.idx.msk [tilespmem:v1+s22+$0x0], $0xffff  }
0x1fb: {  	v50 =	vtrunc.f32 v33;
	v4 =	vld.idx.msk [tilespmem:v4+s22+$0x0], $0xffff  }
0x1fc: {  	v51 =	vtrunc.f32 v35;
	v42 =	vcvt.f32.s32 v50;
	v41 =	vld.idx.msk [tilespmem:v40+s22+$0x0], $0xffff  }
0x1fd: {  	v43 =	vcvt.f32.s32 v51;
	v40 =	vld.idx.msk [tilespmem:v39+s22+$0x0], $0xffff  }
0x1fe: {  	v42 =	vmin.u32 v42, $0x7F;
	v39 =	vld.idx.msk [tilespmem:v52+s22+$0x0], $0xffff  }
0x1ff: {  	v43 =	vmin.u32 v43, $0x7F;
	v5 =	vld.idx.msk [tilespmem:v5+s22+$0x0], $0xffff;
	_ =	sdelay $0x2  }
0x200: {  	vm0 =	vlt.s32 v1, $0xF  }
0x201: {  	v42 =	vld.idx.msk [tilespmem:v42+s22+$0x0], $0xffff;
	vm1 =	vlt.s32 v4, $0xF;
	vm2 =	vlt.s32 v39, $0xF;
	v53 =	vnsel vm0, $0xF, v1  }
0x202: {  	v44 =	vld.idx.msk [tilespmem:v43+s22+$0x0], $0xffff;
	vm0 =	vlt.s32 v5, $0xF;
	v54 =	vnsel vm1, $0xF, v4;
	v43 =	vnsel vm2, $0xF, v39  }
0x203: {  	v55 =	vperm.xlane v28, v53;
	v56 =	vnsel vm0, $0xF, v5;
	vm0 =	vlt.s32 v41, $0xF  }
0x204: {  	v45 =	vperm.xlane v28, v56;
	v58 =	vnsel vm0, $0xF, v41;
	vm0 =	vlt.s32 v40, $0xF  }
0x205: {  	v57 =	vperm.xlane v28, v54;
	vm1 =	vge.f32 v37, v55;
	v60 =	vnsel vm0, $0xF, v40  }
0x206: {  	vm0 =	vlt.s32 v42, $0xF;
	v59 =	vsel vm1, $0x1, v2;
	vm1 =	vge.f32 v38, v45  }
0x207: {  	v46 =	vadd.s32 v59, v1;
	v1 =	vperm.xlane v28, v58;
	v61 =	vsel vm1, $0x1, v2  }
0x208: {  	v45 =	vperm.xlane v28, v60;
	vm1 =	vge.f32 v32, v57;
	v47 =	vadd.s32 v61, v5  }
0x209: {  	vm2 =	vlt.s32 v46, $0xF;
	vm3 =	vge.f32 v36, v1;
	v1 =	vsel vm1, $0x1, v2  }
0x20a: {  	s26 =	simm.s32 $0x200;
	s25 =	simm.s32 $0x4000;
	vm1 =	vge.f32 v34, v45;
	v48 =	vsel vm3, $0x1, v2;
	v45 =	vadd.s32 v1, v4  }
.LBB2_5:
0x20b: {  	s28 =	sshra.s32 s26, $0x2;
	s25 =	sadd.s32 $0x80, s25;
	vm3 =	vlt.s32 v47, $0xF;
	v1 =	vsel vm1, $0x1, v2;
	v4 =	vnsel vm2, $0xF, v46  }
0x20c: {  	v41 =	vadd.s32 v48, v41;
	v48 =	vnsel vm0, $0xF, v42;
	v5 =	vld [tilespmem:s28+$0x4060];
	p0 =	slt.u32 s25, $0x7F80;
	v46 =	vperm.xlane v30, v4  }
0x20d: {  	vm0 =	vlt.s32 v41, $0xF;
	v47 =	vnsel vm3, $0xF, v47;
	v48 =	vperm.xlane v28, v48;
	v49 =	vld [tilespmem:s28+$0x4070]  }
0x20e: {  	vm1 =	vlt.s32 v44, $0xF;
	v41 =	vnsel vm0, $0xF, v41;
	v51 =	vperm.xlane v30, v47;
	v50 =	vld [tilespmem:s28+$0x4050]  }
0x20f: {  	v4 =	vperm.xlane v29, v4;
	v53 =	vnsel vm1, $0xF, v44;
	vm0 =	vge.f32 v33, v48;
	v52 =	vld [tilespmem:s28+$0x4040]  }
0x210: {  	v53 =	vperm.xlane v28, v53;
	v51 =	vmul.f32 v51, v38;
	v38 =	vsel vm0, $0x1, v2;
	v48 =	vld [tilespmem:s28+$0x4020]  }
0x211: {  	v47 =	vperm.xlane v29, v47;
	v46 =	vmul.f32 v46, v37;
	v42 =	vadd.s32 v38, v42;
	v54 =	vld [tilespmem:s28+$0x4010];
	v37 =	vmovc v5  }
0x212: {  	vm1 =	vlt.s32 v45, $0xF;
	vm0 =	vlt.s32 v42, $0xF;
	v5 =	vld [tilespmem:s28+$0x4000];
	v55 =	vtrunc.f32 v49  }
0x213: {  	v57 =	vperm.xlane v30, v41;
	v47 =	vadd.f32 v47, v51;
	v38 =	vld [tilespmem:s28+$0x4030];
	v56 =	vtrunc.f32 v50  }
0x214: {  	vm2 =	vge.f32 v35, v53;
	v53 =	vperm.xlane v29, v41;
	v51 =	vtrunc.f32 v37  }
0x215: {  	v45 =	vnsel vm1, $0xF, v45;
	v41 =	vcvt.f32.s32 v56;
	v56 =	vmul.f32 v57, v36;
	[tilespmem:s24+$0xC030] =	vst v47;
	v36 =	vmovc v48  }
0x216: {  	v1 =	vadd.s32 v1, v40;
	v47 =	vcvt.f32.s32 v51;
	v48 =	vsel vm2, $0x1, v2  }
0x217: {  	vm1 =	vlt.s32 v1, $0xF;
	v40 =	vtrunc.f32 v52;
	v44 =	vadd.s32 v48, v44  }
0x218: {  	v1 =	vnsel vm1, $0xF, v1;
	v47 =	vmin.u32 v47, $0x7F;
	v48 =	vtrunc.f32 v38  }
0x219: {  	v55 =	vcvt.f32.s32 v55;
	v51 =	vtrunc.f32 v54;
	v41 =	vmin.u32 v41, $0x7F  }
0x21a: {  	v43 =	vperm.xlane v28, v43;
	v4 =	vadd.f32 v4, v46;
	v48 =	vcvt.f32.s32 v48  }
0x21b: {  	v57 =	vperm.xlane v30, v1;
	v46 =	vtrunc.f32 v36;
	vm1 =	vlt.s32 v44, $0xF  }
0x21c: {  	vm2 =	vge.f32 v31, v43;
	v46 =	vcvt.f32.s32 v46;
	v48 =	vmin.u32 v48, $0x7F;
	[tilespmem:s24+$0xC060] =	vst v4  }
0x21d: {  	v42 =	vnsel vm0, $0xF, v42;
	v1 =	vperm.xlane v29, v1;
	v4 =	vtrunc.f32 v5;
	v43 =	vld.idx.msk [tilespmem:v47+s22+$0x0], $0xffff  }
0x21e: {  	v46 =	vmin.u32 v46, $0x7F;
	v4 =	vcvt.f32.s32 v4;
	v47 =	vperm.xlane v29, v45  }
0x21f: {  	v58 =	vperm.xlane v29, v42;
	v40 =	vcvt.f32.s32 v40;
	v44 =	vnsel vm1, $0xF, v44  }
0x220: {  	v60 =	vsel vm2, $0x1, v2;
	v51 =	vcvt.f32.s32 v51;
	v4 =	vmin.u32 v4, $0x7F;
	v59 =	vld.idx.msk [tilespmem:v41+s22+$0x0], $0xffff  }
0x221: {  	v42 =	vperm.xlane v30, v42;
	v40 =	vmin.u32 v40, $0x7F;
	v61 =	vld.idx.msk [tilespmem:v48+s22+$0x0], $0xffff;
	v48 =	vperm.xlane v29, v44  }
0x222: {  	v57 =	vmul.f32 v57, v34;
	v34 =	vmovc v52;
	v51 =	vmin.u32 v51, $0x7F;
	v44 =	vperm.xlane v30, v44  }
0x223: {  	v39 =	vadd.s32 v60, v39;
	v45 =	vperm.xlane v30, v45;
	v41 =	vld.idx.msk [tilespmem:v46+s22+$0x0], $0xffff;
	v46 =	vadd.f32 v53, v56  }
0x224: {  	v52 =	vmin.u32 v55, $0x7F;
	vm0 =	vlt.s32 v39, $0xF;
	v53 =	vmul.f32 v42, v33;
	v33 =	vmovc v49  }
0x225: {  	v1 =	vadd.f32 v1, v57;
	v42 =	vmul.f32 v44, v35;
	v44 =	vmul.f32 v45, v32;
	[tilespmem:s24+$0xC020] =	vst v46  }
0x226: {  	vm2 =	vlt.s32 v43, $0xF;
	v45 =	vnsel vm0, $0xF, v39;
	v32 =	vmovc v50;
	v35 =	vmovc v5;
	vm1 =	vlt.s32 v59, $0xF;
	v40 =	vld.idx.msk [tilespmem:v40+s22+$0x0], $0xffff  }
0x227: {  	v49 =	vperm.xlane v30, v45;
	v46 =	vnsel vm2, $0xF, v43;
	v5 =	vnsel vm1, $0xF, v59;
	[tilespmem:s24+$0xC040] =	vst v1  }
0x228: {  	v44 =	vadd.f32 v47, v44;
	v1 =	vperm.xlane v28, v5;
	v5 =	vadd.f32 v48, v42;
	v39 =	vld.idx.msk [tilespmem:v51+s22+$0x0], $0xffff  }
0x229: {  	v45 =	vperm.xlane v29, v45;
	vm0 =	vlt.s32 v61, $0xF;
	v46 =	vperm.xlane v28, v46;
	v42 =	vld.idx.msk [tilespmem:v52+s22+$0x0], $0xffff  }
0x22a: {  	v47 =	vnsel vm0, $0xF, v61;
	vm1 =	vlt.s32 v41, $0xF;
	[tilespmem:s24+$0xC000] =	vst v5;
	v5 =	vadd.f32 v58, v53  }
0x22b: {  	v48 =	vmul.f32 v49, v31;
	v31 =	vmovc v54;
	v47 =	vperm.xlane v28, v47;
	vm0 =	vge.f32 v37, v46  }
0x22c: {  	v49 =	vnsel vm1, $0xF, v41;
	v46 =	vsel vm0, $0x1, v2;
	vm1 =	vlt.s32 v40, $0xF;
	[tilespmem:s24+$0xC050] =	vst v44  }
0x22d: {  	vm0 =	vge.f32 v38, v47;
	v46 =	vadd.s32 v46, v43;
	v44 =	vnsel vm1, $0xF, v40;
	[tilespmem:s24+$0xC070] =	vst v5  }
.Ltmp7:
0x22e: {  	v43 =	vsel vm0, $0x1, v2;
	v5 =	vperm.xlane v28, v49;
	v49 =	vperm.xlane v28, v44;
	(pc) =	sbr.rel @p0 .LBB2_5-.Ltmp7, $4  }
0x22f: {  	vm1 =	vge.f32 v32, v1;
	vm2 =	vlt.s32 v39, $0xF;
	vm0 =	vlt.s32 v42, $0xF  }
0x230: {  	v1 =	vsel vm1, $0x1, v2;
	vm3 =	vge.f32 v36, v5;
	v44 =	vld.idx.msk [tilespmem:v4+s22+$0x0], $0xffff;
	v4 =	vadd.f32 v45, v48  }
0x231: {  	v47 =	vadd.s32 v43, v61;
	vm1 =	vge.f32 v34, v49;
	v48 =	vsel vm3, $0x1, v2  }
0x232: {  	s26 =	sadd.s32 $0x200, s26;
	v43 =	vnsel vm2, $0xF, v39;
	vm2 =	vlt.s32 v46, $0xF;
	v45 =	vadd.s32 v1, v59;
	[tilespmem:s24+$0xC010] =	vst v4;
	s24 =	smov.u32 s28  }
0x233: {  	vm3 =	vlt.s32 v47, $0xF  }
0x234: {  	v1 =	vsel vm1, $0x1, v2;
	v4 =	vnsel vm2, $0xF, v46;
	v5 =	vadd.s32 v48, v41  }
0x235: {  	v58 =	vnsel vm0, $0xF, v42;
	vm9 =	vlt.s32 v45, $0xF;
	v57 =	vperm.xlane v30, v4  }
0x236: {  	vm6 =	vlt.s32 v5, $0xF;
	v47 =	vnsel vm3, $0xF, v47;
	v46 =	vperm.xlane v28, v58  }
0x237: {  	v4 =	vperm.xlane v29, v4;
	v50 =	vnsel vm9, $0xF, v45;
	v1 =	vadd.s32 v1, v40  }
0x238: {  	vm7 =	vlt.s32 v44, $0xF;
	v5 =	vnsel vm6, $0xF, v5;
	v59 =	vperm.xlane v30, v47  }
0x239: {  	v47 =	vperm.xlane v29, v47;
	vm12 =	vlt.s32 v1, $0xF;
	v53 =	vperm.xlane v29, v50  }
0x23a: {  	v49 =	vnsel vm7, $0xF, v44;
	v37 =	vmul.f32 v57, v37;
	v57 =	vperm.xlane v30, v50  }
0x23b: {  	vm8 =	vge.f32 v33, v46;
	v60 =	vperm.xlane v28, v49;
	v38 =	vmul.f32 v59, v38  }
0x23c: {  	v1 =	vnsel vm12, $0xF, v1;
	v49 =	vperm.xlane v30, v5;
	v5 =	vperm.xlane v29, v5  }
0x23d: {  	v61 =	vsel vm8, $0x1, v2;
	v28 =	vperm.xlane v28, v43;
	v52 =	vperm.xlane v30, v1  }
0x23e: {  	v1 =	vperm.xlane v29, v1;
	v48 =	vadd.s32 v61, v42;
	v4 =	vadd.f32 v4, v37  }
0x23f: {  	vm10 =	vlt.s32 v48, $0xF;
	v38 =	vadd.f32 v47, v38;
	vm11 =	vge.f32 v35, v60  }
0x240: {  	v36 =	vmul.f32 v49, v36;
	vm14 =	vge.f32 v31, v28;
	v51 =	vsel vm11, $0x1, v2  }
0x241: {  	v34 =	vmul.f32 v52, v34;
	v54 =	vsel vm14, $0x1, v2;
	v40 =	vadd.s32 v51, v44  }
0x242: {  	v28 =	vnsel vm10, $0xF, v48;
	v39 =	vadd.s32 v54, v39;
	vm13 =	vlt.s32 v40, $0xF  }
0x243: {  	[tilespmem:s24+$0xC060] =	vst v4;
	v4 =	vmul.f32 v57, v32;
	vm15 =	vlt.s32 v39, $0xF;
	v40 =	vnsel vm13, $0xF, v40  }
0x244: {  	v59 =	vnsel vm15, $0xF, v39;
	v55 =	vperm.xlane v29, v40;
	v40 =	vperm.xlane v30, v40  }
0x245: {  	v56 =	vperm.xlane v30, v28;
	v1 =	vadd.f32 v1, v34;
	v60 =	vperm.xlane v30, v59  }
0x246: {  	[tilespmem:s24+$0xC030] =	vst v38;
	v5 =	vadd.f32 v5, v36;
	v28 =	vperm.xlane v29, v28;
	v58 =	vmul.f32 v40, v35  }
0x247: {  	[tilespmem:s24+$0xC040] =	vst v1;
	v1 =	vadd.f32 v53, v4;
	v4 =	vperm.xlane v29, v59;
	v29 =	vmul.f32 v60, v31  }
.Ltmp8:
0x248: {  	v61 =	vmul.f32 v56, v33;
	[tilespmem:s24+$0xC020] =	vst v5;
	v5 =	vadd.f32 v55, v58;
	(pc) =	sbr.rel .LBB2_12-.Ltmp8, $4  }
0x249: {  	[tilespmem:s24+$0xC050] =	vst v1;
	v1 =	vadd.f32 v4, v29  }
0x24a: {  	[tilespmem:s24+$0xC000] =	vst v5;
	v5 =	vadd.f32 v28, v61  }
0x24b: {  	[tilespmem:s24+$0xC010] =	vst v1  }
0x24c: {  	[tilespmem:s24+$0xC070] =	vst v5  }
.LBB2_13:
0x24d: {  	_ =	sfence.sel $0x180000  }
0x24e: {  	[bflag:$0x0] =	sbarrier.arrive $0xFFFF  }
0x24f: {  	p0 =	sne.s32 s4, $0x0;
	_ =	strace $0x90000047  }
0x250: {  	s0 =	sadd.s32 @!p0 $0x100000, s2;
	[bflag:$0x2] =	sbarrier.arrive $0xFFFF  }
0x251: {  	[sflag:s0] =	ssyncadd.tile.s32 @!p0 $0x1;
	_ =	shalt  }
.Lfunc_end2:
_tile_overlayer_lowered:
.L_overlay_start_2:
0x252: {  	(tag) =	ssettag $0x2  }
0x253: {  	s0 =	rddreg [dreg:$0x0];
	s2 =	stileid.u32  }
0x254: {  	s1 =	rddreg [dreg:$0x1];
	p0 =	sne.s32 s2, $0x0  }
0x255: {  	s3 =	rddreg [dreg:$0x2];
	[bflag:$0x3] =	sbarrier.arrive $0xFFFF;
	s2 =	simm.s32 @!p0 $0x1C07  }
0x256: {  	[timem:s3], [sflag:s2] =	dma.local @!p0 [hbm:s0], s1  }
0x257: {  	s0 =	simm.s32 @!p0 $0x7  }
0x258: {  	_ =	swait.ge @!p0 [sflag:s0], s1  }
0x259: {  	s1 =	ssub.s32 @!p0 $0x0, s1;
	[sflag:s0] =	ssyncset.done @!p0 $0x0  }
0x25a: {  	[sflag:s0] =	ssyncadd.s32 @!p0 s1  }
0x25b: {  	[bflag:$0x3] =	sbarrier.arrive $0xFFFF  }
0x25c: {  	_ =	shalt  }

</sc_bundles>
